<compile_context>
chip_gen: v7x
topology: tpu7x:2x2x1
jax: 0.10.2.dev20260603
libtpu: 0.0.44.dev20260713+nightly
codegen_flags: <defaults>
</compile_context>

<pallas_src>
import functools
import math

import jax
import jax.numpy as jnp
from jax import lax

def _dot(a, b):
    return jax.lax.dot(a, b, precision=jax.lax.Precision.HIGHEST,
                       preferred_element_type=jnp.float32)
from jax.experimental import pallas as pl
from jax.experimental.pallas import tpu as pltpu
from jax.experimental.pallas import tpu_sc as plsc

N = 10000
CH = 256
H = CH // 2
NSEED = 1024
E = 160000
DRAW = 128

_R = 1000
_GRID = N // _R

_K = 128
_NBUF = 2
_TILES = 16
_NPAD = 10240
_EPAD = 163840
_ROWS = _EPAD // _K
_ROWS_PER_TILE = _ROWS // _TILES
_STAGES = 2
_STAGE = _ROWS_PER_TILE // _STAGES
_TPO = _STAGE // _NBUF
_ZROWS = _NPAD // _TILES



def _encode_body(has_id, tf_ref, batch_ref, time_ref, seed_ref, wenc_ref,
                 benc_ref, wt_ref, bt_ref, id_ref, o0_ref, o1_ref):
    x = _dot(tf_ref[...], wenc_ref[...])
    x = x + benc_ref[...]
    col = lax.broadcasted_iota(jnp.int32, (_R, NSEED), 1)
    onehot = (col == batch_ref[...]).astype(jnp.float32)
    seedv = _dot(onehot, seed_ref[...])
    rel = seedv - time_ref[...]
    div = jnp.exp(lax.broadcasted_iota(jnp.int32, (1, H), 1).astype(jnp.float32)
                  * (-math.log(10000.0) / H))
    ang = rel * div
    pe = jnp.concatenate([jnp.sin(ang), jnp.cos(ang)], axis=1)
    x = x + _dot(pe, wt_ref[...])
    x = x + bt_ref[...]
    if has_id:
        rid = pl.program_id(0) * _R + lax.broadcasted_iota(jnp.int32, (_R, 1), 0)
        x = x + jnp.where(rid < NSEED, 1.0, 0.0) * id_ref[...]
    o0_ref[...] = x[:, :H]
    o1_ref[...] = x[:, H:]


def _encode(tf, batch2d, time2d, seed2d, wenc, benc2d, wt, bt2d, id2d, has_id):
    return pl.pallas_call(
        functools.partial(_encode_body, has_id),
        grid=(_GRID,),
        in_specs=[
            pl.BlockSpec((_R, DRAW), lambda i: (i, 0)),
            pl.BlockSpec((_R, 1), lambda i: (i, 0)),
            pl.BlockSpec((_R, 1), lambda i: (i, 0)),
            pl.BlockSpec((NSEED, 1), lambda i: (0, 0)),
            pl.BlockSpec((DRAW, CH), lambda i: (0, 0)),
            pl.BlockSpec((1, CH), lambda i: (0, 0)),
            pl.BlockSpec((CH, CH), lambda i: (0, 0)),
            pl.BlockSpec((1, CH), lambda i: (0, 0)),
            pl.BlockSpec((1, CH), lambda i: (0, 0)),
        ],
        out_specs=[pl.BlockSpec((_R, H), lambda i: (i, 0)),
                   pl.BlockSpec((_R, H), lambda i: (i, 0))],
        out_shape=[jax.ShapeDtypeStruct((N, H), jnp.float32)] * 2,
    )(tf, batch2d, time2d, seed2d, wenc, benc2d, wt, bt2d, id2d)


def _combine_body(relu, x0_ref, x1_ref, a0_ref, a1_ref, ws_ref, wn_ref, b_ref,
                  o0_ref, o1_ref):
    x = jnp.concatenate([x0_ref[...], x1_ref[...]], axis=1)
    a = jnp.concatenate([a0_ref[...], a1_ref[...]], axis=1)
    y = (_dot(x, ws_ref[...])
         + _dot(a, wn_ref[...])
         + b_ref[...])
    if relu:
        y = jnp.maximum(y, 0.0)
    o0_ref[...] = y[:, :H]
    o1_ref[...] = y[:, H:]


def _combine(x0, x1, a0, a1, ws, wn, b2d, relu):
    return pl.pallas_call(
        functools.partial(_combine_body, relu),
        grid=(_GRID,),
        in_specs=[
            pl.BlockSpec((_R, H), lambda i: (i, 0)),
            pl.BlockSpec((_R, H), lambda i: (i, 0)),
            pl.BlockSpec((_R, H), lambda i: (i, 0)),
            pl.BlockSpec((_R, H), lambda i: (i, 0)),
            pl.BlockSpec((CH, CH), lambda i: (0, 0)),
            pl.BlockSpec((CH, CH), lambda i: (0, 0)),
            pl.BlockSpec((1, CH), lambda i: (0, 0)),
        ],
        out_specs=[pl.BlockSpec((_R, H), lambda i: (i, 0)),
                   pl.BlockSpec((_R, H), lambda i: (i, 0))],
        out_shape=[jax.ShapeDtypeStruct((N, H), jnp.float32)] * 2,
    )(x0, x1, a0, a1, ws, wn, b2d)


def _final_body(x0_ref, x1_ref, a0_ref, a1_ref, ws_ref, wn_ref, b_ref,
                wh_ref, bh_ref, o_ref):
    x = jnp.concatenate([x0_ref[...], x1_ref[...]], axis=1)
    a = jnp.concatenate([a0_ref[...], a1_ref[...]], axis=1)
    y = (_dot(x, ws_ref[...])
         + _dot(a, wn_ref[...])
         + b_ref[...])
    o_ref[...] = (_dot(y, wh_ref[...])
                  + bh_ref[...])


def _final(x0, x1, a0, a1, ws, wn, b2d, wh, bh2d):
    return pl.pallas_call(
        _final_body,
        grid=(_GRID,),
        in_specs=[
            pl.BlockSpec((_R, H), lambda i: (i, 0)),
            pl.BlockSpec((_R, H), lambda i: (i, 0)),
            pl.BlockSpec((_R, H), lambda i: (i, 0)),
            pl.BlockSpec((_R, H), lambda i: (i, 0)),
            pl.BlockSpec((CH, CH), lambda i: (0, 0)),
            pl.BlockSpec((CH, CH), lambda i: (0, 0)),
            pl.BlockSpec((1, CH), lambda i: (0, 0)),
            pl.BlockSpec((CH, 1), lambda i: (0, 0)),
            pl.BlockSpec((1, 1), lambda i: (0, 0)),
        ],
        out_specs=pl.BlockSpec((_R, 1), lambda i: (i, 0)),
        out_shape=jax.ShapeDtypeStruct((N, 1), jnp.float32),
    )(x0, x1, a0, a1, ws, wn, b2d, wh, bh2d)



def _segsum_body(src_hbm, dst_hbm, x0_hbm, x1_hbm, z_hbm, out0, out1, *scr):
    c = lax.axis_index("c")
    s = lax.axis_index("s")
    src_v, dst_v = scr[0], scr[1]
    rows = list(scr[2:2 + _NBUF])
    accum = scr[2 + _NBUF]
    gs = list(scr[3 + _NBUF:3 + 2 * _NBUF])
    ss = list(scr[3 + 2 * _NBUF:3 + 3 * _NBUF])

    pltpu.sync_copy(z_hbm, accum.at[pl.ds(s * _ZROWS, _ZROWS)])
    plsc.subcore_barrier()

    def fire_gather(jj, b):
        @pl.when(c == 0)
        def _():
            pltpu.async_copy(x0_hbm.at[src_v.at[jj]], rows[b], gs[b])

        @pl.when(c == 1)
        def _():
            pltpu.async_copy(x1_hbm.at[src_v.at[jj]], rows[b], gs[b])

    def drain_gather(b):
        pltpu.make_async_copy(x0_hbm.at[pl.ds(0, _K)], rows[b], gs[b]).wait()

    def fire_scatter(jj, b):
        pltpu.async_copy(rows[b], accum.at[dst_v.at[jj]], ss[b], add=True)

    def drain_scatter(b):
        pltpu.make_async_copy(rows[b], accum.at[pl.ds(0, _K)], ss[b]).wait()

    for part in range(_STAGES):
        base = s * _ROWS_PER_TILE + part * _STAGE
        pltpu.sync_copy(src_hbm.at[pl.ds(base, _STAGE)], src_v)
        pltpu.sync_copy(dst_hbm.at[pl.ds(base, _STAGE)], dst_v)

        def ring(to, carry):
            for b in range(_NBUF):
                t = to * _NBUF + b

                @pl.when(to > 0)
                def _(b=b):
                    drain_scatter(b)

                fire_gather(t, b)
                if b == 0:
                    @pl.when(to > 0)
                    def _(t=t):
                        drain_gather(_NBUF - 1)
                        fire_scatter(t - 1, _NBUF - 1)
                else:
                    drain_gather(b - 1)
                    fire_scatter(t - 1, b - 1)
            return carry

        lax.fori_loop(0, _TPO, ring, 0)
        drain_gather(_NBUF - 1)
        fire_scatter(_STAGE - 1, _NBUF - 1)
        for b in range(_NBUF):
            drain_scatter(b)

    plsc.subcore_barrier()

    r0 = s * _ZROWS

    @pl.when(c == 0)
    def _():
        pltpu.sync_copy(accum.at[pl.ds(r0, _ZROWS)], out0.at[pl.ds(r0, _ZROWS)])

    @pl.when(c == 1)
    def _():
        pltpu.sync_copy(accum.at[pl.ds(r0, _ZROWS)], out1.at[pl.ds(r0, _ZROWS)])


@functools.lru_cache(maxsize=None)
def _get_segsum():
    mesh = plsc.VectorSubcoreMesh(core_axis_name="c", subcore_axis_name="s")
    return pl.kernel(
        _segsum_body,
        out_type=[jax.ShapeDtypeStruct((_NPAD, H), jnp.float32)] * 2,
        mesh=mesh,
        scratch_types=(
            [pltpu.VMEM((_STAGE, _K), jnp.int32)] * 2
            + [pltpu.VMEM((_K, H), jnp.float32)] * _NBUF
            + [pltpu.VMEM_SHARED((_NPAD, H), jnp.float32)]
            + [pltpu.SemaphoreType.DMA] * (2 * _NBUF)
        ),
    )



def kernel(tf_entity, tf_dst, time_entity, time_dst, seed_time, batch_entity,
           batch_dst, edge_index_e2d, edge_index_d2e, W_enc_e, b_enc_e,
           W_enc_d, b_enc_d, id_emb, W_time_e, b_time_e, W_time_d, b_time_d,
           Ws_d0, Wn_d0, b_d0, Ws_e0, Wn_e0, b_e0, Ws_d1, Wn_d1, b_d1,
           Ws_e1, Wn_e1, b_e1, W_head, b_head):
    batch_e = batch_entity.astype(jnp.int32).reshape(N, 1)
    batch_d = batch_dst.astype(jnp.int32).reshape(N, 1)
    te = time_entity.reshape(N, 1)
    td = time_dst.reshape(N, 1)
    seed2d = seed_time.reshape(NSEED, 1)
    pad_src = jnp.zeros((_EPAD - E,), jnp.int32)
    pad_dst = jnp.full((_EPAD - E,), N, jnp.int32)

    def _edges(ei):
        src = jnp.concatenate([ei[0].astype(jnp.int32), pad_src])
        dst = jnp.concatenate([ei[1].astype(jnp.int32), pad_dst])
        return src.reshape(_ROWS, _K), dst.reshape(_ROWS, _K)

    e2d_src, e2d_dst = _edges(edge_index_e2d)
    d2e_src, d2e_dst = _edges(edge_index_d2e)
    zrows = jnp.zeros((_ZROWS, H), jnp.float32)

    xe0a, xe0b = _encode(tf_entity, batch_e, te, seed2d, W_enc_e,
                         b_enc_e.reshape(1, CH), W_time_e,
                         b_time_e.reshape(1, CH), id_emb, True)
    xd0a, xd0b = _encode(tf_dst, batch_d, td, seed2d, W_enc_d,
                         b_enc_d.reshape(1, CH), W_time_d,
                         b_time_d.reshape(1, CH), id_emb, False)

    seg = _get_segsum()
    aggd0a, aggd0b = seg(e2d_src, e2d_dst, xe0a, xe0b, zrows)
    agge0a, agge0b = seg(d2e_src, d2e_dst, xd0a, xd0b, zrows)

    xd1a, xd1b = _combine(xd0a, xd0b, aggd0a, aggd0b, Ws_d0, Wn_d0,
                          b_d0.reshape(1, CH), True)
    xe1a, xe1b = _combine(xe0a, xe0b, agge0a, agge0b, Ws_e0, Wn_e0,
                          b_e0.reshape(1, CH), True)

    aggd1a, aggd1b = seg(e2d_src, e2d_dst, xe1a, xe1b, zrows)

    return _final(xd1a, xd1b, aggd1a, aggd1b, Ws_d1, Wn_d1,
                  b_d1.reshape(1, CH), W_head, b_head.reshape(1, 1))

# --- scband reference (transcript-rebuilt; emitter-appended) ---
"""Pipeline reference for scband-idgnn-62577673503121 (READ-ONLY COPY).

The authoritative reference and input builder live on the scoring server;
editing this copy changes nothing except your own understanding.
"""

import jax, jax.numpy as jnp
import numpy as np

CH = 256
NE = 10000
ND = 10000
E = 160000
NSEED = 1024
DRAW = 128

def _sinpe(rel, ch):
    half = ch // 2
    div = jnp.exp(jnp.arange(half, dtype=jnp.float32) * (-np.log(10000.0) / half))
    ang = rel[:, None] * div[None, :]
    return jnp.concatenate([jnp.sin(ang), jnp.cos(ang)], axis=-1)

def setup_inputs(seed: int = 0):
    key = jax.random.key(seed)
    ks = jax.random.split(key, 30)
    s1 = 1.0 / np.sqrt(DRAW)
    s2 = 1.0 / np.sqrt(CH)
    inp = {}
    inp["tf_entity"] = jax.random.normal(ks[0], (NE, DRAW), dtype=jnp.float32)
    inp["tf_dst"] = jax.random.normal(ks[1], (ND, DRAW), dtype=jnp.float32)
    inp["time_entity"] = jax.random.uniform(ks[2], (NE,), dtype=jnp.float32)
    inp["time_dst"] = jax.random.uniform(ks[3], (ND,), dtype=jnp.float32)
    inp["seed_time"] = jax.random.uniform(ks[4], (NSEED,), dtype=jnp.float32)
    inp["batch_entity"] = jnp.sort(jax.random.randint(ks[5], (NE,), 0, NSEED))
    inp["batch_dst"] = jnp.sort(jax.random.randint(ks[6], (ND,), 0, NSEED))
    inp["edge_index_e2d"] = jax.random.randint(ks[7], (2, E), 0, NE)
    inp["edge_index_d2e"] = jax.random.randint(ks[8], (2, E), 0, ND)
    inp["W_enc_e"] = jax.random.normal(ks[9], (DRAW, CH), dtype=jnp.float32) * s1
    inp["b_enc_e"] = jnp.zeros((CH,), dtype=jnp.float32)
    inp["W_enc_d"] = jax.random.normal(ks[10], (DRAW, CH), dtype=jnp.float32) * s1
    inp["b_enc_d"] = jnp.zeros((CH,), dtype=jnp.float32)
    inp["id_emb"] = jax.random.normal(ks[11], (1, CH), dtype=jnp.float32)
    inp["W_time_e"] = jax.random.normal(ks[12], (CH, CH), dtype=jnp.float32) * s2
    inp["b_time_e"] = jnp.zeros((CH,), dtype=jnp.float32)
    inp["W_time_d"] = jax.random.normal(ks[13], (CH, CH), dtype=jnp.float32) * s2
    inp["b_time_d"] = jnp.zeros((CH,), dtype=jnp.float32)
    inp["Ws_d0"] = jax.random.normal(ks[14], (CH, CH), dtype=jnp.float32) * s2
    inp["Wn_d0"] = jax.random.normal(ks[15], (CH, CH), dtype=jnp.float32) * s2
    inp["b_d0"] = jnp.zeros((CH,), dtype=jnp.float32)
    inp["Ws_e0"] = jax.random.normal(ks[16], (CH, CH), dtype=jnp.float32) * s2
    inp["Wn_e0"] = jax.random.normal(ks[17], (CH, CH), dtype=jnp.float32) * s2
    inp["b_e0"] = jnp.zeros((CH,), dtype=jnp.float32)
    inp["Ws_d1"] = jax.random.normal(ks[18], (CH, CH), dtype=jnp.float32) * s2
    inp["Wn_d1"] = jax.random.normal(ks[19], (CH, CH), dtype=jnp.float32) * s2
    inp["b_d1"] = jnp.zeros((CH,), dtype=jnp.float32)
    inp["Ws_e1"] = jax.random.normal(ks[20], (CH, CH), dtype=jnp.float32) * s2
    inp["Wn_e1"] = jax.random.normal(ks[21], (CH, CH), dtype=jnp.float32) * s2
    inp["b_e1"] = jnp.zeros((CH,), dtype=jnp.float32)
    inp["W_head"] = jax.random.normal(ks[22], (CH, 1), dtype=jnp.float32) * s2
    inp["b_head"] = jnp.zeros((1,), dtype=jnp.float32)
    return inp

def reference(tf_entity, tf_dst, time_entity, time_dst, seed_time, batch_entity, batch_dst, edge_index_e2d, edge_index_d2e, W_enc_e, b_enc_e, W_enc_d, b_enc_d, id_emb, W_time_e, b_time_e, W_time_d, b_time_d, Ws_d0, Wn_d0, b_d0, Ws_e0, Wn_e0, b_e0, Ws_d1, Wn_d1, b_d1, Ws_e1, Wn_e1, b_e1, W_head, b_head):
    ch = W_enc_e.shape[1]
    ne = tf_entity.shape[0]
    nd = tf_dst.shape[0]
    # HeteroStypeWiseEncoder (modeled as per-node-type linear encoding of tabular features)
    x_e = tf_entity @ W_enc_e + b_enc_e
    x_d = tf_dst @ W_enc_d + b_enc_d
    # id-awareness embedding added to seed rows of entity table
    x_e = x_e.at[:seed_time.shape[0]].add(id_emb[0])
    # HeteroTemporalEncoder: relative time -> sinusoidal PE -> linear, added per node type
    rel_e = seed_time[batch_entity] - time_entity
    rel_d = seed_time[batch_dst] - time_dst
    x_e = x_e + _sinpe(rel_e, ch) @ W_time_e + b_time_e
    x_d = x_d + _sinpe(rel_d, ch) @ W_time_d + b_time_d
    # HeteroGraphSAGE layer 0 (sum aggregation, relu)
    agg_d = jax.ops.segment_sum(x_e[edge_index_e2d[0]], edge_index_e2d[1], num_segments=nd)
    agg_e = jax.ops.segment_sum(x_d[edge_index_d2e[0]], edge_index_d2e[1], num_segments=ne)
    x_d_new = jax.nn.relu(x_d @ Ws_d0 + agg_d @ Wn_d0 + b_d0)
    x_e_new = jax.nn.relu(x_e @ Ws_e0 + agg_e @ Wn_e0 + b_e0)
    x_e, x_d = x_e_new, x_d_new
    # HeteroGraphSAGE layer 1 (no activation on final layer)
    agg_d = jax.ops.segment_sum(x_e[edge_index_e2d[0]], edge_index_e2d[1], num_segments=nd)
    agg_e = jax.ops.segment_sum(x_d[edge_index_d2e[0]], edge_index_d2e[1], num_segments=ne)
    x_d = x_d @ Ws_d1 + agg_d @ Wn_d1 + b_d1
    x_e = x_e @ Ws_e1 + agg_e @ Wn_e1 + b_e1
    # MLP head (num_layers=1 -> single linear) on dst table
    return x_d @ W_head + b_head

if __name__ == "__main__":
    import jax
    _d = setup_inputs()
    print(jax.jit(kernel)(*tuple(_d.values())))

</pallas_src>

<mosaic_0001>
#map = affine_map<(d0, d1) -> (0, 0)>
module attributes {stable_mosaic.version = 14 : i64} {
  func.func @_segsum_body(%arg0: i32, %arg1: i32, %arg2: memref<1280x128xi32, #tpu.memory_space<hbm>>, %arg3: memref<1280x128xi32, #tpu.memory_space<hbm>>, %arg4: memref<10000x128xf32, #tpu.memory_space<hbm>>, %arg5: memref<10000x128xf32, #tpu.memory_space<hbm>>, %arg6: memref<640x128xf32, #tpu.memory_space<hbm>>, %arg7: memref<10240x128xf32, #tpu.memory_space<hbm>>, %arg8: memref<10240x128xf32, #tpu.memory_space<hbm>>, %arg9: memref<40x128xi32, #tpu.memory_space<vmem>>, %arg10: memref<40x128xi32, #tpu.memory_space<vmem>>, %arg11: memref<128x128xf32, #tpu.memory_space<vmem>>, %arg12: memref<128x128xf32, #tpu.memory_space<vmem>>, %arg13: memref<10240x128xf32, #tpu.memory_space<vmem_shared>>, %arg14: memref<!tpu.dma_semaphore, #tpu.memory_space<semaphore_mem>>, %arg15: memref<!tpu.dma_semaphore, #tpu.memory_space<semaphore_mem>>, %arg16: memref<!tpu.dma_semaphore, #tpu.memory_space<semaphore_mem>>, %arg17: memref<!tpu.dma_semaphore, #tpu.memory_space<semaphore_mem>>) attributes {dimension_semantics = [#tpu.dimension_semantics<core_parallel>, #tpu.dimension_semantics<subcore_parallel>], iteration_bounds = array<i64: 2, 16>, scalar_prefetch = 0 : i64, scratch_operands = 9 : i64, tpu.core_type = #tpu.core_type<sc_vector_subcore>, window_params = [{transform_indices = #map}, {transform_indices = #map}, {transform_indices = #map}, {transform_indices = #map}, {transform_indices = #map}, {transform_indices = #map}, {transform_indices = #map}]} {
    %mul3A = arith.constant 640 : i32
    %mul3A_0 = arith.muli %arg1, %mul3A : i32
    "tpu.region"() ({
      %run_scoped3A = tpu.sem_alloc : memref<!tpu.dma_semaphore, #tpu.memory_space<semaphore_mem>>
      %dma_start3A_77 = arith.constant 0 : i32
      %dma_start3A_78 = tpu.memref_slice %arg13[%mul3A_0, %dma_start3A_77] : memref<10240x128xf32, #tpu.memory_space<vmem_shared>> -> memref<640x128xf32, #tpu.memory_space<vmem_shared>>
      tpu.enqueue_dma source(%arg6 : memref<640x128xf32, #tpu.memory_space<hbm>>) target(%dma_start3A_78 : memref<640x128xf32, #tpu.memory_space<vmem_shared>>) target_semaphore(%run_scoped3A : memref<!tpu.dma_semaphore, #tpu.memory_space<semaphore_mem>>)
      %dma_wait3A_79 = arith.constant 0 : i32
      %dma_wait3A_80 = tpu.memref_slice %arg13[%mul3A_0, %dma_wait3A_79] : memref<10240x128xf32, #tpu.memory_space<vmem_shared>> -> memref<640x128xf32, #tpu.memory_space<vmem_shared>>
      tpu.wait_dma2 semaphore(%run_scoped3A : memref<!tpu.dma_semaphore, #tpu.memory_space<semaphore_mem>>) src(%arg6 : memref<640x128xf32, #tpu.memory_space<hbm>>) dst(%dma_wait3A_80 : memref<640x128xf32, #tpu.memory_space<vmem_shared>>)
      tpu.yield
    }) : () -> ()
    %barrier3A = arith.constant 0 : index
    tpu.barrier barrier_id(%barrier3A)
    %mul3A_1 = arith.constant 80 : i32
    %mul3A_2 = arith.muli %arg1, %mul3A_1 : i32
    %add3A = arith.constant 0 : i32
    %add3A_3 = arith.addi %mul3A_2, %add3A : i32
    "tpu.region"() ({
      %run_scoped3A = tpu.sem_alloc : memref<!tpu.dma_semaphore, #tpu.memory_space<semaphore_mem>>
      %dma_start3A_77 = arith.constant 0 : i32
      %dma_start3A_78 = tpu.memref_slice %arg2[%add3A_3, %dma_start3A_77] : memref<1280x128xi32, #tpu.memory_space<hbm>> -> memref<40x128xi32, #tpu.memory_space<hbm>>
      %dma_start3A_79 = arith.constant 0 : i32
      %dma_start3A_80 = tpu.memref_slice %arg2[%add3A_3, %dma_start3A_79] : memref<1280x128xi32, #tpu.memory_space<hbm>> -> memref<40x128xi32, #tpu.memory_space<hbm>>
      tpu.enqueue_dma source(%dma_start3A_80 : memref<40x128xi32, #tpu.memory_space<hbm>>) target(%arg9 : memref<40x128xi32, #tpu.memory_space<vmem>>) target_semaphore(%run_scoped3A : memref<!tpu.dma_semaphore, #tpu.memory_space<semaphore_mem>>)
      %dma_wait3A_81 = arith.constant 0 : i32
      %dma_wait3A_82 = tpu.memref_slice %arg2[%add3A_3, %dma_wait3A_81] : memref<1280x128xi32, #tpu.memory_space<hbm>> -> memref<40x128xi32, #tpu.memory_space<hbm>>
      %dma_wait3A_83 = arith.constant 0 : i32
      %dma_wait3A_84 = tpu.memref_slice %arg2[%add3A_3, %dma_wait3A_83] : memref<1280x128xi32, #tpu.memory_space<hbm>> -> memref<40x128xi32, #tpu.memory_space<hbm>>
      tpu.wait_dma2 semaphore(%run_scoped3A : memref<!tpu.dma_semaphore, #tpu.memory_space<semaphore_mem>>) src(%dma_wait3A_84 : memref<40x128xi32, #tpu.memory_space<hbm>>) dst(%arg9 : memref<40x128xi32, #tpu.memory_space<vmem>>)
      tpu.yield
    }) : () -> ()
    "tpu.region"() ({
      %run_scoped3A = tpu.sem_alloc : memref<!tpu.dma_semaphore, #tpu.memory_space<semaphore_mem>>
      %dma_start3A_77 = arith.constant 0 : i32
      %dma_start3A_78 = tpu.memref_slice %arg3[%add3A_3, %dma_start3A_77] : memref<1280x128xi32, #tpu.memory_space<hbm>> -> memref<40x128xi32, #tpu.memory_space<hbm>>
      %dma_start3A_79 = arith.constant 0 : i32
      %dma_start3A_80 = tpu.memref_slice %arg3[%add3A_3, %dma_start3A_79] : memref<1280x128xi32, #tpu.memory_space<hbm>> -> memref<40x128xi32, #tpu.memory_space<hbm>>
      tpu.enqueue_dma source(%dma_start3A_80 : memref<40x128xi32, #tpu.memory_space<hbm>>) target(%arg10 : memref<40x128xi32, #tpu.memory_space<vmem>>) target_semaphore(%run_scoped3A : memref<!tpu.dma_semaphore, #tpu.memory_space<semaphore_mem>>)
      %dma_wait3A_81 = arith.constant 0 : i32
      %dma_wait3A_82 = tpu.memref_slice %arg3[%add3A_3, %dma_wait3A_81] : memref<1280x128xi32, #tpu.memory_space<hbm>> -> memref<40x128xi32, #tpu.memory_space<hbm>>
      %dma_wait3A_83 = arith.constant 0 : i32
      %dma_wait3A_84 = tpu.memref_slice %arg3[%add3A_3, %dma_wait3A_83] : memref<1280x128xi32, #tpu.memory_space<hbm>> -> memref<40x128xi32, #tpu.memory_space<hbm>>
      tpu.wait_dma2 semaphore(%run_scoped3A : memref<!tpu.dma_semaphore, #tpu.memory_space<semaphore_mem>>) src(%dma_wait3A_84 : memref<40x128xi32, #tpu.memory_space<hbm>>) dst(%arg10 : memref<40x128xi32, #tpu.memory_space<vmem>>)
      tpu.yield
    }) : () -> ()
    %scan3A = arith.constant 0 : i32
    %scan3A_4 = arith.constant 0 : i32
    %scan3A_5 = arith.constant 20 : i32
    %scan3A_6 = arith.addi %scan3A_4, %scan3A_5 : i32
    %scan3A_7 = arith.constant 1 : i32
    scf.for %scan3A_77 = %scan3A_4 to %scan3A_6 step %scan3A_7  : i32 {
      %mul3A_78 = arith.constant 2 : i32
      %mul3A_79 = arith.muli %scan3A_77, %mul3A_78 : i32
      %add3A_80 = arith.constant 0 : i32
      %add3A_81 = arith.addi %mul3A_79, %add3A_80 : i32
      %gt3A = arith.constant 0 : i32
      %gt3A_82 = arith.cmpi sgt, %scan3A_77, %gt3A : i32
      %convert_element_type3A_83 = arith.extui %gt3A_82 : i1 to i32
      %cond3A_84 = arith.constant 0 : i32
      %cond3A_85 = arith.cmpi ne, %convert_element_type3A_83, %cond3A_84 : i32
      scf.if %cond3A_85 {
        %dma_wait3A_133 = arith.constant 0 : i32
        %dma_wait3A_134 = arith.constant 0 : i32
        %dma_wait3A_135 = tpu.memref_slice %arg13[%dma_wait3A_133, %dma_wait3A_134] : memref<10240x128xf32, #tpu.memory_space<vmem_shared>> -> memref<128x128xf32, #tpu.memory_space<vmem_shared>>
        %dma_wait3A_136 = arith.constant 0 : i32
        %dma_wait3A_137 = arith.constant 0 : i32
        %dma_wait3A_138 = tpu.memref_slice %arg13[%dma_wait3A_136, %dma_wait3A_137] : memref<10240x128xf32, #tpu.memory_space<vmem_shared>> -> memref<128x128xf32, #tpu.memory_space<vmem_shared>>
        tpu.wait_dma2 semaphore(%arg16 : memref<!tpu.dma_semaphore, #tpu.memory_space<semaphore_mem>>) src(%arg11 : memref<128x128xf32, #tpu.memory_space<vmem>>) dst(%dma_wait3A_138 : memref<128x128xf32, #tpu.memory_space<vmem_shared>>)
      } else {
      }
      %eq3A_86 = arith.constant 0 : i32
      %eq3A_87 = arith.cmpi eq, %arg0, %eq3A_86 : i32
      %convert_element_type3A_88 = arith.extui %eq3A_87 : i1 to i32
      %cond3A_89 = arith.constant 0 : i32
      %cond3A_90 = arith.cmpi ne, %convert_element_type3A_88, %cond3A_89 : i32
      scf.if %cond3A_90 {
        %dma_start3A_133 = arith.constant 0 : i32
        %dma_start3A_134 = tpu.memref_slice %arg9[%add3A_81, %dma_start3A_133] : memref<40x128xi32, #tpu.memory_space<vmem>> -> memref<1x128xi32, #tpu.memory_space<vmem>>
        %dma_start3A_135 = tpu.memref_squeeze %dma_start3A_134 : memref<1x128xi32, #tpu.memory_space<vmem>> -> memref<128xi32, #tpu.memory_space<vmem>>
        %dma_start3A_136 = arith.constant 0 : i32
        %dma_start3A_137 = arith.constant 0 : i32
        %dma_start3A_138 = tpu.memref_slice %arg4[%dma_start3A_136, %dma_start3A_137] : memref<10000x128xf32, #tpu.memory_space<hbm>> -> memref<10000x128xf32, #tpu.memory_space<hbm>>
        tpu.enqueue_indirect_dma source(%dma_start3A_138 : memref<10000x128xf32, #tpu.memory_space<hbm>>) target(%arg11 : memref<128x128xf32, #tpu.memory_space<vmem>>) offsets(%dma_start3A_135 : memref<128xi32, #tpu.memory_space<vmem>>) semaphore(%arg14 : memref<!tpu.dma_semaphore, #tpu.memory_space<semaphore_mem>>)
      } else {
      }
      %eq3A_91 = arith.constant 1 : i32
      %eq3A_92 = arith.cmpi eq, %arg0, %eq3A_91 : i32
      %convert_element_type3A_93 = arith.extui %eq3A_92 : i1 to i32
      %cond3A_94 = arith.constant 0 : i32
      %cond3A_95 = arith.cmpi ne, %convert_element_type3A_93, %cond3A_94 : i32
      scf.if %cond3A_95 {
        %dma_start3A_133 = arith.constant 0 : i32
        %dma_start3A_134 = tpu.memref_slice %arg9[%add3A_81, %dma_start3A_133] : memref<40x128xi32, #tpu.memory_space<vmem>> -> memref<1x128xi32, #tpu.memory_space<vmem>>
        %dma_start3A_135 = tpu.memref_squeeze %dma_start3A_134 : memref<1x128xi32, #tpu.memory_space<vmem>> -> memref<128xi32, #tpu.memory_space<vmem>>
        %dma_start3A_136 = arith.constant 0 : i32
        %dma_start3A_137 = arith.constant 0 : i32
        %dma_start3A_138 = tpu.memref_slice %arg5[%dma_start3A_136, %dma_start3A_137] : memref<10000x128xf32, #tpu.memory_space<hbm>> -> memref<10000x128xf32, #tpu.memory_space<hbm>>
        tpu.enqueue_indirect_dma source(%dma_start3A_138 : memref<10000x128xf32, #tpu.memory_space<hbm>>) target(%arg11 : memref<128x128xf32, #tpu.memory_space<vmem>>) offsets(%dma_start3A_135 : memref<128xi32, #tpu.memory_space<vmem>>) semaphore(%arg14 : memref<!tpu.dma_semaphore, #tpu.memory_space<semaphore_mem>>)
      } else {
      }
      %gt3A_96 = arith.constant 0 : i32
      %gt3A_97 = arith.cmpi sgt, %scan3A_77, %gt3A_96 : i32
      %convert_element_type3A_98 = arith.extui %gt3A_97 : i1 to i32
      %cond3A_99 = arith.constant 0 : i32
      %cond3A_100 = arith.cmpi ne, %convert_element_type3A_98, %cond3A_99 : i32
      scf.if %cond3A_100 {
        %dma_wait3A_133 = arith.constant 0 : i32
        %dma_wait3A_134 = arith.constant 0 : i32
        %dma_wait3A_135 = tpu.memref_slice %arg4[%dma_wait3A_133, %dma_wait3A_134] : memref<10000x128xf32, #tpu.memory_space<hbm>> -> memref<128x128xf32, #tpu.memory_space<hbm>>
        %dma_wait3A_136 = arith.constant 0 : i32
        %dma_wait3A_137 = arith.constant 0 : i32
        %dma_wait3A_138 = tpu.memref_slice %arg4[%dma_wait3A_136, %dma_wait3A_137] : memref<10000x128xf32, #tpu.memory_space<hbm>> -> memref<128x128xf32, #tpu.memory_space<hbm>>
        tpu.wait_dma2 semaphore(%arg15 : memref<!tpu.dma_semaphore, #tpu.memory_space<semaphore_mem>>) src(%dma_wait3A_138 : memref<128x128xf32, #tpu.memory_space<hbm>>) dst(%arg12 : memref<128x128xf32, #tpu.memory_space<vmem>>)
        %sub3A_139 = arith.constant 1 : i32
        %sub3A_140 = arith.subi %add3A_81, %sub3A_139 : i32
        %dma_start3A_141 = arith.constant 0 : i32
        %dma_start3A_142 = tpu.memref_slice %arg10[%sub3A_140, %dma_start3A_141] : memref<40x128xi32, #tpu.memory_space<vmem>> -> memref<1x128xi32, #tpu.memory_space<vmem>>
        %dma_start3A_143 = tpu.memref_squeeze %dma_start3A_142 : memref<1x128xi32, #tpu.memory_space<vmem>> -> memref<128xi32, #tpu.memory_space<vmem>>
        %dma_start3A_144 = arith.constant 0 : i32
        %dma_start3A_145 = arith.constant 0 : i32
        %dma_start3A_146 = tpu.memref_slice %arg13[%dma_start3A_144, %dma_start3A_145] : memref<10240x128xf32, #tpu.memory_space<vmem_shared>> -> memref<10240x128xf32, #tpu.memory_space<vmem_shared>>
        tpu.enqueue_indirect_dma source(%arg12 : memref<128x128xf32, #tpu.memory_space<vmem>>) target(%dma_start3A_146 : memref<10240x128xf32, #tpu.memory_space<vmem_shared>>) offsets(%dma_start3A_143 : memref<128xi32, #tpu.memory_space<vmem>>) semaphore(%arg17 : memref<!tpu.dma_semaphore, #tpu.memory_space<semaphore_mem>>) {add = true}
      } else {
      }
      %mul3A_101 = arith.constant 2 : i32
      %mul3A_102 = arith.muli %scan3A_77, %mul3A_101 : i32
      %add3A_103 = arith.constant 1 : i32
      %add3A_104 = arith.addi %mul3A_102, %add3A_103 : i32
      %gt3A_105 = arith.constant 0 : i32
      %gt3A_106 = arith.cmpi sgt, %scan3A_77, %gt3A_105 : i32
      %convert_element_type3A_107 = arith.extui %gt3A_106 : i1 to i32
      %cond3A_108 = arith.constant 0 : i32
      %cond3A_109 = arith.cmpi ne, %convert_element_type3A_107, %cond3A_108 : i32
      scf.if %cond3A_109 {
        %dma_wait3A_133 = arith.constant 0 : i32
        %dma_wait3A_134 = arith.constant 0 : i32
        %dma_wait3A_135 = tpu.memref_slice %arg13[%dma_wait3A_133, %dma_wait3A_134] : memref<10240x128xf32, #tpu.memory_space<vmem_shared>> -> memref<128x128xf32, #tpu.memory_space<vmem_shared>>
        %dma_wait3A_136 = arith.constant 0 : i32
        %dma_wait3A_137 = arith.constant 0 : i32
        %dma_wait3A_138 = tpu.memref_slice %arg13[%dma_wait3A_136, %dma_wait3A_137] : memref<10240x128xf32, #tpu.memory_space<vmem_shared>> -> memref<128x128xf32, #tpu.memory_space<vmem_shared>>
        tpu.wait_dma2 semaphore(%arg17 : memref<!tpu.dma_semaphore, #tpu.memory_space<semaphore_mem>>) src(%arg12 : memref<128x128xf32, #tpu.memory_space<vmem>>) dst(%dma_wait3A_138 : memref<128x128xf32, #tpu.memory_space<vmem_shared>>)
      } else {
      }
      %eq3A_110 = arith.constant 0 : i32
      %eq3A_111 = arith.cmpi eq, %arg0, %eq3A_110 : i32
      %convert_element_type3A_112 = arith.extui %eq3A_111 : i1 to i32
      %cond3A_113 = arith.constant 0 : i32
      %cond3A_114 = arith.cmpi ne, %convert_element_type3A_112, %cond3A_113 : i32
      scf.if %cond3A_114 {
        %dma_start3A_133 = arith.constant 0 : i32
        %dma_start3A_134 = tpu.memref_slice %arg9[%add3A_104, %dma_start3A_133] : memref<40x128xi32, #tpu.memory_space<vmem>> -> memref<1x128xi32, #tpu.memory_space<vmem>>
        %dma_start3A_135 = tpu.memref_squeeze %dma_start3A_134 : memref<1x128xi32, #tpu.memory_space<vmem>> -> memref<128xi32, #tpu.memory_space<vmem>>
        %dma_start3A_136 = arith.constant 0 : i32
        %dma_start3A_137 = arith.constant 0 : i32
        %dma_start3A_138 = tpu.memref_slice %arg4[%dma_start3A_136, %dma_start3A_137] : memref<10000x128xf32, #tpu.memory_space<hbm>> -> memref<10000x128xf32, #tpu.memory_space<hbm>>
        tpu.enqueue_indirect_dma source(%dma_start3A_138 : memref<10000x128xf32, #tpu.memory_space<hbm>>) target(%arg12 : memref<128x128xf32, #tpu.memory_space<vmem>>) offsets(%dma_start3A_135 : memref<128xi32, #tpu.memory_space<vmem>>) semaphore(%arg15 : memref<!tpu.dma_semaphore, #tpu.memory_space<semaphore_mem>>)
      } else {
      }
      %eq3A_115 = arith.constant 1 : i32
      %eq3A_116 = arith.cmpi eq, %arg0, %eq3A_115 : i32
      %convert_element_type3A_117 = arith.extui %eq3A_116 : i1 to i32
      %cond3A_118 = arith.constant 0 : i32
      %cond3A_119 = arith.cmpi ne, %convert_element_type3A_117, %cond3A_118 : i32
      scf.if %cond3A_119 {
        %dma_start3A_133 = arith.constant 0 : i32
        %dma_start3A_134 = tpu.memref_slice %arg9[%add3A_104, %dma_start3A_133] : memref<40x128xi32, #tpu.memory_space<vmem>> -> memref<1x128xi32, #tpu.memory_space<vmem>>
        %dma_start3A_135 = tpu.memref_squeeze %dma_start3A_134 : memref<1x128xi32, #tpu.memory_space<vmem>> -> memref<128xi32, #tpu.memory_space<vmem>>
        %dma_start3A_136 = arith.constant 0 : i32
        %dma_start3A_137 = arith.constant 0 : i32
        %dma_start3A_138 = tpu.memref_slice %arg5[%dma_start3A_136, %dma_start3A_137] : memref<10000x128xf32, #tpu.memory_space<hbm>> -> memref<10000x128xf32, #tpu.memory_space<hbm>>
        tpu.enqueue_indirect_dma source(%dma_start3A_138 : memref<10000x128xf32, #tpu.memory_space<hbm>>) target(%arg12 : memref<128x128xf32, #tpu.memory_space<vmem>>) offsets(%dma_start3A_135 : memref<128xi32, #tpu.memory_space<vmem>>) semaphore(%arg15 : memref<!tpu.dma_semaphore, #tpu.memory_space<semaphore_mem>>)
      } else {
      }
      %dma_wait3A_120 = arith.constant 0 : i32
      %dma_wait3A_121 = arith.constant 0 : i32
      %dma_wait3A_122 = tpu.memref_slice %arg4[%dma_wait3A_120, %dma_wait3A_121] : memref<10000x128xf32, #tpu.memory_space<hbm>> -> memref<128x128xf32, #tpu.memory_space<hbm>>
      %dma_wait3A_123 = arith.constant 0 : i32
      %dma_wait3A_124 = arith.constant 0 : i32
      %dma_wait3A_125 = tpu.memref_slice %arg4[%dma_wait3A_123, %dma_wait3A_124] : memref<10000x128xf32, #tpu.memory_space<hbm>> -> memref<128x128xf32, #tpu.memory_space<hbm>>
      tpu.wait_dma2 semaphore(%arg14 : memref<!tpu.dma_semaphore, #tpu.memory_space<semaphore_mem>>) src(%dma_wait3A_125 : memref<128x128xf32, #tpu.memory_space<hbm>>) dst(%arg11 : memref<128x128xf32, #tpu.memory_space<vmem>>)
      %sub3A = arith.constant 1 : i32
      %sub3A_126 = arith.subi %add3A_104, %sub3A : i32
      %dma_start3A_127 = arith.constant 0 : i32
      %dma_start3A_128 = tpu.memref_slice %arg10[%sub3A_126, %dma_start3A_127] : memref<40x128xi32, #tpu.memory_space<vmem>> -> memref<1x128xi32, #tpu.memory_space<vmem>>
      %dma_start3A_129 = tpu.memref_squeeze %dma_start3A_128 : memref<1x128xi32, #tpu.memory_space<vmem>> -> memref<128xi32, #tpu.memory_space<vmem>>
      %dma_start3A_130 = arith.constant 0 : i32
      %dma_start3A_131 = arith.constant 0 : i32
      %dma_start3A_132 = tpu.memref_slice %arg13[%dma_start3A_130, %dma_start3A_131] : memref<10240x128xf32, #tpu.memory_space<vmem_shared>> -> memref<10240x128xf32, #tpu.memory_space<vmem_shared>>
      tpu.enqueue_indirect_dma source(%arg11 : memref<128x128xf32, #tpu.memory_space<vmem>>) target(%dma_start3A_132 : memref<10240x128xf32, #tpu.memory_space<vmem_shared>>) offsets(%dma_start3A_129 : memref<128xi32, #tpu.memory_space<vmem>>) semaphore(%arg16 : memref<!tpu.dma_semaphore, #tpu.memory_space<semaphore_mem>>) {add = true}
    }
    %scan3A_8 = arith.constant 20 : i32
    %dma_wait3A = arith.constant 0 : i32
    %dma_wait3A_9 = arith.constant 0 : i32
    %dma_wait3A_10 = tpu.memref_slice %arg4[%dma_wait3A, %dma_wait3A_9] : memref<10000x128xf32, #tpu.memory_space<hbm>> -> memref<128x128xf32, #tpu.memory_space<hbm>>
    %dma_wait3A_11 = arith.constant 0 : i32
    %dma_wait3A_12 = arith.constant 0 : i32
    %dma_wait3A_13 = tpu.memref_slice %arg4[%dma_wait3A_11, %dma_wait3A_12] : memref<10000x128xf32, #tpu.memory_space<hbm>> -> memref<128x128xf32, #tpu.memory_space<hbm>>
    tpu.wait_dma2 semaphore(%arg15 : memref<!tpu.dma_semaphore, #tpu.memory_space<semaphore_mem>>) src(%dma_wait3A_13 : memref<128x128xf32, #tpu.memory_space<hbm>>) dst(%arg12 : memref<128x128xf32, #tpu.memory_space<vmem>>)
    %dma_start3A = arith.constant 39 : i32
    %dma_start3A_14 = arith.constant 0 : i32
    %dma_start3A_15 = tpu.memref_slice %arg10[%dma_start3A, %dma_start3A_14] : memref<40x128xi32, #tpu.memory_space<vmem>> -> memref<1x128xi32, #tpu.memory_space<vmem>>
    %dma_start3A_16 = tpu.memref_squeeze %dma_start3A_15 : memref<1x128xi32, #tpu.memory_space<vmem>> -> memref<128xi32, #tpu.memory_space<vmem>>
    %dma_start3A_17 = arith.constant 0 : i32
    %dma_start3A_18 = arith.constant 0 : i32
    %dma_start3A_19 = tpu.memref_slice %arg13[%dma_start3A_17, %dma_start3A_18] : memref<10240x128xf32, #tpu.memory_space<vmem_shared>> -> memref<10240x128xf32, #tpu.memory_space<vmem_shared>>
    tpu.enqueue_indirect_dma source(%arg12 : memref<128x128xf32, #tpu.memory_space<vmem>>) target(%dma_start3A_19 : memref<10240x128xf32, #tpu.memory_space<vmem_shared>>) offsets(%dma_start3A_16 : memref<128xi32, #tpu.memory_space<vmem>>) semaphore(%arg17 : memref<!tpu.dma_semaphore, #tpu.memory_space<semaphore_mem>>) {add = true}
    %dma_wait3A_20 = arith.constant 0 : i32
    %dma_wait3A_21 = arith.constant 0 : i32
    %dma_wait3A_22 = tpu.memref_slice %arg13[%dma_wait3A_20, %dma_wait3A_21] : memref<10240x128xf32, #tpu.memory_space<vmem_shared>> -> memref<128x128xf32, #tpu.memory_space<vmem_shared>>
    %dma_wait3A_23 = arith.constant 0 : i32
    %dma_wait3A_24 = arith.constant 0 : i32
    %dma_wait3A_25 = tpu.memref_slice %arg13[%dma_wait3A_23, %dma_wait3A_24] : memref<10240x128xf32, #tpu.memory_space<vmem_shared>> -> memref<128x128xf32, #tpu.memory_space<vmem_shared>>
    tpu.wait_dma2 semaphore(%arg16 : memref<!tpu.dma_semaphore, #tpu.memory_space<semaphore_mem>>) src(%arg11 : memref<128x128xf32, #tpu.memory_space<vmem>>) dst(%dma_wait3A_25 : memref<128x128xf32, #tpu.memory_space<vmem_shared>>)
    %dma_wait3A_26 = arith.constant 0 : i32
    %dma_wait3A_27 = arith.constant 0 : i32
    %dma_wait3A_28 = tpu.memref_slice %arg13[%dma_wait3A_26, %dma_wait3A_27] : memref<10240x128xf32, #tpu.memory_space<vmem_shared>> -> memref<128x128xf32, #tpu.memory_space<vmem_shared>>
    %dma_wait3A_29 = arith.constant 0 : i32
    %dma_wait3A_30 = arith.constant 0 : i32
    %dma_wait3A_31 = tpu.memref_slice %arg13[%dma_wait3A_29, %dma_wait3A_30] : memref<10240x128xf32, #tpu.memory_space<vmem_shared>> -> memref<128x128xf32, #tpu.memory_space<vmem_shared>>
    tpu.wait_dma2 semaphore(%arg17 : memref<!tpu.dma_semaphore, #tpu.memory_space<semaphore_mem>>) src(%arg12 : memref<128x128xf32, #tpu.memory_space<vmem>>) dst(%dma_wait3A_31 : memref<128x128xf32, #tpu.memory_space<vmem_shared>>)
    %mul3A_32 = arith.constant 80 : i32
    %mul3A_33 = arith.muli %arg1, %mul3A_32 : i32
    %add3A_34 = arith.constant 40 : i32
    %add3A_35 = arith.addi %mul3A_33, %add3A_34 : i32
    "tpu.region"() ({
      %run_scoped3A = tpu.sem_alloc : memref<!tpu.dma_semaphore, #tpu.memory_space<semaphore_mem>>
      %dma_start3A_77 = arith.constant 0 : i32
      %dma_start3A_78 = tpu.memref_slice %arg2[%add3A_35, %dma_start3A_77] : memref<1280x128xi32, #tpu.memory_space<hbm>> -> memref<40x128xi32, #tpu.memory_space<hbm>>
      %dma_start3A_79 = arith.constant 0 : i32
      %dma_start3A_80 = tpu.memref_slice %arg2[%add3A_35, %dma_start3A_79] : memref<1280x128xi32, #tpu.memory_space<hbm>> -> memref<40x128xi32, #tpu.memory_space<hbm>>
      tpu.enqueue_dma source(%dma_start3A_80 : memref<40x128xi32, #tpu.memory_space<hbm>>) target(%arg9 : memref<40x128xi32, #tpu.memory_space<vmem>>) target_semaphore(%run_scoped3A : memref<!tpu.dma_semaphore, #tpu.memory_space<semaphore_mem>>)
      %dma_wait3A_81 = arith.constant 0 : i32
      %dma_wait3A_82 = tpu.memref_slice %arg2[%add3A_35, %dma_wait3A_81] : memref<1280x128xi32, #tpu.memory_space<hbm>> -> memref<40x128xi32, #tpu.memory_space<hbm>>
      %dma_wait3A_83 = arith.constant 0 : i32
      %dma_wait3A_84 = tpu.memref_slice %arg2[%add3A_35, %dma_wait3A_83] : memref<1280x128xi32, #tpu.memory_space<hbm>> -> memref<40x128xi32, #tpu.memory_space<hbm>>
      tpu.wait_dma2 semaphore(%run_scoped3A : memref<!tpu.dma_semaphore, #tpu.memory_space<semaphore_mem>>) src(%dma_wait3A_84 : memref<40x128xi32, #tpu.memory_space<hbm>>) dst(%arg9 : memref<40x128xi32, #tpu.memory_space<vmem>>)
      tpu.yield
    }) : () -> ()
    "tpu.region"() ({
      %run_scoped3A = tpu.sem_alloc : memref<!tpu.dma_semaphore, #tpu.memory_space<semaphore_mem>>
      %dma_start3A_77 = arith.constant 0 : i32
      %dma_start3A_78 = tpu.memref_slice %arg3[%add3A_35, %dma_start3A_77] : memref<1280x128xi32, #tpu.memory_space<hbm>> -> memref<40x128xi32, #tpu.memory_space<hbm>>
      %dma_start3A_79 = arith.constant 0 : i32
      %dma_start3A_80 = tpu.memref_slice %arg3[%add3A_35, %dma_start3A_79] : memref<1280x128xi32, #tpu.memory_space<hbm>> -> memref<40x128xi32, #tpu.memory_space<hbm>>
      tpu.enqueue_dma source(%dma_start3A_80 : memref<40x128xi32, #tpu.memory_space<hbm>>) target(%arg10 : memref<40x128xi32, #tpu.memory_space<vmem>>) target_semaphore(%run_scoped3A : memref<!tpu.dma_semaphore, #tpu.memory_space<semaphore_mem>>)
      %dma_wait3A_81 = arith.constant 0 : i32
      %dma_wait3A_82 = tpu.memref_slice %arg3[%add3A_35, %dma_wait3A_81] : memref<1280x128xi32, #tpu.memory_space<hbm>> -> memref<40x128xi32, #tpu.memory_space<hbm>>
      %dma_wait3A_83 = arith.constant 0 : i32
      %dma_wait3A_84 = tpu.memref_slice %arg3[%add3A_35, %dma_wait3A_83] : memref<1280x128xi32, #tpu.memory_space<hbm>> -> memref<40x128xi32, #tpu.memory_space<hbm>>
      tpu.wait_dma2 semaphore(%run_scoped3A : memref<!tpu.dma_semaphore, #tpu.memory_space<semaphore_mem>>) src(%dma_wait3A_84 : memref<40x128xi32, #tpu.memory_space<hbm>>) dst(%arg10 : memref<40x128xi32, #tpu.memory_space<vmem>>)
      tpu.yield
    }) : () -> ()
    %scan3A_36 = arith.constant 0 : i32
    %scan3A_37 = arith.constant 0 : i32
    %scan3A_38 = arith.constant 20 : i32
    %scan3A_39 = arith.addi %scan3A_37, %scan3A_38 : i32
    %scan3A_40 = arith.constant 1 : i32
    scf.for %scan3A_77 = %scan3A_37 to %scan3A_39 step %scan3A_40  : i32 {
      %mul3A_78 = arith.constant 2 : i32
      %mul3A_79 = arith.muli %scan3A_77, %mul3A_78 : i32
      %add3A_80 = arith.constant 0 : i32
      %add3A_81 = arith.addi %mul3A_79, %add3A_80 : i32
      %gt3A = arith.constant 0 : i32
      %gt3A_82 = arith.cmpi sgt, %scan3A_77, %gt3A : i32
      %convert_element_type3A_83 = arith.extui %gt3A_82 : i1 to i32
      %cond3A_84 = arith.constant 0 : i32
      %cond3A_85 = arith.cmpi ne, %convert_element_type3A_83, %cond3A_84 : i32
      scf.if %cond3A_85 {
        %dma_wait3A_133 = arith.constant 0 : i32
        %dma_wait3A_134 = arith.constant 0 : i32
        %dma_wait3A_135 = tpu.memref_slice %arg13[%dma_wait3A_133, %dma_wait3A_134] : memref<10240x128xf32, #tpu.memory_space<vmem_shared>> -> memref<128x128xf32, #tpu.memory_space<vmem_shared>>
        %dma_wait3A_136 = arith.constant 0 : i32
        %dma_wait3A_137 = arith.constant 0 : i32
        %dma_wait3A_138 = tpu.memref_slice %arg13[%dma_wait3A_136, %dma_wait3A_137] : memref<10240x128xf32, #tpu.memory_space<vmem_shared>> -> memref<128x128xf32, #tpu.memory_space<vmem_shared>>
        tpu.wait_dma2 semaphore(%arg16 : memref<!tpu.dma_semaphore, #tpu.memory_space<semaphore_mem>>) src(%arg11 : memref<128x128xf32, #tpu.memory_space<vmem>>) dst(%dma_wait3A_138 : memref<128x128xf32, #tpu.memory_space<vmem_shared>>)
      } else {
      }
      %eq3A_86 = arith.constant 0 : i32
      %eq3A_87 = arith.cmpi eq, %arg0, %eq3A_86 : i32
      %convert_element_type3A_88 = arith.extui %eq3A_87 : i1 to i32
      %cond3A_89 = arith.constant 0 : i32
      %cond3A_90 = arith.cmpi ne, %convert_element_type3A_88, %cond3A_89 : i32
      scf.if %cond3A_90 {
        %dma_start3A_133 = arith.constant 0 : i32
        %dma_start3A_134 = tpu.memref_slice %arg9[%add3A_81, %dma_start3A_133] : memref<40x128xi32, #tpu.memory_space<vmem>> -> memref<1x128xi32, #tpu.memory_space<vmem>>
        %dma_start3A_135 = tpu.memref_squeeze %dma_start3A_134 : memref<1x128xi32, #tpu.memory_space<vmem>> -> memref<128xi32, #tpu.memory_space<vmem>>
        %dma_start3A_136 = arith.constant 0 : i32
        %dma_start3A_137 = arith.constant 0 : i32
        %dma_start3A_138 = tpu.memref_slice %arg4[%dma_start3A_136, %dma_start3A_137] : memref<10000x128xf32, #tpu.memory_space<hbm>> -> memref<10000x128xf32, #tpu.memory_space<hbm>>
        tpu.enqueue_indirect_dma source(%dma_start3A_138 : memref<10000x128xf32, #tpu.memory_space<hbm>>) target(%arg11 : memref<128x128xf32, #tpu.memory_space<vmem>>) offsets(%dma_start3A_135 : memref<128xi32, #tpu.memory_space<vmem>>) semaphore(%arg14 : memref<!tpu.dma_semaphore, #tpu.memory_space<semaphore_mem>>)
      } else {
      }
      %eq3A_91 = arith.constant 1 : i32
      %eq3A_92 = arith.cmpi eq, %arg0, %eq3A_91 : i32
      %convert_element_type3A_93 = arith.extui %eq3A_92 : i1 to i32
      %cond3A_94 = arith.constant 0 : i32
      %cond3A_95 = arith.cmpi ne, %convert_element_type3A_93, %cond3A_94 : i32
      scf.if %cond3A_95 {
        %dma_start3A_133 = arith.constant 0 : i32
        %dma_start3A_134 = tpu.memref_slice %arg9[%add3A_81, %dma_start3A_133] : memref<40x128xi32, #tpu.memory_space<vmem>> -> memref<1x128xi32, #tpu.memory_space<vmem>>
        %dma_start3A_135 = tpu.memref_squeeze %dma_start3A_134 : memref<1x128xi32, #tpu.memory_space<vmem>> -> memref<128xi32, #tpu.memory_space<vmem>>
        %dma_start3A_136 = arith.constant 0 : i32
        %dma_start3A_137 = arith.constant 0 : i32
        %dma_start3A_138 = tpu.memref_slice %arg5[%dma_start3A_136, %dma_start3A_137] : memref<10000x128xf32, #tpu.memory_space<hbm>> -> memref<10000x128xf32, #tpu.memory_space<hbm>>
        tpu.enqueue_indirect_dma source(%dma_start3A_138 : memref<10000x128xf32, #tpu.memory_space<hbm>>) target(%arg11 : memref<128x128xf32, #tpu.memory_space<vmem>>) offsets(%dma_start3A_135 : memref<128xi32, #tpu.memory_space<vmem>>) semaphore(%arg14 : memref<!tpu.dma_semaphore, #tpu.memory_space<semaphore_mem>>)
      } else {
      }
      %gt3A_96 = arith.constant 0 : i32
      %gt3A_97 = arith.cmpi sgt, %scan3A_77, %gt3A_96 : i32
      %convert_element_type3A_98 = arith.extui %gt3A_97 : i1 to i32
      %cond3A_99 = arith.constant 0 : i32
      %cond3A_100 = arith.cmpi ne, %convert_element_type3A_98, %cond3A_99 : i32
      scf.if %cond3A_100 {
        %dma_wait3A_133 = arith.constant 0 : i32
        %dma_wait3A_134 = arith.constant 0 : i32
        %dma_wait3A_135 = tpu.memref_slice %arg4[%dma_wait3A_133, %dma_wait3A_134] : memref<10000x128xf32, #tpu.memory_space<hbm>> -> memref<128x128xf32, #tpu.memory_space<hbm>>
        %dma_wait3A_136 = arith.constant 0 : i32
        %dma_wait3A_137 = arith.constant 0 : i32
        %dma_wait3A_138 = tpu.memref_slice %arg4[%dma_wait3A_136, %dma_wait3A_137] : memref<10000x128xf32, #tpu.memory_space<hbm>> -> memref<128x128xf32, #tpu.memory_space<hbm>>
        tpu.wait_dma2 semaphore(%arg15 : memref<!tpu.dma_semaphore, #tpu.memory_space<semaphore_mem>>) src(%dma_wait3A_138 : memref<128x128xf32, #tpu.memory_space<hbm>>) dst(%arg12 : memref<128x128xf32, #tpu.memory_space<vmem>>)
        %sub3A_139 = arith.constant 1 : i32
        %sub3A_140 = arith.subi %add3A_81, %sub3A_139 : i32
        %dma_start3A_141 = arith.constant 0 : i32
        %dma_start3A_142 = tpu.memref_slice %arg10[%sub3A_140, %dma_start3A_141] : memref<40x128xi32, #tpu.memory_space<vmem>> -> memref<1x128xi32, #tpu.memory_space<vmem>>
        %dma_start3A_143 = tpu.memref_squeeze %dma_start3A_142 : memref<1x128xi32, #tpu.memory_space<vmem>> -> memref<128xi32, #tpu.memory_space<vmem>>
        %dma_start3A_144 = arith.constant 0 : i32
        %dma_start3A_145 = arith.constant 0 : i32
        %dma_start3A_146 = tpu.memref_slice %arg13[%dma_start3A_144, %dma_start3A_145] : memref<10240x128xf32, #tpu.memory_space<vmem_shared>> -> memref<10240x128xf32, #tpu.memory_space<vmem_shared>>
        tpu.enqueue_indirect_dma source(%arg12 : memref<128x128xf32, #tpu.memory_space<vmem>>) target(%dma_start3A_146 : memref<10240x128xf32, #tpu.memory_space<vmem_shared>>) offsets(%dma_start3A_143 : memref<128xi32, #tpu.memory_space<vmem>>) semaphore(%arg17 : memref<!tpu.dma_semaphore, #tpu.memory_space<semaphore_mem>>) {add = true}
      } else {
      }
      %mul3A_101 = arith.constant 2 : i32
      %mul3A_102 = arith.muli %scan3A_77, %mul3A_101 : i32
      %add3A_103 = arith.constant 1 : i32
      %add3A_104 = arith.addi %mul3A_102, %add3A_103 : i32
      %gt3A_105 = arith.constant 0 : i32
      %gt3A_106 = arith.cmpi sgt, %scan3A_77, %gt3A_105 : i32
      %convert_element_type3A_107 = arith.extui %gt3A_106 : i1 to i32
      %cond3A_108 = arith.constant 0 : i32
      %cond3A_109 = arith.cmpi ne, %convert_element_type3A_107, %cond3A_108 : i32
      scf.if %cond3A_109 {
        %dma_wait3A_133 = arith.constant 0 : i32
        %dma_wait3A_134 = arith.constant 0 : i32
        %dma_wait3A_135 = tpu.memref_slice %arg13[%dma_wait3A_133, %dma_wait3A_134] : memref<10240x128xf32, #tpu.memory_space<vmem_shared>> -> memref<128x128xf32, #tpu.memory_space<vmem_shared>>
        %dma_wait3A_136 = arith.constant 0 : i32
        %dma_wait3A_137 = arith.constant 0 : i32
        %dma_wait3A_138 = tpu.memref_slice %arg13[%dma_wait3A_136, %dma_wait3A_137] : memref<10240x128xf32, #tpu.memory_space<vmem_shared>> -> memref<128x128xf32, #tpu.memory_space<vmem_shared>>
        tpu.wait_dma2 semaphore(%arg17 : memref<!tpu.dma_semaphore, #tpu.memory_space<semaphore_mem>>) src(%arg12 : memref<128x128xf32, #tpu.memory_space<vmem>>) dst(%dma_wait3A_138 : memref<128x128xf32, #tpu.memory_space<vmem_shared>>)
      } else {
      }
      %eq3A_110 = arith.constant 0 : i32
      %eq3A_111 = arith.cmpi eq, %arg0, %eq3A_110 : i32
      %convert_element_type3A_112 = arith.extui %eq3A_111 : i1 to i32
      %cond3A_113 = arith.constant 0 : i32
      %cond3A_114 = arith.cmpi ne, %convert_element_type3A_112, %cond3A_113 : i32
      scf.if %cond3A_114 {
        %dma_start3A_133 = arith.constant 0 : i32
        %dma_start3A_134 = tpu.memref_slice %arg9[%add3A_104, %dma_start3A_133] : memref<40x128xi32, #tpu.memory_space<vmem>> -> memref<1x128xi32, #tpu.memory_space<vmem>>
        %dma_start3A_135 = tpu.memref_squeeze %dma_start3A_134 : memref<1x128xi32, #tpu.memory_space<vmem>> -> memref<128xi32, #tpu.memory_space<vmem>>
        %dma_start3A_136 = arith.constant 0 : i32
        %dma_start3A_137 = arith.constant 0 : i32
        %dma_start3A_138 = tpu.memref_slice %arg4[%dma_start3A_136, %dma_start3A_137] : memref<10000x128xf32, #tpu.memory_space<hbm>> -> memref<10000x128xf32, #tpu.memory_space<hbm>>
        tpu.enqueue_indirect_dma source(%dma_start3A_138 : memref<10000x128xf32, #tpu.memory_space<hbm>>) target(%arg12 : memref<128x128xf32, #tpu.memory_space<vmem>>) offsets(%dma_start3A_135 : memref<128xi32, #tpu.memory_space<vmem>>) semaphore(%arg15 : memref<!tpu.dma_semaphore, #tpu.memory_space<semaphore_mem>>)
      } else {
      }
      %eq3A_115 = arith.constant 1 : i32
      %eq3A_116 = arith.cmpi eq, %arg0, %eq3A_115 : i32
      %convert_element_type3A_117 = arith.extui %eq3A_116 : i1 to i32
      %cond3A_118 = arith.constant 0 : i32
      %cond3A_119 = arith.cmpi ne, %convert_element_type3A_117, %cond3A_118 : i32
      scf.if %cond3A_119 {
        %dma_start3A_133 = arith.constant 0 : i32
        %dma_start3A_134 = tpu.memref_slice %arg9[%add3A_104, %dma_start3A_133] : memref<40x128xi32, #tpu.memory_space<vmem>> -> memref<1x128xi32, #tpu.memory_space<vmem>>
        %dma_start3A_135 = tpu.memref_squeeze %dma_start3A_134 : memref<1x128xi32, #tpu.memory_space<vmem>> -> memref<128xi32, #tpu.memory_space<vmem>>
        %dma_start3A_136 = arith.constant 0 : i32
        %dma_start3A_137 = arith.constant 0 : i32
        %dma_start3A_138 = tpu.memref_slice %arg5[%dma_start3A_136, %dma_start3A_137] : memref<10000x128xf32, #tpu.memory_space<hbm>> -> memref<10000x128xf32, #tpu.memory_space<hbm>>
        tpu.enqueue_indirect_dma source(%dma_start3A_138 : memref<10000x128xf32, #tpu.memory_space<hbm>>) target(%arg12 : memref<128x128xf32, #tpu.memory_space<vmem>>) offsets(%dma_start3A_135 : memref<128xi32, #tpu.memory_space<vmem>>) semaphore(%arg15 : memref<!tpu.dma_semaphore, #tpu.memory_space<semaphore_mem>>)
      } else {
      }
      %dma_wait3A_120 = arith.constant 0 : i32
      %dma_wait3A_121 = arith.constant 0 : i32
      %dma_wait3A_122 = tpu.memref_slice %arg4[%dma_wait3A_120, %dma_wait3A_121] : memref<10000x128xf32, #tpu.memory_space<hbm>> -> memref<128x128xf32, #tpu.memory_space<hbm>>
      %dma_wait3A_123 = arith.constant 0 : i32
      %dma_wait3A_124 = arith.constant 0 : i32
      %dma_wait3A_125 = tpu.memref_slice %arg4[%dma_wait3A_123, %dma_wait3A_124] : memref<10000x128xf32, #tpu.memory_space<hbm>> -> memref<128x128xf32, #tpu.memory_space<hbm>>
      tpu.wait_dma2 semaphore(%arg14 : memref<!tpu.dma_semaphore, #tpu.memory_space<semaphore_mem>>) src(%dma_wait3A_125 : memref<128x128xf32, #tpu.memory_space<hbm>>) dst(%arg11 : memref<128x128xf32, #tpu.memory_space<vmem>>)
      %sub3A = arith.constant 1 : i32
      %sub3A_126 = arith.subi %add3A_104, %sub3A : i32
      %dma_start3A_127 = arith.constant 0 : i32
      %dma_start3A_128 = tpu.memref_slice %arg10[%sub3A_126, %dma_start3A_127] : memref<40x128xi32, #tpu.memory_space<vmem>> -> memref<1x128xi32, #tpu.memory_space<vmem>>
      %dma_start3A_129 = tpu.memref_squeeze %dma_start3A_128 : memref<1x128xi32, #tpu.memory_space<vmem>> -> memref<128xi32, #tpu.memory_space<vmem>>
      %dma_start3A_130 = arith.constant 0 : i32
      %dma_start3A_131 = arith.constant 0 : i32
      %dma_start3A_132 = tpu.memref_slice %arg13[%dma_start3A_130, %dma_start3A_131] : memref<10240x128xf32, #tpu.memory_space<vmem_shared>> -> memref<10240x128xf32, #tpu.memory_space<vmem_shared>>
      tpu.enqueue_indirect_dma source(%arg11 : memref<128x128xf32, #tpu.memory_space<vmem>>) target(%dma_start3A_132 : memref<10240x128xf32, #tpu.memory_space<vmem_shared>>) offsets(%dma_start3A_129 : memref<128xi32, #tpu.memory_space<vmem>>) semaphore(%arg16 : memref<!tpu.dma_semaphore, #tpu.memory_space<semaphore_mem>>) {add = true}
    }
    %scan3A_41 = arith.constant 20 : i32
    %dma_wait3A_42 = arith.constant 0 : i32
    %dma_wait3A_43 = arith.constant 0 : i32
    %dma_wait3A_44 = tpu.memref_slice %arg4[%dma_wait3A_42, %dma_wait3A_43] : memref<10000x128xf32, #tpu.memory_space<hbm>> -> memref<128x128xf32, #tpu.memory_space<hbm>>
    %dma_wait3A_45 = arith.constant 0 : i32
    %dma_wait3A_46 = arith.constant 0 : i32
    %dma_wait3A_47 = tpu.memref_slice %arg4[%dma_wait3A_45, %dma_wait3A_46] : memref<10000x128xf32, #tpu.memory_space<hbm>> -> memref<128x128xf32, #tpu.memory_space<hbm>>
    tpu.wait_dma2 semaphore(%arg15 : memref<!tpu.dma_semaphore, #tpu.memory_space<semaphore_mem>>) src(%dma_wait3A_47 : memref<128x128xf32, #tpu.memory_space<hbm>>) dst(%arg12 : memref<128x128xf32, #tpu.memory_space<vmem>>)
    %dma_start3A_48 = arith.constant 39 : i32
    %dma_start3A_49 = arith.constant 0 : i32
    %dma_start3A_50 = tpu.memref_slice %arg10[%dma_start3A_48, %dma_start3A_49] : memref<40x128xi32, #tpu.memory_space<vmem>> -> memref<1x128xi32, #tpu.memory_space<vmem>>
    %dma_start3A_51 = tpu.memref_squeeze %dma_start3A_50 : memref<1x128xi32, #tpu.memory_space<vmem>> -> memref<128xi32, #tpu.memory_space<vmem>>
    %dma_start3A_52 = arith.constant 0 : i32
    %dma_start3A_53 = arith.constant 0 : i32
    %dma_start3A_54 = tpu.memref_slice %arg13[%dma_start3A_52, %dma_start3A_53] : memref<10240x128xf32, #tpu.memory_space<vmem_shared>> -> memref<10240x128xf32, #tpu.memory_space<vmem_shared>>
    tpu.enqueue_indirect_dma source(%arg12 : memref<128x128xf32, #tpu.memory_space<vmem>>) target(%dma_start3A_54 : memref<10240x128xf32, #tpu.memory_space<vmem_shared>>) offsets(%dma_start3A_51 : memref<128xi32, #tpu.memory_space<vmem>>) semaphore(%arg17 : memref<!tpu.dma_semaphore, #tpu.memory_space<semaphore_mem>>) {add = true}
    %dma_wait3A_55 = arith.constant 0 : i32
    %dma_wait3A_56 = arith.constant 0 : i32
    %dma_wait3A_57 = tpu.memref_slice %arg13[%dma_wait3A_55, %dma_wait3A_56] : memref<10240x128xf32, #tpu.memory_space<vmem_shared>> -> memref<128x128xf32, #tpu.memory_space<vmem_shared>>
    %dma_wait3A_58 = arith.constant 0 : i32
    %dma_wait3A_59 = arith.constant 0 : i32
    %dma_wait3A_60 = tpu.memref_slice %arg13[%dma_wait3A_58, %dma_wait3A_59] : memref<10240x128xf32, #tpu.memory_space<vmem_shared>> -> memref<128x128xf32, #tpu.memory_space<vmem_shared>>
    tpu.wait_dma2 semaphore(%arg16 : memref<!tpu.dma_semaphore, #tpu.memory_space<semaphore_mem>>) src(%arg11 : memref<128x128xf32, #tpu.memory_space<vmem>>) dst(%dma_wait3A_60 : memref<128x128xf32, #tpu.memory_space<vmem_shared>>)
    %dma_wait3A_61 = arith.constant 0 : i32
    %dma_wait3A_62 = arith.constant 0 : i32
    %dma_wait3A_63 = tpu.memref_slice %arg13[%dma_wait3A_61, %dma_wait3A_62] : memref<10240x128xf32, #tpu.memory_space<vmem_shared>> -> memref<128x128xf32, #tpu.memory_space<vmem_shared>>
    %dma_wait3A_64 = arith.constant 0 : i32
    %dma_wait3A_65 = arith.constant 0 : i32
    %dma_wait3A_66 = tpu.memref_slice %arg13[%dma_wait3A_64, %dma_wait3A_65] : memref<10240x128xf32, #tpu.memory_space<vmem_shared>> -> memref<128x128xf32, #tpu.memory_space<vmem_shared>>
    tpu.wait_dma2 semaphore(%arg17 : memref<!tpu.dma_semaphore, #tpu.memory_space<semaphore_mem>>) src(%arg12 : memref<128x128xf32, #tpu.memory_space<vmem>>) dst(%dma_wait3A_66 : memref<128x128xf32, #tpu.memory_space<vmem_shared>>)
    %barrier3A_67 = arith.constant 0 : index
    tpu.barrier barrier_id(%barrier3A_67)
    %mul3A_68 = arith.constant 640 : i32
    %mul3A_69 = arith.muli %arg1, %mul3A_68 : i32
    %eq3A = arith.constant 0 : i32
    %eq3A_70 = arith.cmpi eq, %arg0, %eq3A : i32
    %convert_element_type3A = arith.extui %eq3A_70 : i1 to i32
    %cond3A = arith.constant 0 : i32
    %cond3A_71 = arith.cmpi ne, %convert_element_type3A, %cond3A : i32
    scf.if %cond3A_71 {
      "tpu.region"() ({
        %run_scoped3A = tpu.sem_alloc : memref<!tpu.dma_semaphore, #tpu.memory_space<semaphore_mem>>
        %dma_start3A_77 = arith.constant 0 : i32
        %dma_start3A_78 = tpu.memref_slice %arg7[%mul3A_69, %dma_start3A_77] : memref<10240x128xf32, #tpu.memory_space<hbm>> -> memref<640x128xf32, #tpu.memory_space<hbm>>
        %dma_start3A_79 = arith.constant 0 : i32
        %dma_start3A_80 = tpu.memref_slice %arg13[%mul3A_69, %dma_start3A_79] : memref<10240x128xf32, #tpu.memory_space<vmem_shared>> -> memref<640x128xf32, #tpu.memory_space<vmem_shared>>
        tpu.enqueue_dma source(%dma_start3A_80 : memref<640x128xf32, #tpu.memory_space<vmem_shared>>) target(%dma_start3A_78 : memref<640x128xf32, #tpu.memory_space<hbm>>) target_semaphore(%run_scoped3A : memref<!tpu.dma_semaphore, #tpu.memory_space<semaphore_mem>>)
        %dma_wait3A_81 = arith.constant 0 : i32
        %dma_wait3A_82 = tpu.memref_slice %arg7[%mul3A_69, %dma_wait3A_81] : memref<10240x128xf32, #tpu.memory_space<hbm>> -> memref<640x128xf32, #tpu.memory_space<hbm>>
        %dma_wait3A_83 = arith.constant 0 : i32
        %dma_wait3A_84 = tpu.memref_slice %arg13[%mul3A_69, %dma_wait3A_83] : memref<10240x128xf32, #tpu.memory_space<vmem_shared>> -> memref<640x128xf32, #tpu.memory_space<vmem_shared>>
        tpu.wait_dma2 semaphore(%run_scoped3A : memref<!tpu.dma_semaphore, #tpu.memory_space<semaphore_mem>>) src(%dma_wait3A_84 : memref<640x128xf32, #tpu.memory_space<vmem_shared>>) dst(%dma_wait3A_82 : memref<640x128xf32, #tpu.memory_space<hbm>>)
        tpu.yield
      }) : () -> ()
    } else {
    }
    %eq3A_72 = arith.constant 1 : i32
    %eq3A_73 = arith.cmpi eq, %arg0, %eq3A_72 : i32
    %convert_element_type3A_74 = arith.extui %eq3A_73 : i1 to i32
    %cond3A_75 = arith.constant 0 : i32
    %cond3A_76 = arith.cmpi ne, %convert_element_type3A_74, %cond3A_75 : i32
    scf.if %cond3A_76 {
      "tpu.region"() ({
        %run_scoped3A = tpu.sem_alloc : memref<!tpu.dma_semaphore, #tpu.memory_space<semaphore_mem>>
        %dma_start3A_77 = arith.constant 0 : i32
        %dma_start3A_78 = tpu.memref_slice %arg8[%mul3A_69, %dma_start3A_77] : memref<10240x128xf32, #tpu.memory_space<hbm>> -> memref<640x128xf32, #tpu.memory_space<hbm>>
        %dma_start3A_79 = arith.constant 0 : i32
        %dma_start3A_80 = tpu.memref_slice %arg13[%mul3A_69, %dma_start3A_79] : memref<10240x128xf32, #tpu.memory_space<vmem_shared>> -> memref<640x128xf32, #tpu.memory_space<vmem_shared>>
        tpu.enqueue_dma source(%dma_start3A_80 : memref<640x128xf32, #tpu.memory_space<vmem_shared>>) target(%dma_start3A_78 : memref<640x128xf32, #tpu.memory_space<hbm>>) target_semaphore(%run_scoped3A : memref<!tpu.dma_semaphore, #tpu.memory_space<semaphore_mem>>)
        %dma_wait3A_81 = arith.constant 0 : i32
        %dma_wait3A_82 = tpu.memref_slice %arg8[%mul3A_69, %dma_wait3A_81] : memref<10240x128xf32, #tpu.memory_space<hbm>> -> memref<640x128xf32, #tpu.memory_space<hbm>>
        %dma_wait3A_83 = arith.constant 0 : i32
        %dma_wait3A_84 = tpu.memref_slice %arg13[%mul3A_69, %dma_wait3A_83] : memref<10240x128xf32, #tpu.memory_space<vmem_shared>> -> memref<640x128xf32, #tpu.memory_space<vmem_shared>>
        tpu.wait_dma2 semaphore(%run_scoped3A : memref<!tpu.dma_semaphore, #tpu.memory_space<semaphore_mem>>) src(%dma_wait3A_84 : memref<640x128xf32, #tpu.memory_space<vmem_shared>>) dst(%dma_wait3A_82 : memref<640x128xf32, #tpu.memory_space<hbm>>)
        tpu.yield
      }) : () -> ()
    } else {
    }
    return
  }
}

#map = affine_map<(d0, d1) -> (0, 0)>
module attributes {stable_mosaic.version = 14 : i64} {
  func.func @_segsum_body(%arg0: i32, %arg1: i32, %arg2: memref<1280x128xi32, #tpu.memory_space<hbm>>, %arg3: memref<1280x128xi32, #tpu.memory_space<hbm>>, %arg4: memref<10000x128xf32, #tpu.memory_space<hbm>>, %arg5: memref<10000x128xf32, #tpu.memory_space<hbm>>, %arg6: memref<640x128xf32, #tpu.memory_space<hbm>>, %arg7: memref<10240x128xf32, #tpu.memory_space<hbm>>, %arg8: memref<10240x128xf32, #tpu.memory_space<hbm>>, %arg9: memref<40x128xi32, #tpu.memory_space<vmem>>, %arg10: memref<40x128xi32, #tpu.memory_space<vmem>>, %arg11: memref<128x128xf32, #tpu.memory_space<vmem>>, %arg12: memref<128x128xf32, #tpu.memory_space<vmem>>, %arg13: memref<10240x128xf32, #tpu.memory_space<vmem_shared>>, %arg14: memref<!tpu.dma_semaphore, #tpu.memory_space<semaphore_mem>>, %arg15: memref<!tpu.dma_semaphore, #tpu.memory_space<semaphore_mem>>, %arg16: memref<!tpu.dma_semaphore, #tpu.memory_space<semaphore_mem>>, %arg17: memref<!tpu.dma_semaphore, #tpu.memory_space<semaphore_mem>>) attributes {dimension_semantics = [#tpu.dimension_semantics<core_parallel>, #tpu.dimension_semantics<subcore_parallel>], iteration_bounds = array<i64: 2, 16>, scalar_prefetch = 0 : i64, scratch_operands = 9 : i64, tpu.core_type = #tpu.core_type<sc_vector_subcore>, window_params = [{transform_indices = #map}, {transform_indices = #map}, {transform_indices = #map}, {transform_indices = #map}, {transform_indices = #map}, {transform_indices = #map}, {transform_indices = #map}]} {
    %mul3A = arith.constant 640 : i32
    %mul3A_0 = arith.muli %arg1, %mul3A : i32
    "tpu.region"() ({
      %run_scoped3A = tpu.sem_alloc : memref<!tpu.dma_semaphore, #tpu.memory_space<semaphore_mem>>
      %dma_start3A_77 = arith.constant 0 : i32
      %dma_start3A_78 = tpu.memref_slice %arg13[%mul3A_0, %dma_start3A_77] : memref<10240x128xf32, #tpu.memory_space<vmem_shared>> -> memref<640x128xf32, #tpu.memory_space<vmem_shared>>
      tpu.enqueue_dma source(%arg6 : memref<640x128xf32, #tpu.memory_space<hbm>>) target(%dma_start3A_78 : memref<640x128xf32, #tpu.memory_space<vmem_shared>>) target_semaphore(%run_scoped3A : memref<!tpu.dma_semaphore, #tpu.memory_space<semaphore_mem>>)
      %dma_wait3A_79 = arith.constant 0 : i32
      %dma_wait3A_80 = tpu.memref_slice %arg13[%mul3A_0, %dma_wait3A_79] : memref<10240x128xf32, #tpu.memory_space<vmem_shared>> -> memref<640x128xf32, #tpu.memory_space<vmem_shared>>
      tpu.wait_dma2 semaphore(%run_scoped3A : memref<!tpu.dma_semaphore, #tpu.memory_space<semaphore_mem>>) src(%arg6 : memref<640x128xf32, #tpu.memory_space<hbm>>) dst(%dma_wait3A_80 : memref<640x128xf32, #tpu.memory_space<vmem_shared>>)
      tpu.yield
    }) : () -> ()
    %barrier3A = arith.constant 0 : index
    tpu.barrier barrier_id(%barrier3A)
    %mul3A_1 = arith.constant 80 : i32
    %mul3A_2 = arith.muli %arg1, %mul3A_1 : i32
    %add3A = arith.constant 0 : i32
    %add3A_3 = arith.addi %mul3A_2, %add3A : i32
    "tpu.region"() ({
      %run_scoped3A = tpu.sem_alloc : memref<!tpu.dma_semaphore, #tpu.memory_space<semaphore_mem>>
      %dma_start3A_77 = arith.constant 0 : i32
      %dma_start3A_78 = tpu.memref_slice %arg2[%add3A_3, %dma_start3A_77] : memref<1280x128xi32, #tpu.memory_space<hbm>> -> memref<40x128xi32, #tpu.memory_space<hbm>>
      %dma_start3A_79 = arith.constant 0 : i32
      %dma_start3A_80 = tpu.memref_slice %arg2[%add3A_3, %dma_start3A_79] : memref<1280x128xi32, #tpu.memory_space<hbm>> -> memref<40x128xi32, #tpu.memory_space<hbm>>
      tpu.enqueue_dma source(%dma_start3A_80 : memref<40x128xi32, #tpu.memory_space<hbm>>) target(%arg9 : memref<40x128xi32, #tpu.memory_space<vmem>>) target_semaphore(%run_scoped3A : memref<!tpu.dma_semaphore, #tpu.memory_space<semaphore_mem>>)
      %dma_wait3A_81 = arith.constant 0 : i32
      %dma_wait3A_82 = tpu.memref_slice %arg2[%add3A_3, %dma_wait3A_81] : memref<1280x128xi32, #tpu.memory_space<hbm>> -> memref<40x128xi32, #tpu.memory_space<hbm>>
      %dma_wait3A_83 = arith.constant 0 : i32
      %dma_wait3A_84 = tpu.memref_slice %arg2[%add3A_3, %dma_wait3A_83] : memref<1280x128xi32, #tpu.memory_space<hbm>> -> memref<40x128xi32, #tpu.memory_space<hbm>>
      tpu.wait_dma2 semaphore(%run_scoped3A : memref<!tpu.dma_semaphore, #tpu.memory_space<semaphore_mem>>) src(%dma_wait3A_84 : memref<40x128xi32, #tpu.memory_space<hbm>>) dst(%arg9 : memref<40x128xi32, #tpu.memory_space<vmem>>)
      tpu.yield
    }) : () -> ()
    "tpu.region"() ({
      %run_scoped3A = tpu.sem_alloc : memref<!tpu.dma_semaphore, #tpu.memory_space<semaphore_mem>>
      %dma_start3A_77 = arith.constant 0 : i32
      %dma_start3A_78 = tpu.memref_slice %arg3[%add3A_3, %dma_start3A_77] : memref<1280x128xi32, #tpu.memory_space<hbm>> -> memref<40x128xi32, #tpu.memory_space<hbm>>
      %dma_start3A_79 = arith.constant 0 : i32
      %dma_start3A_80 = tpu.memref_slice %arg3[%add3A_3, %dma_start3A_79] : memref<1280x128xi32, #tpu.memory_space<hbm>> -> memref<40x128xi32, #tpu.memory_space<hbm>>
      tpu.enqueue_dma source(%dma_start3A_80 : memref<40x128xi32, #tpu.memory_space<hbm>>) target(%arg10 : memref<40x128xi32, #tpu.memory_space<vmem>>) target_semaphore(%run_scoped3A : memref<!tpu.dma_semaphore, #tpu.memory_space<semaphore_mem>>)
      %dma_wait3A_81 = arith.constant 0 : i32
      %dma_wait3A_82 = tpu.memref_slice %arg3[%add3A_3, %dma_wait3A_81] : memref<1280x128xi32, #tpu.memory_space<hbm>> -> memref<40x128xi32, #tpu.memory_space<hbm>>
      %dma_wait3A_83 = arith.constant 0 : i32
      %dma_wait3A_84 = tpu.memref_slice %arg3[%add3A_3, %dma_wait3A_83] : memref<1280x128xi32, #tpu.memory_space<hbm>> -> memref<40x128xi32, #tpu.memory_space<hbm>>
      tpu.wait_dma2 semaphore(%run_scoped3A : memref<!tpu.dma_semaphore, #tpu.memory_space<semaphore_mem>>) src(%dma_wait3A_84 : memref<40x128xi32, #tpu.memory_space<hbm>>) dst(%arg10 : memref<40x128xi32, #tpu.memory_space<vmem>>)
      tpu.yield
    }) : () -> ()
    %scan3A = arith.constant 0 : i32
    %scan3A_4 = arith.constant 0 : i32
    %scan3A_5 = arith.constant 20 : i32
    %scan3A_6 = arith.addi %scan3A_4, %scan3A_5 : i32
    %scan3A_7 = arith.constant 1 : i32
    scf.for %scan3A_77 = %scan3A_4 to %scan3A_6 step %scan3A_7  : i32 {
      %mul3A_78 = arith.constant 2 : i32
      %mul3A_79 = arith.muli %scan3A_77, %mul3A_78 : i32
      %add3A_80 = arith.constant 0 : i32
      %add3A_81 = arith.addi %mul3A_79, %add3A_80 : i32
      %gt3A = arith.constant 0 : i32
      %gt3A_82 = arith.cmpi sgt, %scan3A_77, %gt3A : i32
      %convert_element_type3A_83 = arith.extui %gt3A_82 : i1 to i32
      %cond3A_84 = arith.constant 0 : i32
      %cond3A_85 = arith.cmpi ne, %convert_element_type3A_83, %cond3A_84 : i32
      scf.if %cond3A_85 {
        %dma_wait3A_133 = arith.constant 0 : i32
        %dma_wait3A_134 = arith.constant 0 : i32
        %dma_wait3A_135 = tpu.memref_slice %arg13[%dma_wait3A_133, %dma_wait3A_134] : memref<10240x128xf32, #tpu.memory_space<vmem_shared>> -> memref<128x128xf32, #tpu.memory_space<vmem_shared>>
        %dma_wait3A_136 = arith.constant 0 : i32
        %dma_wait3A_137 = arith.constant 0 : i32
        %dma_wait3A_138 = tpu.memref_slice %arg13[%dma_wait3A_136, %dma_wait3A_137] : memref<10240x128xf32, #tpu.memory_space<vmem_shared>> -> memref<128x128xf32, #tpu.memory_space<vmem_shared>>
        tpu.wait_dma2 semaphore(%arg16 : memref<!tpu.dma_semaphore, #tpu.memory_space<semaphore_mem>>) src(%arg11 : memref<128x128xf32, #tpu.memory_space<vmem>>) dst(%dma_wait3A_138 : memref<128x128xf32, #tpu.memory_space<vmem_shared>>)
      } else {
      }
      %eq3A_86 = arith.constant 0 : i32
      %eq3A_87 = arith.cmpi eq, %arg0, %eq3A_86 : i32
      %convert_element_type3A_88 = arith.extui %eq3A_87 : i1 to i32
      %cond3A_89 = arith.constant 0 : i32
      %cond3A_90 = arith.cmpi ne, %convert_element_type3A_88, %cond3A_89 : i32
      scf.if %cond3A_90 {
        %dma_start3A_133 = arith.constant 0 : i32
        %dma_start3A_134 = tpu.memref_slice %arg9[%add3A_81, %dma_start3A_133] : memref<40x128xi32, #tpu.memory_space<vmem>> -> memref<1x128xi32, #tpu.memory_space<vmem>>
        %dma_start3A_135 = tpu.memref_squeeze %dma_start3A_134 : memref<1x128xi32, #tpu.memory_space<vmem>> -> memref<128xi32, #tpu.memory_space<vmem>>
        %dma_start3A_136 = arith.constant 0 : i32
        %dma_start3A_137 = arith.constant 0 : i32
        %dma_start3A_138 = tpu.memref_slice %arg4[%dma_start3A_136, %dma_start3A_137] : memref<10000x128xf32, #tpu.memory_space<hbm>> -> memref<10000x128xf32, #tpu.memory_space<hbm>>
        tpu.enqueue_indirect_dma source(%dma_start3A_138 : memref<10000x128xf32, #tpu.memory_space<hbm>>) target(%arg11 : memref<128x128xf32, #tpu.memory_space<vmem>>) offsets(%dma_start3A_135 : memref<128xi32, #tpu.memory_space<vmem>>) semaphore(%arg14 : memref<!tpu.dma_semaphore, #tpu.memory_space<semaphore_mem>>)
      } else {
      }
      %eq3A_91 = arith.constant 1 : i32
      %eq3A_92 = arith.cmpi eq, %arg0, %eq3A_91 : i32
      %convert_element_type3A_93 = arith.extui %eq3A_92 : i1 to i32
      %cond3A_94 = arith.constant 0 : i32
      %cond3A_95 = arith.cmpi ne, %convert_element_type3A_93, %cond3A_94 : i32
      scf.if %cond3A_95 {
        %dma_start3A_133 = arith.constant 0 : i32
        %dma_start3A_134 = tpu.memref_slice %arg9[%add3A_81, %dma_start3A_133] : memref<40x128xi32, #tpu.memory_space<vmem>> -> memref<1x128xi32, #tpu.memory_space<vmem>>
        %dma_start3A_135 = tpu.memref_squeeze %dma_start3A_134 : memref<1x128xi32, #tpu.memory_space<vmem>> -> memref<128xi32, #tpu.memory_space<vmem>>
        %dma_start3A_136 = arith.constant 0 : i32
        %dma_start3A_137 = arith.constant 0 : i32
        %dma_start3A_138 = tpu.memref_slice %arg5[%dma_start3A_136, %dma_start3A_137] : memref<10000x128xf32, #tpu.memory_space<hbm>> -> memref<10000x128xf32, #tpu.memory_space<hbm>>
        tpu.enqueue_indirect_dma source(%dma_start3A_138 : memref<10000x128xf32, #tpu.memory_space<hbm>>) target(%arg11 : memref<128x128xf32, #tpu.memory_space<vmem>>) offsets(%dma_start3A_135 : memref<128xi32, #tpu.memory_space<vmem>>) semaphore(%arg14 : memref<!tpu.dma_semaphore, #tpu.memory_space<semaphore_mem>>)
      } else {
      }
      %gt3A_96 = arith.constant 0 : i32
      %gt3A_97 = arith.cmpi sgt, %scan3A_77, %gt3A_96 : i32
      %convert_element_type3A_98 = arith.extui %gt3A_97 : i1 to i32
      %cond3A_99 = arith.constant 0 : i32
      %cond3A_100 = arith.cmpi ne, %convert_element_type3A_98, %cond3A_99 : i32
      scf.if %cond3A_100 {
        %dma_wait3A_133 = arith.constant 0 : i32
        %dma_wait3A_134 = arith.constant 0 : i32
        %dma_wait3A_135 = tpu.memref_slice %arg4[%dma_wait3A_133, %dma_wait3A_134] : memref<10000x128xf32, #tpu.memory_space<hbm>> -> memref<128x128xf32, #tpu.memory_space<hbm>>
        %dma_wait3A_136 = arith.constant 0 : i32
        %dma_wait3A_137 = arith.constant 0 : i32
        %dma_wait3A_138 = tpu.memref_slice %arg4[%dma_wait3A_136, %dma_wait3A_137] : memref<10000x128xf32, #tpu.memory_space<hbm>> -> memref<128x128xf32, #tpu.memory_space<hbm>>
        tpu.wait_dma2 semaphore(%arg15 : memref<!tpu.dma_semaphore, #tpu.memory_space<semaphore_mem>>) src(%dma_wait3A_138 : memref<128x128xf32, #tpu.memory_space<hbm>>) dst(%arg12 : memref<128x128xf32, #tpu.memory_space<vmem>>)
        %sub3A_139 = arith.constant 1 : i32
        %sub3A_140 = arith.subi %add3A_81, %sub3A_139 : i32
        %dma_start3A_141 = arith.constant 0 : i32
        %dma_start3A_142 = tpu.memref_slice %arg10[%sub3A_140, %dma_start3A_141] : memref<40x128xi32, #tpu.memory_space<vmem>> -> memref<1x128xi32, #tpu.memory_space<vmem>>
        %dma_start3A_143 = tpu.memref_squeeze %dma_start3A_142 : memref<1x128xi32, #tpu.memory_space<vmem>> -> memref<128xi32, #tpu.memory_space<vmem>>
        %dma_start3A_144 = arith.constant 0 : i32
        %dma_start3A_145 = arith.constant 0 : i32
        %dma_start3A_146 = tpu.memref_slice %arg13[%dma_start3A_144, %dma_start3A_145] : memref<10240x128xf32, #tpu.memory_space<vmem_shared>> -> memref<10240x128xf32, #tpu.memory_space<vmem_shared>>
        tpu.enqueue_indirect_dma source(%arg12 : memref<128x128xf32, #tpu.memory_space<vmem>>) target(%dma_start3A_146 : memref<10240x128xf32, #tpu.memory_space<vmem_shared>>) offsets(%dma_start3A_143 : memref<128xi32, #tpu.memory_space<vmem>>) semaphore(%arg17 : memref<!tpu.dma_semaphore, #tpu.memory_space<semaphore_mem>>) {add = true}
      } else {
      }
      %mul3A_101 = arith.constant 2 : i32
      %mul3A_102 = arith.muli %scan3A_77, %mul3A_101 : i32
      %add3A_103 = arith.constant 1 : i32
      %add3A_104 = arith.addi %mul3A_102, %add3A_103 : i32
      %gt3A_105 = arith.constant 0 : i32
      %gt3A_106 = arith.cmpi sgt, %scan3A_77, %gt3A_105 : i32
      %convert_element_type3A_107 = arith.extui %gt3A_106 : i1 to i32
      %cond3A_108 = arith.constant 0 : i32
      %cond3A_109 = arith.cmpi ne, %convert_element_type3A_107, %cond3A_108 : i32
      scf.if %cond3A_109 {
        %dma_wait3A_133 = arith.constant 0 : i32
        %dma_wait3A_134 = arith.constant 0 : i32
        %dma_wait3A_135 = tpu.memref_slice %arg13[%dma_wait3A_133, %dma_wait3A_134] : memref<10240x128xf32, #tpu.memory_space<vmem_shared>> -> memref<128x128xf32, #tpu.memory_space<vmem_shared>>
        %dma_wait3A_136 = arith.constant 0 : i32
        %dma_wait3A_137 = arith.constant 0 : i32
        %dma_wait3A_138 = tpu.memref_slice %arg13[%dma_wait3A_136, %dma_wait3A_137] : memref<10240x128xf32, #tpu.memory_space<vmem_shared>> -> memref<128x128xf32, #tpu.memory_space<vmem_shared>>
        tpu.wait_dma2 semaphore(%arg17 : memref<!tpu.dma_semaphore, #tpu.memory_space<semaphore_mem>>) src(%arg12 : memref<128x128xf32, #tpu.memory_space<vmem>>) dst(%dma_wait3A_138 : memref<128x128xf32, #tpu.memory_space<vmem_shared>>)
      } else {
      }
      %eq3A_110 = arith.constant 0 : i32
      %eq3A_111 = arith.cmpi eq, %arg0, %eq3A_110 : i32
      %convert_element_type3A_112 = arith.extui %eq3A_111 : i1 to i32
      %cond3A_113 = arith.constant 0 : i32
      %cond3A_114 = arith.cmpi ne, %convert_element_type3A_112, %cond3A_113 : i32
      scf.if %cond3A_114 {
        %dma_start3A_133 = arith.constant 0 : i32
        %dma_start3A_134 = tpu.memref_slice %arg9[%add3A_104, %dma_start3A_133] : memref<40x128xi32, #tpu.memory_space<vmem>> -> memref<1x128xi32, #tpu.memory_space<vmem>>
        %dma_start3A_135 = tpu.memref_squeeze %dma_start3A_134 : memref<1x128xi32, #tpu.memory_space<vmem>> -> memref<128xi32, #tpu.memory_space<vmem>>
        %dma_start3A_136 = arith.constant 0 : i32
        %dma_start3A_137 = arith.constant 0 : i32
        %dma_start3A_138 = tpu.memref_slice %arg4[%dma_start3A_136, %dma_start3A_137] : memref<10000x128xf32, #tpu.memory_space<hbm>> -> memref<10000x128xf32, #tpu.memory_space<hbm>>
        tpu.enqueue_indirect_dma source(%dma_start3A_138 : memref<10000x128xf32, #tpu.memory_space<hbm>>) target(%arg12 : memref<128x128xf32, #tpu.memory_space<vmem>>) offsets(%dma_start3A_135 : memref<128xi32, #tpu.memory_space<vmem>>) semaphore(%arg15 : memref<!tpu.dma_semaphore, #tpu.memory_space<semaphore_mem>>)
      } else {
      }
      %eq3A_115 = arith.constant 1 : i32
      %eq3A_116 = arith.cmpi eq, %arg0, %eq3A_115 : i32
      %convert_element_type3A_117 = arith.extui %eq3A_116 : i1 to i32
      %cond3A_118 = arith.constant 0 : i32
      %cond3A_119 = arith.cmpi ne, %convert_element_type3A_117, %cond3A_118 : i32
      scf.if %cond3A_119 {
        %dma_start3A_133 = arith.constant 0 : i32
        %dma_start3A_134 = tpu.memref_slice %arg9[%add3A_104, %dma_start3A_133] : memref<40x128xi32, #tpu.memory_space<vmem>> -> memref<1x128xi32, #tpu.memory_space<vmem>>
        %dma_start3A_135 = tpu.memref_squeeze %dma_start3A_134 : memref<1x128xi32, #tpu.memory_space<vmem>> -> memref<128xi32, #tpu.memory_space<vmem>>
        %dma_start3A_136 = arith.constant 0 : i32
        %dma_start3A_137 = arith.constant 0 : i32
        %dma_start3A_138 = tpu.memref_slice %arg5[%dma_start3A_136, %dma_start3A_137] : memref<10000x128xf32, #tpu.memory_space<hbm>> -> memref<10000x128xf32, #tpu.memory_space<hbm>>
        tpu.enqueue_indirect_dma source(%dma_start3A_138 : memref<10000x128xf32, #tpu.memory_space<hbm>>) target(%arg12 : memref<128x128xf32, #tpu.memory_space<vmem>>) offsets(%dma_start3A_135 : memref<128xi32, #tpu.memory_space<vmem>>) semaphore(%arg15 : memref<!tpu.dma_semaphore, #tpu.memory_space<semaphore_mem>>)
      } else {
      }
      %dma_wait3A_120 = arith.constant 0 : i32
      %dma_wait3A_121 = arith.constant 0 : i32
      %dma_wait3A_122 = tpu.memref_slice %arg4[%dma_wait3A_120, %dma_wait3A_121] : memref<10000x128xf32, #tpu.memory_space<hbm>> -> memref<128x128xf32, #tpu.memory_space<hbm>>
      %dma_wait3A_123 = arith.constant 0 : i32
      %dma_wait3A_124 = arith.constant 0 : i32
      %dma_wait3A_125 = tpu.memref_slice %arg4[%dma_wait3A_123, %dma_wait3A_124] : memref<10000x128xf32, #tpu.memory_space<hbm>> -> memref<128x128xf32, #tpu.memory_space<hbm>>
      tpu.wait_dma2 semaphore(%arg14 : memref<!tpu.dma_semaphore, #tpu.memory_space<semaphore_mem>>) src(%dma_wait3A_125 : memref<128x128xf32, #tpu.memory_space<hbm>>) dst(%arg11 : memref<128x128xf32, #tpu.memory_space<vmem>>)
      %sub3A = arith.constant 1 : i32
      %sub3A_126 = arith.subi %add3A_104, %sub3A : i32
      %dma_start3A_127 = arith.constant 0 : i32
      %dma_start3A_128 = tpu.memref_slice %arg10[%sub3A_126, %dma_start3A_127] : memref<40x128xi32, #tpu.memory_space<vmem>> -> memref<1x128xi32, #tpu.memory_space<vmem>>
      %dma_start3A_129 = tpu.memref_squeeze %dma_start3A_128 : memref<1x128xi32, #tpu.memory_space<vmem>> -> memref<128xi32, #tpu.memory_space<vmem>>
      %dma_start3A_130 = arith.constant 0 : i32
      %dma_start3A_131 = arith.constant 0 : i32
      %dma_start3A_132 = tpu.memref_slice %arg13[%dma_start3A_130, %dma_start3A_131] : memref<10240x128xf32, #tpu.memory_space<vmem_shared>> -> memref<10240x128xf32, #tpu.memory_space<vmem_shared>>
      tpu.enqueue_indirect_dma source(%arg11 : memref<128x128xf32, #tpu.memory_space<vmem>>) target(%dma_start3A_132 : memref<10240x128xf32, #tpu.memory_space<vmem_shared>>) offsets(%dma_start3A_129 : memref<128xi32, #tpu.memory_space<vmem>>) semaphore(%arg16 : memref<!tpu.dma_semaphore, #tpu.memory_space<semaphore_mem>>) {add = true}
    }
    %scan3A_8 = arith.constant 20 : i32
    %dma_wait3A = arith.constant 0 : i32
    %dma_wait3A_9 = arith.constant 0 : i32
    %dma_wait3A_10 = tpu.memref_slice %arg4[%dma_wait3A, %dma_wait3A_9] : memref<10000x128xf32, #tpu.memory_space<hbm>> -> memref<128x128xf32, #tpu.memory_space<hbm>>
    %dma_wait3A_11 = arith.constant 0 : i32
    %dma_wait3A_12 = arith.constant 0 : i32
    %dma_wait3A_13 = tpu.memref_slice %arg4[%dma_wait3A_11, %dma_wait3A_12] : memref<10000x128xf32, #tpu.memory_space<hbm>> -> memref<128x128xf32, #tpu.memory_space<hbm>>
    tpu.wait_dma2 semaphore(%arg15 : memref<!tpu.dma_semaphore, #tpu.memory_space<semaphore_mem>>) src(%dma_wait3A_13 : memref<128x128xf32, #tpu.memory_space<hbm>>) dst(%arg12 : memref<128x128xf32, #tpu.memory_space<vmem>>)
    %dma_start3A = arith.constant 39 : i32
    %dma_start3A_14 = arith.constant 0 : i32
    %dma_start3A_15 = tpu.memref_slice %arg10[%dma_start3A, %dma_start3A_14] : memref<40x128xi32, #tpu.memory_space<vmem>> -> memref<1x128xi32, #tpu.memory_space<vmem>>
    %dma_start3A_16 = tpu.memref_squeeze %dma_start3A_15 : memref<1x128xi32, #tpu.memory_space<vmem>> -> memref<128xi32, #tpu.memory_space<vmem>>
    %dma_start3A_17 = arith.constant 0 : i32
    %dma_start3A_18 = arith.constant 0 : i32
    %dma_start3A_19 = tpu.memref_slice %arg13[%dma_start3A_17, %dma_start3A_18] : memref<10240x128xf32, #tpu.memory_space<vmem_shared>> -> memref<10240x128xf32, #tpu.memory_space<vmem_shared>>
    tpu.enqueue_indirect_dma source(%arg12 : memref<128x128xf32, #tpu.memory_space<vmem>>) target(%dma_start3A_19 : memref<10240x128xf32, #tpu.memory_space<vmem_shared>>) offsets(%dma_start3A_16 : memref<128xi32, #tpu.memory_space<vmem>>) semaphore(%arg17 : memref<!tpu.dma_semaphore, #tpu.memory_space<semaphore_mem>>) {add = true}
    %dma_wait3A_20 = arith.constant 0 : i32
    %dma_wait3A_21 = arith.constant 0 : i32
    %dma_wait3A_22 = tpu.memref_slice %arg13[%dma_wait3A_20, %dma_wait3A_21] : memref<10240x128xf32, #tpu.memory_space<vmem_shared>> -> memref<128x128xf32, #tpu.memory_space<vmem_shared>>
    %dma_wait3A_23 = arith.constant 0 : i32
    %dma_wait3A_24 = arith.constant 0 : i32
    %dma_wait3A_25 = tpu.memref_slice %arg13[%dma_wait3A_23, %dma_wait3A_24] : memref<10240x128xf32, #tpu.memory_space<vmem_shared>> -> memref<128x128xf32, #tpu.memory_space<vmem_shared>>
    tpu.wait_dma2 semaphore(%arg16 : memref<!tpu.dma_semaphore, #tpu.memory_space<semaphore_mem>>) src(%arg11 : memref<128x128xf32, #tpu.memory_space<vmem>>) dst(%dma_wait3A_25 : memref<128x128xf32, #tpu.memory_space<vmem_shared>>)
    %dma_wait3A_26 = arith.constant 0 : i32
    %dma_wait3A_27 = arith.constant 0 : i32
    %dma_wait3A_28 = tpu.memref_slice %arg13[%dma_wait3A_26, %dma_wait3A_27] : memref<10240x128xf32, #tpu.memory_space<vmem_shared>> -> memref<128x128xf32, #tpu.memory_space<vmem_shared>>
    %dma_wait3A_29 = arith.constant 0 : i32
    %dma_wait3A_30 = arith.constant 0 : i32
    %dma_wait3A_31 = tpu.memref_slice %arg13[%dma_wait3A_29, %dma_wait3A_30] : memref<10240x128xf32, #tpu.memory_space<vmem_shared>> -> memref<128x128xf32, #tpu.memory_space<vmem_shared>>
    tpu.wait_dma2 semaphore(%arg17 : memref<!tpu.dma_semaphore, #tpu.memory_space<semaphore_mem>>) src(%arg12 : memref<128x128xf32, #tpu.memory_space<vmem>>) dst(%dma_wait3A_31 : memref<128x128xf32, #tpu.memory_space<vmem_shared>>)
    %mul3A_32 = arith.constant 80 : i32
    %mul3A_33 = arith.muli %arg1, %mul3A_32 : i32
    %add3A_34 = arith.constant 40 : i32
    %add3A_35 = arith.addi %mul3A_33, %add3A_34 : i32
    "tpu.region"() ({
      %run_scoped3A = tpu.sem_alloc : memref<!tpu.dma_semaphore, #tpu.memory_space<semaphore_mem>>
      %dma_start3A_77 = arith.constant 0 : i32
      %dma_start3A_78 = tpu.memref_slice %arg2[%add3A_35, %dma_start3A_77] : memref<1280x128xi32, #tpu.memory_space<hbm>> -> memref<40x128xi32, #tpu.memory_space<hbm>>
      %dma_start3A_79 = arith.constant 0 : i32
      %dma_start3A_80 = tpu.memref_slice %arg2[%add3A_35, %dma_start3A_79] : memref<1280x128xi32, #tpu.memory_space<hbm>> -> memref<40x128xi32, #tpu.memory_space<hbm>>
      tpu.enqueue_dma source(%dma_start3A_80 : memref<40x128xi32, #tpu.memory_space<hbm>>) target(%arg9 : memref<40x128xi32, #tpu.memory_space<vmem>>) target_semaphore(%run_scoped3A : memref<!tpu.dma_semaphore, #tpu.memory_space<semaphore_mem>>)
      %dma_wait3A_81 = arith.constant 0 : i32
      %dma_wait3A_82 = tpu.memref_slice %arg2[%add3A_35, %dma_wait3A_81] : memref<1280x128xi32, #tpu.memory_space<hbm>> -> memref<40x128xi32, #tpu.memory_space<hbm>>
      %dma_wait3A_83 = arith.constant 0 : i32
      %dma_wait3A_84 = tpu.memref_slice %arg2[%add3A_35, %dma_wait3A_83] : memref<1280x128xi32, #tpu.memory_space<hbm>> -> memref<40x128xi32, #tpu.memory_space<hbm>>
      tpu.wait_dma2 semaphore(%run_scoped3A : memref<!tpu.dma_semaphore, #tpu.memory_space<semaphore_mem>>) src(%dma_wait3A_84 : memref<40x128xi32, #tpu.memory_space<hbm>>) dst(%arg9 : memref<40x128xi32, #tpu.memory_space<vmem>>)
      tpu.yield
    }) : () -> ()
    "tpu.region"() ({
      %run_scoped3A = tpu.sem_alloc : memref<!tpu.dma_semaphore, #tpu.memory_space<semaphore_mem>>
      %dma_start3A_77 = arith.constant 0 : i32
      %dma_start3A_78 = tpu.memref_slice %arg3[%add3A_35, %dma_start3A_77] : memref<1280x128xi32, #tpu.memory_space<hbm>> -> memref<40x128xi32, #tpu.memory_space<hbm>>
      %dma_start3A_79 = arith.constant 0 : i32
      %dma_start3A_80 = tpu.memref_slice %arg3[%add3A_35, %dma_start3A_79] : memref<1280x128xi32, #tpu.memory_space<hbm>> -> memref<40x128xi32, #tpu.memory_space<hbm>>
      tpu.enqueue_dma source(%dma_start3A_80 : memref<40x128xi32, #tpu.memory_space<hbm>>) target(%arg10 : memref<40x128xi32, #tpu.memory_space<vmem>>) target_semaphore(%run_scoped3A : memref<!tpu.dma_semaphore, #tpu.memory_space<semaphore_mem>>)
      %dma_wait3A_81 = arith.constant 0 : i32
      %dma_wait3A_82 = tpu.memref_slice %arg3[%add3A_35, %dma_wait3A_81] : memref<1280x128xi32, #tpu.memory_space<hbm>> -> memref<40x128xi32, #tpu.memory_space<hbm>>
      %dma_wait3A_83 = arith.constant 0 : i32
      %dma_wait3A_84 = tpu.memref_slice %arg3[%add3A_35, %dma_wait3A_83] : memref<1280x128xi32, #tpu.memory_space<hbm>> -> memref<40x128xi32, #tpu.memory_space<hbm>>
      tpu.wait_dma2 semaphore(%run_scoped3A : memref<!tpu.dma_semaphore, #tpu.memory_space<semaphore_mem>>) src(%dma_wait3A_84 : memref<40x128xi32, #tpu.memory_space<hbm>>) dst(%arg10 : memref<40x128xi32, #tpu.memory_space<vmem>>)
      tpu.yield
    }) : () -> ()
    %scan3A_36 = arith.constant 0 : i32
    %scan3A_37 = arith.constant 0 : i32
    %scan3A_38 = arith.constant 20 : i32
    %scan3A_39 = arith.addi %scan3A_37, %scan3A_38 : i32
    %scan3A_40 = arith.constant 1 : i32
    scf.for %scan3A_77 = %scan3A_37 to %scan3A_39 step %scan3A_40  : i32 {
      %mul3A_78 = arith.constant 2 : i32
      %mul3A_79 = arith.muli %scan3A_77, %mul3A_78 : i32
      %add3A_80 = arith.constant 0 : i32
      %add3A_81 = arith.addi %mul3A_79, %add3A_80 : i32
      %gt3A = arith.constant 0 : i32
      %gt3A_82 = arith.cmpi sgt, %scan3A_77, %gt3A : i32
      %convert_element_type3A_83 = arith.extui %gt3A_82 : i1 to i32
      %cond3A_84 = arith.constant 0 : i32
      %cond3A_85 = arith.cmpi ne, %convert_element_type3A_83, %cond3A_84 : i32
      scf.if %cond3A_85 {
        %dma_wait3A_133 = arith.constant 0 : i32
        %dma_wait3A_134 = arith.constant 0 : i32
        %dma_wait3A_135 = tpu.memref_slice %arg13[%dma_wait3A_133, %dma_wait3A_134] : memref<10240x128xf32, #tpu.memory_space<vmem_shared>> -> memref<128x128xf32, #tpu.memory_space<vmem_shared>>
        %dma_wait3A_136 = arith.constant 0 : i32
        %dma_wait3A_137 = arith.constant 0 : i32
        %dma_wait3A_138 = tpu.memref_slice %arg13[%dma_wait3A_136, %dma_wait3A_137] : memref<10240x128xf32, #tpu.memory_space<vmem_shared>> -> memref<128x128xf32, #tpu.memory_space<vmem_shared>>
        tpu.wait_dma2 semaphore(%arg16 : memref<!tpu.dma_semaphore, #tpu.memory_space<semaphore_mem>>) src(%arg11 : memref<128x128xf32, #tpu.memory_space<vmem>>) dst(%dma_wait3A_138 : memref<128x128xf32, #tpu.memory_space<vmem_shared>>)
      } else {
      }
      %eq3A_86 = arith.constant 0 : i32
      %eq3A_87 = arith.cmpi eq, %arg0, %eq3A_86 : i32
      %convert_element_type3A_88 = arith.extui %eq3A_87 : i1 to i32
      %cond3A_89 = arith.constant 0 : i32
      %cond3A_90 = arith.cmpi ne, %convert_element_type3A_88, %cond3A_89 : i32
      scf.if %cond3A_90 {
        %dma_start3A_133 = arith.constant 0 : i32
        %dma_start3A_134 = tpu.memref_slice %arg9[%add3A_81, %dma_start3A_133] : memref<40x128xi32, #tpu.memory_space<vmem>> -> memref<1x128xi32, #tpu.memory_space<vmem>>
        %dma_start3A_135 = tpu.memref_squeeze %dma_start3A_134 : memref<1x128xi32, #tpu.memory_space<vmem>> -> memref<128xi32, #tpu.memory_space<vmem>>
        %dma_start3A_136 = arith.constant 0 : i32
        %dma_start3A_137 = arith.constant 0 : i32
        %dma_start3A_138 = tpu.memref_slice %arg4[%dma_start3A_136, %dma_start3A_137] : memref<10000x128xf32, #tpu.memory_space<hbm>> -> memref<10000x128xf32, #tpu.memory_space<hbm>>
        tpu.enqueue_indirect_dma source(%dma_start3A_138 : memref<10000x128xf32, #tpu.memory_space<hbm>>) target(%arg11 : memref<128x128xf32, #tpu.memory_space<vmem>>) offsets(%dma_start3A_135 : memref<128xi32, #tpu.memory_space<vmem>>) semaphore(%arg14 : memref<!tpu.dma_semaphore, #tpu.memory_space<semaphore_mem>>)
      } else {
      }
      %eq3A_91 = arith.constant 1 : i32
      %eq3A_92 = arith.cmpi eq, %arg0, %eq3A_91 : i32
      %convert_element_type3A_93 = arith.extui %eq3A_92 : i1 to i32
      %cond3A_94 = arith.constant 0 : i32
      %cond3A_95 = arith.cmpi ne, %convert_element_type3A_93, %cond3A_94 : i32
      scf.if %cond3A_95 {
        %dma_start3A_133 = arith.constant 0 : i32
        %dma_start3A_134 = tpu.memref_slice %arg9[%add3A_81, %dma_start3A_133] : memref<40x128xi32, #tpu.memory_space<vmem>> -> memref<1x128xi32, #tpu.memory_space<vmem>>
        %dma_start3A_135 = tpu.memref_squeeze %dma_start3A_134 : memref<1x128xi32, #tpu.memory_space<vmem>> -> memref<128xi32, #tpu.memory_space<vmem>>
        %dma_start3A_136 = arith.constant 0 : i32
        %dma_start3A_137 = arith.constant 0 : i32
        %dma_start3A_138 = tpu.memref_slice %arg5[%dma_start3A_136, %dma_start3A_137] : memref<10000x128xf32, #tpu.memory_space<hbm>> -> memref<10000x128xf32, #tpu.memory_space<hbm>>
        tpu.enqueue_indirect_dma source(%dma_start3A_138 : memref<10000x128xf32, #tpu.memory_space<hbm>>) target(%arg11 : memref<128x128xf32, #tpu.memory_space<vmem>>) offsets(%dma_start3A_135 : memref<128xi32, #tpu.memory_space<vmem>>) semaphore(%arg14 : memref<!tpu.dma_semaphore, #tpu.memory_space<semaphore_mem>>)
      } else {
      }
      %gt3A_96 = arith.constant 0 : i32
      %gt3A_97 = arith.cmpi sgt, %scan3A_77, %gt3A_96 : i32
      %convert_element_type3A_98 = arith.extui %gt3A_97 : i1 to i32
      %cond3A_99 = arith.constant 0 : i32
      %cond3A_100 = arith.cmpi ne, %convert_element_type3A_98, %cond3A_99 : i32
      scf.if %cond3A_100 {
        %dma_wait3A_133 = arith.constant 0 : i32
        %dma_wait3A_134 = arith.constant 0 : i32
        %dma_wait3A_135 = tpu.memref_slice %arg4[%dma_wait3A_133, %dma_wait3A_134] : memref<10000x128xf32, #tpu.memory_space<hbm>> -> memref<128x128xf32, #tpu.memory_space<hbm>>
        %dma_wait3A_136 = arith.constant 0 : i32
        %dma_wait3A_137 = arith.constant 0 : i32
        %dma_wait3A_138 = tpu.memref_slice %arg4[%dma_wait3A_136, %dma_wait3A_137] : memref<10000x128xf32, #tpu.memory_space<hbm>> -> memref<128x128xf32, #tpu.memory_space<hbm>>
        tpu.wait_dma2 semaphore(%arg15 : memref<!tpu.dma_semaphore, #tpu.memory_space<semaphore_mem>>) src(%dma_wait3A_138 : memref<128x128xf32, #tpu.memory_space<hbm>>) dst(%arg12 : memref<128x128xf32, #tpu.memory_space<vmem>>)
        %sub3A_139 = arith.constant 1 : i32
        %sub3A_140 = arith.subi %add3A_81, %sub3A_139 : i32
        %dma_start3A_141 = arith.constant 0 : i32
        %dma_start3A_142 = tpu.memref_slice %arg10[%sub3A_140, %dma_start3A_141] : memref<40x128xi32, #tpu.memory_space<vmem>> -> memref<1x128xi32, #tpu.memory_space<vmem>>
        %dma_start3A_143 = tpu.memref_squeeze %dma_start3A_142 : memref<1x128xi32, #tpu.memory_space<vmem>> -> memref<128xi32, #tpu.memory_space<vmem>>
        %dma_start3A_144 = arith.constant 0 : i32
        %dma_start3A_145 = arith.constant 0 : i32
        %dma_start3A_146 = tpu.memref_slice %arg13[%dma_start3A_144, %dma_start3A_145] : memref<10240x128xf32, #tpu.memory_space<vmem_shared>> -> memref<10240x128xf32, #tpu.memory_space<vmem_shared>>
        tpu.enqueue_indirect_dma source(%arg12 : memref<128x128xf32, #tpu.memory_space<vmem>>) target(%dma_start3A_146 : memref<10240x128xf32, #tpu.memory_space<vmem_shared>>) offsets(%dma_start3A_143 : memref<128xi32, #tpu.memory_space<vmem>>) semaphore(%arg17 : memref<!tpu.dma_semaphore, #tpu.memory_space<semaphore_mem>>) {add = true}
      } else {
      }
      %mul3A_101 = arith.constant 2 : i32
      %mul3A_102 = arith.muli %scan3A_77, %mul3A_101 : i32
      %add3A_103 = arith.constant 1 : i32
      %add3A_104 = arith.addi %mul3A_102, %add3A_103 : i32
      %gt3A_105 = arith.constant 0 : i32
      %gt3A_106 = arith.cmpi sgt, %scan3A_77, %gt3A_105 : i32
      %convert_element_type3A_107 = arith.extui %gt3A_106 : i1 to i32
      %cond3A_108 = arith.constant 0 : i32
      %cond3A_109 = arith.cmpi ne, %convert_element_type3A_107, %cond3A_108 : i32
      scf.if %cond3A_109 {
        %dma_wait3A_133 = arith.constant 0 : i32
        %dma_wait3A_134 = arith.constant 0 : i32
        %dma_wait3A_135 = tpu.memref_slice %arg13[%dma_wait3A_133, %dma_wait3A_134] : memref<10240x128xf32, #tpu.memory_space<vmem_shared>> -> memref<128x128xf32, #tpu.memory_space<vmem_shared>>
        %dma_wait3A_136 = arith.constant 0 : i32
        %dma_wait3A_137 = arith.constant 0 : i32
        %dma_wait3A_138 = tpu.memref_slice %arg13[%dma_wait3A_136, %dma_wait3A_137] : memref<10240x128xf32, #tpu.memory_space<vmem_shared>> -> memref<128x128xf32, #tpu.memory_space<vmem_shared>>
        tpu.wait_dma2 semaphore(%arg17 : memref<!tpu.dma_semaphore, #tpu.memory_space<semaphore_mem>>) src(%arg12 : memref<128x128xf32, #tpu.memory_space<vmem>>) dst(%dma_wait3A_138 : memref<128x128xf32, #tpu.memory_space<vmem_shared>>)
      } else {
      }
      %eq3A_110 = arith.constant 0 : i32
      %eq3A_111 = arith.cmpi eq, %arg0, %eq3A_110 : i32
      %convert_element_type3A_112 = arith.extui %eq3A_111 : i1 to i32
      %cond3A_113 = arith.constant 0 : i32
      %cond3A_114 = arith.cmpi ne, %convert_element_type3A_112, %cond3A_113 : i32
      scf.if %cond3A_114 {
        %dma_start3A_133 = arith.constant 0 : i32
        %dma_start3A_134 = tpu.memref_slice %arg9[%add3A_104, %dma_start3A_133] : memref<40x128xi32, #tpu.memory_space<vmem>> -> memref<1x128xi32, #tpu.memory_space<vmem>>
        %dma_start3A_135 = tpu.memref_squeeze %dma_start3A_134 : memref<1x128xi32, #tpu.memory_space<vmem>> -> memref<128xi32, #tpu.memory_space<vmem>>
        %dma_start3A_136 = arith.constant 0 : i32
        %dma_start3A_137 = arith.constant 0 : i32
        %dma_start3A_138 = tpu.memref_slice %arg4[%dma_start3A_136, %dma_start3A_137] : memref<10000x128xf32, #tpu.memory_space<hbm>> -> memref<10000x128xf32, #tpu.memory_space<hbm>>
        tpu.enqueue_indirect_dma source(%dma_start3A_138 : memref<10000x128xf32, #tpu.memory_space<hbm>>) target(%arg12 : memref<128x128xf32, #tpu.memory_space<vmem>>) offsets(%dma_start3A_135 : memref<128xi32, #tpu.memory_space<vmem>>) semaphore(%arg15 : memref<!tpu.dma_semaphore, #tpu.memory_space<semaphore_mem>>)
      } else {
      }
      %eq3A_115 = arith.constant 1 : i32
      %eq3A_116 = arith.cmpi eq, %arg0, %eq3A_115 : i32
      %convert_element_type3A_117 = arith.extui %eq3A_116 : i1 to i32
      %cond3A_118 = arith.constant 0 : i32
      %cond3A_119 = arith.cmpi ne, %convert_element_type3A_117, %cond3A_118 : i32
      scf.if %cond3A_119 {
        %dma_start3A_133 = arith.constant 0 : i32
        %dma_start3A_134 = tpu.memref_slice %arg9[%add3A_104, %dma_start3A_133] : memref<40x128xi32, #tpu.memory_space<vmem>> -> memref<1x128xi32, #tpu.memory_space<vmem>>
        %dma_start3A_135 = tpu.memref_squeeze %dma_start3A_134 : memref<1x128xi32, #tpu.memory_space<vmem>> -> memref<128xi32, #tpu.memory_space<vmem>>
        %dma_start3A_136 = arith.constant 0 : i32
        %dma_start3A_137 = arith.constant 0 : i32
        %dma_start3A_138 = tpu.memref_slice %arg5[%dma_start3A_136, %dma_start3A_137] : memref<10000x128xf32, #tpu.memory_space<hbm>> -> memref<10000x128xf32, #tpu.memory_space<hbm>>
        tpu.enqueue_indirect_dma source(%dma_start3A_138 : memref<10000x128xf32, #tpu.memory_space<hbm>>) target(%arg12 : memref<128x128xf32, #tpu.memory_space<vmem>>) offsets(%dma_start3A_135 : memref<128xi32, #tpu.memory_space<vmem>>) semaphore(%arg15 : memref<!tpu.dma_semaphore, #tpu.memory_space<semaphore_mem>>)
      } else {
      }
      %dma_wait3A_120 = arith.constant 0 : i32
      %dma_wait3A_121 = arith.constant 0 : i32
      %dma_wait3A_122 = tpu.memref_slice %arg4[%dma_wait3A_120, %dma_wait3A_121] : memref<10000x128xf32, #tpu.memory_space<hbm>> -> memref<128x128xf32, #tpu.memory_space<hbm>>
      %dma_wait3A_123 = arith.constant 0 : i32
      %dma_wait3A_124 = arith.constant 0 : i32
      %dma_wait3A_125 = tpu.memref_slice %arg4[%dma_wait3A_123, %dma_wait3A_124] : memref<10000x128xf32, #tpu.memory_space<hbm>> -> memref<128x128xf32, #tpu.memory_space<hbm>>
      tpu.wait_dma2 semaphore(%arg14 : memref<!tpu.dma_semaphore, #tpu.memory_space<semaphore_mem>>) src(%dma_wait3A_125 : memref<128x128xf32, #tpu.memory_space<hbm>>) dst(%arg11 : memref<128x128xf32, #tpu.memory_space<vmem>>)
      %sub3A = arith.constant 1 : i32
      %sub3A_126 = arith.subi %add3A_104, %sub3A : i32
      %dma_start3A_127 = arith.constant 0 : i32
      %dma_start3A_128 = tpu.memref_slice %arg10[%sub3A_126, %dma_start3A_127] : memref<40x128xi32, #tpu.memory_space<vmem>> -> memref<1x128xi32, #tpu.memory_space<vmem>>
      %dma_start3A_129 = tpu.memref_squeeze %dma_start3A_128 : memref<1x128xi32, #tpu.memory_space<vmem>> -> memref<128xi32, #tpu.memory_space<vmem>>
      %dma_start3A_130 = arith.constant 0 : i32
      %dma_start3A_131 = arith.constant 0 : i32
      %dma_start3A_132 = tpu.memref_slice %arg13[%dma_start3A_130, %dma_start3A_131] : memref<10240x128xf32, #tpu.memory_space<vmem_shared>> -> memref<10240x128xf32, #tpu.memory_space<vmem_shared>>
      tpu.enqueue_indirect_dma source(%arg11 : memref<128x128xf32, #tpu.memory_space<vmem>>) target(%dma_start3A_132 : memref<10240x128xf32, #tpu.memory_space<vmem_shared>>) offsets(%dma_start3A_129 : memref<128xi32, #tpu.memory_space<vmem>>) semaphore(%arg16 : memref<!tpu.dma_semaphore, #tpu.memory_space<semaphore_mem>>) {add = true}
    }
    %scan3A_41 = arith.constant 20 : i32
    %dma_wait3A_42 = arith.constant 0 : i32
    %dma_wait3A_43 = arith.constant 0 : i32
    %dma_wait3A_44 = tpu.memref_slice %arg4[%dma_wait3A_42, %dma_wait3A_43] : memref<10000x128xf32, #tpu.memory_space<hbm>> -> memref<128x128xf32, #tpu.memory_space<hbm>>
    %dma_wait3A_45 = arith.constant 0 : i32
    %dma_wait3A_46 = arith.constant 0 : i32
    %dma_wait3A_47 = tpu.memref_slice %arg4[%dma_wait3A_45, %dma_wait3A_46] : memref<10000x128xf32, #tpu.memory_space<hbm>> -> memref<128x128xf32, #tpu.memory_space<hbm>>
    tpu.wait_dma2 semaphore(%arg15 : memref<!tpu.dma_semaphore, #tpu.memory_space<semaphore_mem>>) src(%dma_wait3A_47 : memref<128x128xf32, #tpu.memory_space<hbm>>) dst(%arg12 : memref<128x128xf32, #tpu.memory_space<vmem>>)
    %dma_start3A_48 = arith.constant 39 : i32
    %dma_start3A_49 = arith.constant 0 : i32
    %dma_start3A_50 = tpu.memref_slice %arg10[%dma_start3A_48, %dma_start3A_49] : memref<40x128xi32, #tpu.memory_space<vmem>> -> memref<1x128xi32, #tpu.memory_space<vmem>>
    %dma_start3A_51 = tpu.memref_squeeze %dma_start3A_50 : memref<1x128xi32, #tpu.memory_space<vmem>> -> memref<128xi32, #tpu.memory_space<vmem>>
    %dma_start3A_52 = arith.constant 0 : i32
    %dma_start3A_53 = arith.constant 0 : i32
    %dma_start3A_54 = tpu.memref_slice %arg13[%dma_start3A_52, %dma_start3A_53] : memref<10240x128xf32, #tpu.memory_space<vmem_shared>> -> memref<10240x128xf32, #tpu.memory_space<vmem_shared>>
    tpu.enqueue_indirect_dma source(%arg12 : memref<128x128xf32, #tpu.memory_space<vmem>>) target(%dma_start3A_54 : memref<10240x128xf32, #tpu.memory_space<vmem_shared>>) offsets(%dma_start3A_51 : memref<128xi32, #tpu.memory_space<vmem>>) semaphore(%arg17 : memref<!tpu.dma_semaphore, #tpu.memory_space<semaphore_mem>>) {add = true}
    %dma_wait3A_55 = arith.constant 0 : i32
    %dma_wait3A_56 = arith.constant 0 : i32
    %dma_wait3A_57 = tpu.memref_slice %arg13[%dma_wait3A_55, %dma_wait3A_56] : memref<10240x128xf32, #tpu.memory_space<vmem_shared>> -> memref<128x128xf32, #tpu.memory_space<vmem_shared>>
    %dma_wait3A_58 = arith.constant 0 : i32
    %dma_wait3A_59 = arith.constant 0 : i32
    %dma_wait3A_60 = tpu.memref_slice %arg13[%dma_wait3A_58, %dma_wait3A_59] : memref<10240x128xf32, #tpu.memory_space<vmem_shared>> -> memref<128x128xf32, #tpu.memory_space<vmem_shared>>
    tpu.wait_dma2 semaphore(%arg16 : memref<!tpu.dma_semaphore, #tpu.memory_space<semaphore_mem>>) src(%arg11 : memref<128x128xf32, #tpu.memory_space<vmem>>) dst(%dma_wait3A_60 : memref<128x128xf32, #tpu.memory_space<vmem_shared>>)
    %dma_wait3A_61 = arith.constant 0 : i32
    %dma_wait3A_62 = arith.constant 0 : i32
    %dma_wait3A_63 = tpu.memref_slice %arg13[%dma_wait3A_61, %dma_wait3A_62] : memref<10240x128xf32, #tpu.memory_space<vmem_shared>> -> memref<128x128xf32, #tpu.memory_space<vmem_shared>>
    %dma_wait3A_64 = arith.constant 0 : i32
    %dma_wait3A_65 = arith.constant 0 : i32
    %dma_wait3A_66 = tpu.memref_slice %arg13[%dma_wait3A_64, %dma_wait3A_65] : memref<10240x128xf32, #tpu.memory_space<vmem_shared>> -> memref<128x128xf32, #tpu.memory_space<vmem_shared>>
    tpu.wait_dma2 semaphore(%arg17 : memref<!tpu.dma_semaphore, #tpu.memory_space<semaphore_mem>>) src(%arg12 : memref<128x128xf32, #tpu.memory_space<vmem>>) dst(%dma_wait3A_66 : memref<128x128xf32, #tpu.memory_space<vmem_shared>>)
    %barrier3A_67 = arith.constant 0 : index
    tpu.barrier barrier_id(%barrier3A_67)
    %mul3A_68 = arith.constant 640 : i32
    %mul3A_69 = arith.muli %arg1, %mul3A_68 : i32
    %eq3A = arith.constant 0 : i32
    %eq3A_70 = arith.cmpi eq, %arg0, %eq3A : i32
    %convert_element_type3A = arith.extui %eq3A_70 : i1 to i32
    %cond3A = arith.constant 0 : i32
    %cond3A_71 = arith.cmpi ne, %convert_element_type3A, %cond3A : i32
    scf.if %cond3A_71 {
      "tpu.region"() ({
        %run_scoped3A = tpu.sem_alloc : memref<!tpu.dma_semaphore, #tpu.memory_space<semaphore_mem>>
        %dma_start3A_77 = arith.constant 0 : i32
        %dma_start3A_78 = tpu.memref_slice %arg7[%mul3A_69, %dma_start3A_77] : memref<10240x128xf32, #tpu.memory_space<hbm>> -> memref<640x128xf32, #tpu.memory_space<hbm>>
        %dma_start3A_79 = arith.constant 0 : i32
        %dma_start3A_80 = tpu.memref_slice %arg13[%mul3A_69, %dma_start3A_79] : memref<10240x128xf32, #tpu.memory_space<vmem_shared>> -> memref<640x128xf32, #tpu.memory_space<vmem_shared>>
        tpu.enqueue_dma source(%dma_start3A_80 : memref<640x128xf32, #tpu.memory_space<vmem_shared>>) target(%dma_start3A_78 : memref<640x128xf32, #tpu.memory_space<hbm>>) target_semaphore(%run_scoped3A : memref<!tpu.dma_semaphore, #tpu.memory_space<semaphore_mem>>)
        %dma_wait3A_81 = arith.constant 0 : i32
        %dma_wait3A_82 = tpu.memref_slice %arg7[%mul3A_69, %dma_wait3A_81] : memref<10240x128xf32, #tpu.memory_space<hbm>> -> memref<640x128xf32, #tpu.memory_space<hbm>>
        %dma_wait3A_83 = arith.constant 0 : i32
        %dma_wait3A_84 = tpu.memref_slice %arg13[%mul3A_69, %dma_wait3A_83] : memref<10240x128xf32, #tpu.memory_space<vmem_shared>> -> memref<640x128xf32, #tpu.memory_space<vmem_shared>>
        tpu.wait_dma2 semaphore(%run_scoped3A : memref<!tpu.dma_semaphore, #tpu.memory_space<semaphore_mem>>) src(%dma_wait3A_84 : memref<640x128xf32, #tpu.memory_space<vmem_shared>>) dst(%dma_wait3A_82 : memref<640x128xf32, #tpu.memory_space<hbm>>)
        tpu.yield
      }) : () -> ()
    } else {
    }
    %eq3A_72 = arith.constant 1 : i32
    %eq3A_73 = arith.cmpi eq, %arg0, %eq3A_72 : i32
    %convert_element_type3A_74 = arith.extui %eq3A_73 : i1 to i32
    %cond3A_75 = arith.constant 0 : i32
    %cond3A_76 = arith.cmpi ne, %convert_element_type3A_74, %cond3A_75 : i32
    scf.if %cond3A_76 {
      "tpu.region"() ({
        %run_scoped3A = tpu.sem_alloc : memref<!tpu.dma_semaphore, #tpu.memory_space<semaphore_mem>>
        %dma_start3A_77 = arith.constant 0 : i32
        %dma_start3A_78 = tpu.memref_slice %arg8[%mul3A_69, %dma_start3A_77] : memref<10240x128xf32, #tpu.memory_space<hbm>> -> memref<640x128xf32, #tpu.memory_space<hbm>>
        %dma_start3A_79 = arith.constant 0 : i32
        %dma_start3A_80 = tpu.memref_slice %arg13[%mul3A_69, %dma_start3A_79] : memref<10240x128xf32, #tpu.memory_space<vmem_shared>> -> memref<640x128xf32, #tpu.memory_space<vmem_shared>>
        tpu.enqueue_dma source(%dma_start3A_80 : memref<640x128xf32, #tpu.memory_space<vmem_shared>>) target(%dma_start3A_78 : memref<640x128xf32, #tpu.memory_space<hbm>>) target_semaphore(%run_scoped3A : memref<!tpu.dma_semaphore, #tpu.memory_space<semaphore_mem>>)
        %dma_wait3A_81 = arith.constant 0 : i32
        %dma_wait3A_82 = tpu.memref_slice %arg8[%mul3A_69, %dma_wait3A_81] : memref<10240x128xf32, #tpu.memory_space<hbm>> -> memref<640x128xf32, #tpu.memory_space<hbm>>
        %dma_wait3A_83 = arith.constant 0 : i32
        %dma_wait3A_84 = tpu.memref_slice %arg13[%mul3A_69, %dma_wait3A_83] : memref<10240x128xf32, #tpu.memory_space<vmem_shared>> -> memref<640x128xf32, #tpu.memory_space<vmem_shared>>
        tpu.wait_dma2 semaphore(%run_scoped3A : memref<!tpu.dma_semaphore, #tpu.memory_space<semaphore_mem>>) src(%dma_wait3A_84 : memref<640x128xf32, #tpu.memory_space<vmem_shared>>) dst(%dma_wait3A_82 : memref<640x128xf32, #tpu.memory_space<hbm>>)
        tpu.yield
      }) : () -> ()
    } else {
    }
    return
  }
}

#map = affine_map<(d0, d1) -> (0, 0)>
module attributes {stable_mosaic.version = 14 : i64} {
  func.func @_segsum_body(%arg0: i32, %arg1: i32, %arg2: memref<1280x128xi32, #tpu.memory_space<hbm>>, %arg3: memref<1280x128xi32, #tpu.memory_space<hbm>>, %arg4: memref<10000x128xf32, #tpu.memory_space<hbm>>, %arg5: memref<10000x128xf32, #tpu.memory_space<hbm>>, %arg6: memref<640x128xf32, #tpu.memory_space<hbm>>, %arg7: memref<10240x128xf32, #tpu.memory_space<hbm>>, %arg8: memref<10240x128xf32, #tpu.memory_space<hbm>>, %arg9: memref<40x128xi32, #tpu.memory_space<vmem>>, %arg10: memref<40x128xi32, #tpu.memory_space<vmem>>, %arg11: memref<128x128xf32, #tpu.memory_space<vmem>>, %arg12: memref<128x128xf32, #tpu.memory_space<vmem>>, %arg13: memref<10240x128xf32, #tpu.memory_space<vmem_shared>>, %arg14: memref<!tpu.dma_semaphore, #tpu.memory_space<semaphore_mem>>, %arg15: memref<!tpu.dma_semaphore, #tpu.memory_space<semaphore_mem>>, %arg16: memref<!tpu.dma_semaphore, #tpu.memory_space<semaphore_mem>>, %arg17: memref<!tpu.dma_semaphore, #tpu.memory_space<semaphore_mem>>) attributes {dimension_semantics = [#tpu.dimension_semantics<core_parallel>, #tpu.dimension_semantics<subcore_parallel>], iteration_bounds = array<i64: 2, 16>, scalar_prefetch = 0 : i64, scratch_operands = 9 : i64, tpu.core_type = #tpu.core_type<sc_vector_subcore>, window_params = [{transform_indices = #map}, {transform_indices = #map}, {transform_indices = #map}, {transform_indices = #map}, {transform_indices = #map}, {transform_indices = #map}, {transform_indices = #map}]} {
    %mul3A = arith.constant 640 : i32
    %mul3A_0 = arith.muli %arg1, %mul3A : i32
    "tpu.region"() ({
      %run_scoped3A = tpu.sem_alloc : memref<!tpu.dma_semaphore, #tpu.memory_space<semaphore_mem>>
      %dma_start3A_77 = arith.constant 0 : i32
      %dma_start3A_78 = tpu.memref_slice %arg13[%mul3A_0, %dma_start3A_77] : memref<10240x128xf32, #tpu.memory_space<vmem_shared>> -> memref<640x128xf32, #tpu.memory_space<vmem_shared>>
      tpu.enqueue_dma source(%arg6 : memref<640x128xf32, #tpu.memory_space<hbm>>) target(%dma_start3A_78 : memref<640x128xf32, #tpu.memory_space<vmem_shared>>) target_semaphore(%run_scoped3A : memref<!tpu.dma_semaphore, #tpu.memory_space<semaphore_mem>>)
      %dma_wait3A_79 = arith.constant 0 : i32
      %dma_wait3A_80 = tpu.memref_slice %arg13[%mul3A_0, %dma_wait3A_79] : memref<10240x128xf32, #tpu.memory_space<vmem_shared>> -> memref<640x128xf32, #tpu.memory_space<vmem_shared>>
      tpu.wait_dma2 semaphore(%run_scoped3A : memref<!tpu.dma_semaphore, #tpu.memory_space<semaphore_mem>>) src(%arg6 : memref<640x128xf32, #tpu.memory_space<hbm>>) dst(%dma_wait3A_80 : memref<640x128xf32, #tpu.memory_space<vmem_shared>>)
      tpu.yield
    }) : () -> ()
    %barrier3A = arith.constant 0 : index
    tpu.barrier barrier_id(%barrier3A)
    %mul3A_1 = arith.constant 80 : i32
    %mul3A_2 = arith.muli %arg1, %mul3A_1 : i32
    %add3A = arith.constant 0 : i32
    %add3A_3 = arith.addi %mul3A_2, %add3A : i32
    "tpu.region"() ({
      %run_scoped3A = tpu.sem_alloc : memref<!tpu.dma_semaphore, #tpu.memory_space<semaphore_mem>>
      %dma_start3A_77 = arith.constant 0 : i32
      %dma_start3A_78 = tpu.memref_slice %arg2[%add3A_3, %dma_start3A_77] : memref<1280x128xi32, #tpu.memory_space<hbm>> -> memref<40x128xi32, #tpu.memory_space<hbm>>
      %dma_start3A_79 = arith.constant 0 : i32
      %dma_start3A_80 = tpu.memref_slice %arg2[%add3A_3, %dma_start3A_79] : memref<1280x128xi32, #tpu.memory_space<hbm>> -> memref<40x128xi32, #tpu.memory_space<hbm>>
      tpu.enqueue_dma source(%dma_start3A_80 : memref<40x128xi32, #tpu.memory_space<hbm>>) target(%arg9 : memref<40x128xi32, #tpu.memory_space<vmem>>) target_semaphore(%run_scoped3A : memref<!tpu.dma_semaphore, #tpu.memory_space<semaphore_mem>>)
      %dma_wait3A_81 = arith.constant 0 : i32
      %dma_wait3A_82 = tpu.memref_slice %arg2[%add3A_3, %dma_wait3A_81] : memref<1280x128xi32, #tpu.memory_space<hbm>> -> memref<40x128xi32, #tpu.memory_space<hbm>>
      %dma_wait3A_83 = arith.constant 0 : i32
      %dma_wait3A_84 = tpu.memref_slice %arg2[%add3A_3, %dma_wait3A_83] : memref<1280x128xi32, #tpu.memory_space<hbm>> -> memref<40x128xi32, #tpu.memory_space<hbm>>
      tpu.wait_dma2 semaphore(%run_scoped3A : memref<!tpu.dma_semaphore, #tpu.memory_space<semaphore_mem>>) src(%dma_wait3A_84 : memref<40x128xi32, #tpu.memory_space<hbm>>) dst(%arg9 : memref<40x128xi32, #tpu.memory_space<vmem>>)
      tpu.yield
    }) : () -> ()
    "tpu.region"() ({
      %run_scoped3A = tpu.sem_alloc : memref<!tpu.dma_semaphore, #tpu.memory_space<semaphore_mem>>
      %dma_start3A_77 = arith.constant 0 : i32
      %dma_start3A_78 = tpu.memref_slice %arg3[%add3A_3, %dma_start3A_77] : memref<1280x128xi32, #tpu.memory_space<hbm>> -> memref<40x128xi32, #tpu.memory_space<hbm>>
      %dma_start3A_79 = arith.constant 0 : i32
      %dma_start3A_80 = tpu.memref_slice %arg3[%add3A_3, %dma_start3A_79] : memref<1280x128xi32, #tpu.memory_space<hbm>> -> memref<40x128xi32, #tpu.memory_space<hbm>>
      tpu.enqueue_dma source(%dma_start3A_80 : memref<40x128xi32, #tpu.memory_space<hbm>>) target(%arg10 : memref<40x128xi32, #tpu.memory_space<vmem>>) target_semaphore(%run_scoped3A : memref<!tpu.dma_semaphore, #tpu.memory_space<semaphore_mem>>)
      %dma_wait3A_81 = arith.constant 0 : i32
      %dma_wait3A_82 = tpu.memref_slice %arg3[%add3A_3, %dma_wait3A_81] : memref<1280x128xi32, #tpu.memory_space<hbm>> -> memref<40x128xi32, #tpu.memory_space<hbm>>
      %dma_wait3A_83 = arith.constant 0 : i32
      %dma_wait3A_84 = tpu.memref_slice %arg3[%add3A_3, %dma_wait3A_83] : memref<1280x128xi32, #tpu.memory_space<hbm>> -> memref<40x128xi32, #tpu.memory_space<hbm>>
      tpu.wait_dma2 semaphore(%run_scoped3A : memref<!tpu.dma_semaphore, #tpu.memory_space<semaphore_mem>>) src(%dma_wait3A_84 : memref<40x128xi32, #tpu.memory_space<hbm>>) dst(%arg10 : memref<40x128xi32, #tpu.memory_space<vmem>>)
      tpu.yield
    }) : () -> ()
    %scan3A = arith.constant 0 : i32
    %scan3A_4 = arith.constant 0 : i32
    %scan3A_5 = arith.constant 20 : i32
    %scan3A_6 = arith.addi %scan3A_4, %scan3A_5 : i32
    %scan3A_7 = arith.constant 1 : i32
    scf.for %scan3A_77 = %scan3A_4 to %scan3A_6 step %scan3A_7  : i32 {
      %mul3A_78 = arith.constant 2 : i32
      %mul3A_79 = arith.muli %scan3A_77, %mul3A_78 : i32
      %add3A_80 = arith.constant 0 : i32
      %add3A_81 = arith.addi %mul3A_79, %add3A_80 : i32
      %gt3A = arith.constant 0 : i32
      %gt3A_82 = arith.cmpi sgt, %scan3A_77, %gt3A : i32
      %convert_element_type3A_83 = arith.extui %gt3A_82 : i1 to i32
      %cond3A_84 = arith.constant 0 : i32
      %cond3A_85 = arith.cmpi ne, %convert_element_type3A_83, %cond3A_84 : i32
      scf.if %cond3A_85 {
        %dma_wait3A_133 = arith.constant 0 : i32
        %dma_wait3A_134 = arith.constant 0 : i32
        %dma_wait3A_135 = tpu.memref_slice %arg13[%dma_wait3A_133, %dma_wait3A_134] : memref<10240x128xf32, #tpu.memory_space<vmem_shared>> -> memref<128x128xf32, #tpu.memory_space<vmem_shared>>
        %dma_wait3A_136 = arith.constant 0 : i32
        %dma_wait3A_137 = arith.constant 0 : i32
        %dma_wait3A_138 = tpu.memref_slice %arg13[%dma_wait3A_136, %dma_wait3A_137] : memref<10240x128xf32, #tpu.memory_space<vmem_shared>> -> memref<128x128xf32, #tpu.memory_space<vmem_shared>>
        tpu.wait_dma2 semaphore(%arg16 : memref<!tpu.dma_semaphore, #tpu.memory_space<semaphore_mem>>) src(%arg11 : memref<128x128xf32, #tpu.memory_space<vmem>>) dst(%dma_wait3A_138 : memref<128x128xf32, #tpu.memory_space<vmem_shared>>)
      } else {
      }
      %eq3A_86 = arith.constant 0 : i32
      %eq3A_87 = arith.cmpi eq, %arg0, %eq3A_86 : i32
      %convert_element_type3A_88 = arith.extui %eq3A_87 : i1 to i32
      %cond3A_89 = arith.constant 0 : i32
      %cond3A_90 = arith.cmpi ne, %convert_element_type3A_88, %cond3A_89 : i32
      scf.if %cond3A_90 {
        %dma_start3A_133 = arith.constant 0 : i32
        %dma_start3A_134 = tpu.memref_slice %arg9[%add3A_81, %dma_start3A_133] : memref<40x128xi32, #tpu.memory_space<vmem>> -> memref<1x128xi32, #tpu.memory_space<vmem>>
        %dma_start3A_135 = tpu.memref_squeeze %dma_start3A_134 : memref<1x128xi32, #tpu.memory_space<vmem>> -> memref<128xi32, #tpu.memory_space<vmem>>
        %dma_start3A_136 = arith.constant 0 : i32
        %dma_start3A_137 = arith.constant 0 : i32
        %dma_start3A_138 = tpu.memref_slice %arg4[%dma_start3A_136, %dma_start3A_137] : memref<10000x128xf32, #tpu.memory_space<hbm>> -> memref<10000x128xf32, #tpu.memory_space<hbm>>
        tpu.enqueue_indirect_dma source(%dma_start3A_138 : memref<10000x128xf32, #tpu.memory_space<hbm>>) target(%arg11 : memref<128x128xf32, #tpu.memory_space<vmem>>) offsets(%dma_start3A_135 : memref<128xi32, #tpu.memory_space<vmem>>) semaphore(%arg14 : memref<!tpu.dma_semaphore, #tpu.memory_space<semaphore_mem>>)
      } else {
      }
      %eq3A_91 = arith.constant 1 : i32
      %eq3A_92 = arith.cmpi eq, %arg0, %eq3A_91 : i32
      %convert_element_type3A_93 = arith.extui %eq3A_92 : i1 to i32
      %cond3A_94 = arith.constant 0 : i32
      %cond3A_95 = arith.cmpi ne, %convert_element_type3A_93, %cond3A_94 : i32
      scf.if %cond3A_95 {
        %dma_start3A_133 = arith.constant 0 : i32
        %dma_start3A_134 = tpu.memref_slice %arg9[%add3A_81, %dma_start3A_133] : memref<40x128xi32, #tpu.memory_space<vmem>> -> memref<1x128xi32, #tpu.memory_space<vmem>>
        %dma_start3A_135 = tpu.memref_squeeze %dma_start3A_134 : memref<1x128xi32, #tpu.memory_space<vmem>> -> memref<128xi32, #tpu.memory_space<vmem>>
        %dma_start3A_136 = arith.constant 0 : i32
        %dma_start3A_137 = arith.constant 0 : i32
        %dma_start3A_138 = tpu.memref_slice %arg5[%dma_start3A_136, %dma_start3A_137] : memref<10000x128xf32, #tpu.memory_space<hbm>> -> memref<10000x128xf32, #tpu.memory_space<hbm>>
        tpu.enqueue_indirect_dma source(%dma_start3A_138 : memref<10000x128xf32, #tpu.memory_space<hbm>>) target(%arg11 : memref<128x128xf32, #tpu.memory_space<vmem>>) offsets(%dma_start3A_135 : memref<128xi32, #tpu.memory_space<vmem>>) semaphore(%arg14 : memref<!tpu.dma_semaphore, #tpu.memory_space<semaphore_mem>>)
      } else {
      }
      %gt3A_96 = arith.constant 0 : i32
      %gt3A_97 = arith.cmpi sgt, %scan3A_77, %gt3A_96 : i32
      %convert_element_type3A_98 = arith.extui %gt3A_97 : i1 to i32
      %cond3A_99 = arith.constant 0 : i32
      %cond3A_100 = arith.cmpi ne, %convert_element_type3A_98, %cond3A_99 : i32
      scf.if %cond3A_100 {
        %dma_wait3A_133 = arith.constant 0 : i32
        %dma_wait3A_134 = arith.constant 0 : i32
        %dma_wait3A_135 = tpu.memref_slice %arg4[%dma_wait3A_133, %dma_wait3A_134] : memref<10000x128xf32, #tpu.memory_space<hbm>> -> memref<128x128xf32, #tpu.memory_space<hbm>>
        %dma_wait3A_136 = arith.constant 0 : i32
        %dma_wait3A_137 = arith.constant 0 : i32
        %dma_wait3A_138 = tpu.memref_slice %arg4[%dma_wait3A_136, %dma_wait3A_137] : memref<10000x128xf32, #tpu.memory_space<hbm>> -> memref<128x128xf32, #tpu.memory_space<hbm>>
        tpu.wait_dma2 semaphore(%arg15 : memref<!tpu.dma_semaphore, #tpu.memory_space<semaphore_mem>>) src(%dma_wait3A_138 : memref<128x128xf32, #tpu.memory_space<hbm>>) dst(%arg12 : memref<128x128xf32, #tpu.memory_space<vmem>>)
        %sub3A_139 = arith.constant 1 : i32
        %sub3A_140 = arith.subi %add3A_81, %sub3A_139 : i32
        %dma_start3A_141 = arith.constant 0 : i32
        %dma_start3A_142 = tpu.memref_slice %arg10[%sub3A_140, %dma_start3A_141] : memref<40x128xi32, #tpu.memory_space<vmem>> -> memref<1x128xi32, #tpu.memory_space<vmem>>
        %dma_start3A_143 = tpu.memref_squeeze %dma_start3A_142 : memref<1x128xi32, #tpu.memory_space<vmem>> -> memref<128xi32, #tpu.memory_space<vmem>>
        %dma_start3A_144 = arith.constant 0 : i32
        %dma_start3A_145 = arith.constant 0 : i32
        %dma_start3A_146 = tpu.memref_slice %arg13[%dma_start3A_144, %dma_start3A_145] : memref<10240x128xf32, #tpu.memory_space<vmem_shared>> -> memref<10240x128xf32, #tpu.memory_space<vmem_shared>>
        tpu.enqueue_indirect_dma source(%arg12 : memref<128x128xf32, #tpu.memory_space<vmem>>) target(%dma_start3A_146 : memref<10240x128xf32, #tpu.memory_space<vmem_shared>>) offsets(%dma_start3A_143 : memref<128xi32, #tpu.memory_space<vmem>>) semaphore(%arg17 : memref<!tpu.dma_semaphore, #tpu.memory_space<semaphore_mem>>) {add = true}
      } else {
      }
      %mul3A_101 = arith.constant 2 : i32
      %mul3A_102 = arith.muli %scan3A_77, %mul3A_101 : i32
      %add3A_103 = arith.constant 1 : i32
      %add3A_104 = arith.addi %mul3A_102, %add3A_103 : i32
      %gt3A_105 = arith.constant 0 : i32
      %gt3A_106 = arith.cmpi sgt, %scan3A_77, %gt3A_105 : i32
      %convert_element_type3A_107 = arith.extui %gt3A_106 : i1 to i32
      %cond3A_108 = arith.constant 0 : i32
      %cond3A_109 = arith.cmpi ne, %convert_element_type3A_107, %cond3A_108 : i32
      scf.if %cond3A_109 {
        %dma_wait3A_133 = arith.constant 0 : i32
        %dma_wait3A_134 = arith.constant 0 : i32
        %dma_wait3A_135 = tpu.memref_slice %arg13[%dma_wait3A_133, %dma_wait3A_134] : memref<10240x128xf32, #tpu.memory_space<vmem_shared>> -> memref<128x128xf32, #tpu.memory_space<vmem_shared>>
        %dma_wait3A_136 = arith.constant 0 : i32
        %dma_wait3A_137 = arith.constant 0 : i32
        %dma_wait3A_138 = tpu.memref_slice %arg13[%dma_wait3A_136, %dma_wait3A_137] : memref<10240x128xf32, #tpu.memory_space<vmem_shared>> -> memref<128x128xf32, #tpu.memory_space<vmem_shared>>
        tpu.wait_dma2 semaphore(%arg17 : memref<!tpu.dma_semaphore, #tpu.memory_space<semaphore_mem>>) src(%arg12 : memref<128x128xf32, #tpu.memory_space<vmem>>) dst(%dma_wait3A_138 : memref<128x128xf32, #tpu.memory_space<vmem_shared>>)
      } else {
      }
      %eq3A_110 = arith.constant 0 : i32
      %eq3A_111 = arith.cmpi eq, %arg0, %eq3A_110 : i32
      %convert_element_type3A_112 = arith.extui %eq3A_111 : i1 to i32
      %cond3A_113 = arith.constant 0 : i32
      %cond3A_114 = arith.cmpi ne, %convert_element_type3A_112, %cond3A_113 : i32
      scf.if %cond3A_114 {
        %dma_start3A_133 = arith.constant 0 : i32
        %dma_start3A_134 = tpu.memref_slice %arg9[%add3A_104, %dma_start3A_133] : memref<40x128xi32, #tpu.memory_space<vmem>> -> memref<1x128xi32, #tpu.memory_space<vmem>>
        %dma_start3A_135 = tpu.memref_squeeze %dma_start3A_134 : memref<1x128xi32, #tpu.memory_space<vmem>> -> memref<128xi32, #tpu.memory_space<vmem>>
        %dma_start3A_136 = arith.constant 0 : i32
        %dma_start3A_137 = arith.constant 0 : i32
        %dma_start3A_138 = tpu.memref_slice %arg4[%dma_start3A_136, %dma_start3A_137] : memref<10000x128xf32, #tpu.memory_space<hbm>> -> memref<10000x128xf32, #tpu.memory_space<hbm>>
        tpu.enqueue_indirect_dma source(%dma_start3A_138 : memref<10000x128xf32, #tpu.memory_space<hbm>>) target(%arg12 : memref<128x128xf32, #tpu.memory_space<vmem>>) offsets(%dma_start3A_135 : memref<128xi32, #tpu.memory_space<vmem>>) semaphore(%arg15 : memref<!tpu.dma_semaphore, #tpu.memory_space<semaphore_mem>>)
      } else {
      }
      %eq3A_115 = arith.constant 1 : i32
      %eq3A_116 = arith.cmpi eq, %arg0, %eq3A_115 : i32
      %convert_element_type3A_117 = arith.extui %eq3A_116 : i1 to i32
      %cond3A_118 = arith.constant 0 : i32
      %cond3A_119 = arith.cmpi ne, %convert_element_type3A_117, %cond3A_118 : i32
      scf.if %cond3A_119 {
        %dma_start3A_133 = arith.constant 0 : i32
        %dma_start3A_134 = tpu.memref_slice %arg9[%add3A_104, %dma_start3A_133] : memref<40x128xi32, #tpu.memory_space<vmem>> -> memref<1x128xi32, #tpu.memory_space<vmem>>
        %dma_start3A_135 = tpu.memref_squeeze %dma_start3A_134 : memref<1x128xi32, #tpu.memory_space<vmem>> -> memref<128xi32, #tpu.memory_space<vmem>>
        %dma_start3A_136 = arith.constant 0 : i32
        %dma_start3A_137 = arith.constant 0 : i32
        %dma_start3A_138 = tpu.memref_slice %arg5[%dma_start3A_136, %dma_start3A_137] : memref<10000x128xf32, #tpu.memory_space<hbm>> -> memref<10000x128xf32, #tpu.memory_space<hbm>>
        tpu.enqueue_indirect_dma source(%dma_start3A_138 : memref<10000x128xf32, #tpu.memory_space<hbm>>) target(%arg12 : memref<128x128xf32, #tpu.memory_space<vmem>>) offsets(%dma_start3A_135 : memref<128xi32, #tpu.memory_space<vmem>>) semaphore(%arg15 : memref<!tpu.dma_semaphore, #tpu.memory_space<semaphore_mem>>)
      } else {
      }
      %dma_wait3A_120 = arith.constant 0 : i32
      %dma_wait3A_121 = arith.constant 0 : i32
      %dma_wait3A_122 = tpu.memref_slice %arg4[%dma_wait3A_120, %dma_wait3A_121] : memref<10000x128xf32, #tpu.memory_space<hbm>> -> memref<128x128xf32, #tpu.memory_space<hbm>>
      %dma_wait3A_123 = arith.constant 0 : i32
      %dma_wait3A_124 = arith.constant 0 : i32
      %dma_wait3A_125 = tpu.memref_slice %arg4[%dma_wait3A_123, %dma_wait3A_124] : memref<10000x128xf32, #tpu.memory_space<hbm>> -> memref<128x128xf32, #tpu.memory_space<hbm>>
      tpu.wait_dma2 semaphore(%arg14 : memref<!tpu.dma_semaphore, #tpu.memory_space<semaphore_mem>>) src(%dma_wait3A_125 : memref<128x128xf32, #tpu.memory_space<hbm>>) dst(%arg11 : memref<128x128xf32, #tpu.memory_space<vmem>>)
      %sub3A = arith.constant 1 : i32
      %sub3A_126 = arith.subi %add3A_104, %sub3A : i32
      %dma_start3A_127 = arith.constant 0 : i32
      %dma_start3A_128 = tpu.memref_slice %arg10[%sub3A_126, %dma_start3A_127] : memref<40x128xi32, #tpu.memory_space<vmem>> -> memref<1x128xi32, #tpu.memory_space<vmem>>
      %dma_start3A_129 = tpu.memref_squeeze %dma_start3A_128 : memref<1x128xi32, #tpu.memory_space<vmem>> -> memref<128xi32, #tpu.memory_space<vmem>>
      %dma_start3A_130 = arith.constant 0 : i32
      %dma_start3A_131 = arith.constant 0 : i32
      %dma_start3A_132 = tpu.memref_slice %arg13[%dma_start3A_130, %dma_start3A_131] : memref<10240x128xf32, #tpu.memory_space<vmem_shared>> -> memref<10240x128xf32, #tpu.memory_space<vmem_shared>>
      tpu.enqueue_indirect_dma source(%arg11 : memref<128x128xf32, #tpu.memory_space<vmem>>) target(%dma_start3A_132 : memref<10240x128xf32, #tpu.memory_space<vmem_shared>>) offsets(%dma_start3A_129 : memref<128xi32, #tpu.memory_space<vmem>>) semaphore(%arg16 : memref<!tpu.dma_semaphore, #tpu.memory_space<semaphore_mem>>) {add = true}
    }
    %scan3A_8 = arith.constant 20 : i32
    %dma_wait3A = arith.constant 0 : i32
    %dma_wait3A_9 = arith.constant 0 : i32
    %dma_wait3A_10 = tpu.memref_slice %arg4[%dma_wait3A, %dma_wait3A_9] : memref<10000x128xf32, #tpu.memory_space<hbm>> -> memref<128x128xf32, #tpu.memory_space<hbm>>
    %dma_wait3A_11 = arith.constant 0 : i32
    %dma_wait3A_12 = arith.constant 0 : i32
    %dma_wait3A_13 = tpu.memref_slice %arg4[%dma_wait3A_11, %dma_wait3A_12] : memref<10000x128xf32, #tpu.memory_space<hbm>> -> memref<128x128xf32, #tpu.memory_space<hbm>>
    tpu.wait_dma2 semaphore(%arg15 : memref<!tpu.dma_semaphore, #tpu.memory_space<semaphore_mem>>) src(%dma_wait3A_13 : memref<128x128xf32, #tpu.memory_space<hbm>>) dst(%arg12 : memref<128x128xf32, #tpu.memory_space<vmem>>)
    %dma_start3A = arith.constant 39 : i32
    %dma_start3A_14 = arith.constant 0 : i32
    %dma_start3A_15 = tpu.memref_slice %arg10[%dma_start3A, %dma_start3A_14] : memref<40x128xi32, #tpu.memory_space<vmem>> -> memref<1x128xi32, #tpu.memory_space<vmem>>
    %dma_start3A_16 = tpu.memref_squeeze %dma_start3A_15 : memref<1x128xi32, #tpu.memory_space<vmem>> -> memref<128xi32, #tpu.memory_space<vmem>>
    %dma_start3A_17 = arith.constant 0 : i32
    %dma_start3A_18 = arith.constant 0 : i32
    %dma_start3A_19 = tpu.memref_slice %arg13[%dma_start3A_17, %dma_start3A_18] : memref<10240x128xf32, #tpu.memory_space<vmem_shared>> -> memref<10240x128xf32, #tpu.memory_space<vmem_shared>>
    tpu.enqueue_indirect_dma source(%arg12 : memref<128x128xf32, #tpu.memory_space<vmem>>) target(%dma_start3A_19 : memref<10240x128xf32, #tpu.memory_space<vmem_shared>>) offsets(%dma_start3A_16 : memref<128xi32, #tpu.memory_space<vmem>>) semaphore(%arg17 : memref<!tpu.dma_semaphore, #tpu.memory_space<semaphore_mem>>) {add = true}
    %dma_wait3A_20 = arith.constant 0 : i32
    %dma_wait3A_21 = arith.constant 0 : i32
    %dma_wait3A_22 = tpu.memref_slice %arg13[%dma_wait3A_20, %dma_wait3A_21] : memref<10240x128xf32, #tpu.memory_space<vmem_shared>> -> memref<128x128xf32, #tpu.memory_space<vmem_shared>>
    %dma_wait3A_23 = arith.constant 0 : i32
    %dma_wait3A_24 = arith.constant 0 : i32
    %dma_wait3A_25 = tpu.memref_slice %arg13[%dma_wait3A_23, %dma_wait3A_24] : memref<10240x128xf32, #tpu.memory_space<vmem_shared>> -> memref<128x128xf32, #tpu.memory_space<vmem_shared>>
    tpu.wait_dma2 semaphore(%arg16 : memref<!tpu.dma_semaphore, #tpu.memory_space<semaphore_mem>>) src(%arg11 : memref<128x128xf32, #tpu.memory_space<vmem>>) dst(%dma_wait3A_25 : memref<128x128xf32, #tpu.memory_space<vmem_shared>>)
    %dma_wait3A_26 = arith.constant 0 : i32
    %dma_wait3A_27 = arith.constant 0 : i32
    %dma_wait3A_28 = tpu.memref_slice %arg13[%dma_wait3A_26, %dma_wait3A_27] : memref<10240x128xf32, #tpu.memory_space<vmem_shared>> -> memref<128x128xf32, #tpu.memory_space<vmem_shared>>
    %dma_wait3A_29 = arith.constant 0 : i32
    %dma_wait3A_30 = arith.constant 0 : i32
    %dma_wait3A_31 = tpu.memref_slice %arg13[%dma_wait3A_29, %dma_wait3A_30] : memref<10240x128xf32, #tpu.memory_space<vmem_shared>> -> memref<128x128xf32, #tpu.memory_space<vmem_shared>>
    tpu.wait_dma2 semaphore(%arg17 : memref<!tpu.dma_semaphore, #tpu.memory_space<semaphore_mem>>) src(%arg12 : memref<128x128xf32, #tpu.memory_space<vmem>>) dst(%dma_wait3A_31 : memref<128x128xf32, #tpu.memory_space<vmem_shared>>)
    %mul3A_32 = arith.constant 80 : i32
    %mul3A_33 = arith.muli %arg1, %mul3A_32 : i32
    %add3A_34 = arith.constant 40 : i32
    %add3A_35 = arith.addi %mul3A_33, %add3A_34 : i32
    "tpu.region"() ({
      %run_scoped3A = tpu.sem_alloc : memref<!tpu.dma_semaphore, #tpu.memory_space<semaphore_mem>>
      %dma_start3A_77 = arith.constant 0 : i32
      %dma_start3A_78 = tpu.memref_slice %arg2[%add3A_35, %dma_start3A_77] : memref<1280x128xi32, #tpu.memory_space<hbm>> -> memref<40x128xi32, #tpu.memory_space<hbm>>
      %dma_start3A_79 = arith.constant 0 : i32
      %dma_start3A_80 = tpu.memref_slice %arg2[%add3A_35, %dma_start3A_79] : memref<1280x128xi32, #tpu.memory_space<hbm>> -> memref<40x128xi32, #tpu.memory_space<hbm>>
      tpu.enqueue_dma source(%dma_start3A_80 : memref<40x128xi32, #tpu.memory_space<hbm>>) target(%arg9 : memref<40x128xi32, #tpu.memory_space<vmem>>) target_semaphore(%run_scoped3A : memref<!tpu.dma_semaphore, #tpu.memory_space<semaphore_mem>>)
      %dma_wait3A_81 = arith.constant 0 : i32
      %dma_wait3A_82 = tpu.memref_slice %arg2[%add3A_35, %dma_wait3A_81] : memref<1280x128xi32, #tpu.memory_space<hbm>> -> memref<40x128xi32, #tpu.memory_space<hbm>>
      %dma_wait3A_83 = arith.constant 0 : i32
      %dma_wait3A_84 = tpu.memref_slice %arg2[%add3A_35, %dma_wait3A_83] : memref<1280x128xi32, #tpu.memory_space<hbm>> -> memref<40x128xi32, #tpu.memory_space<hbm>>
      tpu.wait_dma2 semaphore(%run_scoped3A : memref<!tpu.dma_semaphore, #tpu.memory_space<semaphore_mem>>) src(%dma_wait3A_84 : memref<40x128xi32, #tpu.memory_space<hbm>>) dst(%arg9 : memref<40x128xi32, #tpu.memory_space<vmem>>)
      tpu.yield
    }) : () -> ()
    "tpu.region"() ({
      %run_scoped3A = tpu.sem_alloc : memref<!tpu.dma_semaphore, #tpu.memory_space<semaphore_mem>>
      %dma_start3A_77 = arith.constant 0 : i32
      %dma_start3A_78 = tpu.memref_slice %arg3[%add3A_35, %dma_start3A_77] : memref<1280x128xi32, #tpu.memory_space<hbm>> -> memref<40x128xi32, #tpu.memory_space<hbm>>
      %dma_start3A_79 = arith.constant 0 : i32
      %dma_start3A_80 = tpu.memref_slice %arg3[%add3A_35, %dma_start3A_79] : memref<1280x128xi32, #tpu.memory_space<hbm>> -> memref<40x128xi32, #tpu.memory_space<hbm>>
      tpu.enqueue_dma source(%dma_start3A_80 : memref<40x128xi32, #tpu.memory_space<hbm>>) target(%arg10 : memref<40x128xi32, #tpu.memory_space<vmem>>) target_semaphore(%run_scoped3A : memref<!tpu.dma_semaphore, #tpu.memory_space<semaphore_mem>>)
      %dma_wait3A_81 = arith.constant 0 : i32
      %dma_wait3A_82 = tpu.memref_slice %arg3[%add3A_35, %dma_wait3A_81] : memref<1280x128xi32, #tpu.memory_space<hbm>> -> memref<40x128xi32, #tpu.memory_space<hbm>>
      %dma_wait3A_83 = arith.constant 0 : i32
      %dma_wait3A_84 = tpu.memref_slice %arg3[%add3A_35, %dma_wait3A_83] : memref<1280x128xi32, #tpu.memory_space<hbm>> -> memref<40x128xi32, #tpu.memory_space<hbm>>
      tpu.wait_dma2 semaphore(%run_scoped3A : memref<!tpu.dma_semaphore, #tpu.memory_space<semaphore_mem>>) src(%dma_wait3A_84 : memref<40x128xi32, #tpu.memory_space<hbm>>) dst(%arg10 : memref<40x128xi32, #tpu.memory_space<vmem>>)
      tpu.yield
    }) : () -> ()
    %scan3A_36 = arith.constant 0 : i32
    %scan3A_37 = arith.constant 0 : i32
    %scan3A_38 = arith.constant 20 : i32
    %scan3A_39 = arith.addi %scan3A_37, %scan3A_38 : i32
    %scan3A_40 = arith.constant 1 : i32
    scf.for %scan3A_77 = %scan3A_37 to %scan3A_39 step %scan3A_40  : i32 {
      %mul3A_78 = arith.constant 2 : i32
      %mul3A_79 = arith.muli %scan3A_77, %mul3A_78 : i32
      %add3A_80 = arith.constant 0 : i32
      %add3A_81 = arith.addi %mul3A_79, %add3A_80 : i32
      %gt3A = arith.constant 0 : i32
      %gt3A_82 = arith.cmpi sgt, %scan3A_77, %gt3A : i32
      %convert_element_type3A_83 = arith.extui %gt3A_82 : i1 to i32
      %cond3A_84 = arith.constant 0 : i32
      %cond3A_85 = arith.cmpi ne, %convert_element_type3A_83, %cond3A_84 : i32
      scf.if %cond3A_85 {
        %dma_wait3A_133 = arith.constant 0 : i32
        %dma_wait3A_134 = arith.constant 0 : i32
        %dma_wait3A_135 = tpu.memref_slice %arg13[%dma_wait3A_133, %dma_wait3A_134] : memref<10240x128xf32, #tpu.memory_space<vmem_shared>> -> memref<128x128xf32, #tpu.memory_space<vmem_shared>>
        %dma_wait3A_136 = arith.constant 0 : i32
        %dma_wait3A_137 = arith.constant 0 : i32
        %dma_wait3A_138 = tpu.memref_slice %arg13[%dma_wait3A_136, %dma_wait3A_137] : memref<10240x128xf32, #tpu.memory_space<vmem_shared>> -> memref<128x128xf32, #tpu.memory_space<vmem_shared>>
        tpu.wait_dma2 semaphore(%arg16 : memref<!tpu.dma_semaphore, #tpu.memory_space<semaphore_mem>>) src(%arg11 : memref<128x128xf32, #tpu.memory_space<vmem>>) dst(%dma_wait3A_138 : memref<128x128xf32, #tpu.memory_space<vmem_shared>>)
      } else {
      }
      %eq3A_86 = arith.constant 0 : i32
      %eq3A_87 = arith.cmpi eq, %arg0, %eq3A_86 : i32
      %convert_element_type3A_88 = arith.extui %eq3A_87 : i1 to i32
      %cond3A_89 = arith.constant 0 : i32
      %cond3A_90 = arith.cmpi ne, %convert_element_type3A_88, %cond3A_89 : i32
      scf.if %cond3A_90 {
        %dma_start3A_133 = arith.constant 0 : i32
        %dma_start3A_134 = tpu.memref_slice %arg9[%add3A_81, %dma_start3A_133] : memref<40x128xi32, #tpu.memory_space<vmem>> -> memref<1x128xi32, #tpu.memory_space<vmem>>
        %dma_start3A_135 = tpu.memref_squeeze %dma_start3A_134 : memref<1x128xi32, #tpu.memory_space<vmem>> -> memref<128xi32, #tpu.memory_space<vmem>>
        %dma_start3A_136 = arith.constant 0 : i32
        %dma_start3A_137 = arith.constant 0 : i32
        %dma_start3A_138 = tpu.memref_slice %arg4[%dma_start3A_136, %dma_start3A_137] : memref<10000x128xf32, #tpu.memory_space<hbm>> -> memref<10000x128xf32, #tpu.memory_space<hbm>>
        tpu.enqueue_indirect_dma source(%dma_start3A_138 : memref<10000x128xf32, #tpu.memory_space<hbm>>) target(%arg11 : memref<128x128xf32, #tpu.memory_space<vmem>>) offsets(%dma_start3A_135 : memref<128xi32, #tpu.memory_space<vmem>>) semaphore(%arg14 : memref<!tpu.dma_semaphore, #tpu.memory_space<semaphore_mem>>)
      } else {
      }
      %eq3A_91 = arith.constant 1 : i32
      %eq3A_92 = arith.cmpi eq, %arg0, %eq3A_91 : i32
      %convert_element_type3A_93 = arith.extui %eq3A_92 : i1 to i32
      %cond3A_94 = arith.constant 0 : i32
      %cond3A_95 = arith.cmpi ne, %convert_element_type3A_93, %cond3A_94 : i32
      scf.if %cond3A_95 {
        %dma_start3A_133 = arith.constant 0 : i32
        %dma_start3A_134 = tpu.memref_slice %arg9[%add3A_81, %dma_start3A_133] : memref<40x128xi32, #tpu.memory_space<vmem>> -> memref<1x128xi32, #tpu.memory_space<vmem>>
        %dma_start3A_135 = tpu.memref_squeeze %dma_start3A_134 : memref<1x128xi32, #tpu.memory_space<vmem>> -> memref<128xi32, #tpu.memory_space<vmem>>
        %dma_start3A_136 = arith.constant 0 : i32
        %dma_start3A_137 = arith.constant 0 : i32
        %dma_start3A_138 = tpu.memref_slice %arg5[%dma_start3A_136, %dma_start3A_137] : memref<10000x128xf32, #tpu.memory_space<hbm>> -> memref<10000x128xf32, #tpu.memory_space<hbm>>
        tpu.enqueue_indirect_dma source(%dma_start3A_138 : memref<10000x128xf32, #tpu.memory_space<hbm>>) target(%arg11 : memref<128x128xf32, #tpu.memory_space<vmem>>) offsets(%dma_start3A_135 : memref<128xi32, #tpu.memory_space<vmem>>) semaphore(%arg14 : memref<!tpu.dma_semaphore, #tpu.memory_space<semaphore_mem>>)
      } else {
      }
      %gt3A_96 = arith.constant 0 : i32
      %gt3A_97 = arith.cmpi sgt, %scan3A_77, %gt3A_96 : i32
      %convert_element_type3A_98 = arith.extui %gt3A_97 : i1 to i32
      %cond3A_99 = arith.constant 0 : i32
      %cond3A_100 = arith.cmpi ne, %convert_element_type3A_98, %cond3A_99 : i32
      scf.if %cond3A_100 {
        %dma_wait3A_133 = arith.constant 0 : i32
        %dma_wait3A_134 = arith.constant 0 : i32
        %dma_wait3A_135 = tpu.memref_slice %arg4[%dma_wait3A_133, %dma_wait3A_134] : memref<10000x128xf32, #tpu.memory_space<hbm>> -> memref<128x128xf32, #tpu.memory_space<hbm>>
        %dma_wait3A_136 = arith.constant 0 : i32
        %dma_wait3A_137 = arith.constant 0 : i32
        %dma_wait3A_138 = tpu.memref_slice %arg4[%dma_wait3A_136, %dma_wait3A_137] : memref<10000x128xf32, #tpu.memory_space<hbm>> -> memref<128x128xf32, #tpu.memory_space<hbm>>
        tpu.wait_dma2 semaphore(%arg15 : memref<!tpu.dma_semaphore, #tpu.memory_space<semaphore_mem>>) src(%dma_wait3A_138 : memref<128x128xf32, #tpu.memory_space<hbm>>) dst(%arg12 : memref<128x128xf32, #tpu.memory_space<vmem>>)
        %sub3A_139 = arith.constant 1 : i32
        %sub3A_140 = arith.subi %add3A_81, %sub3A_139 : i32
        %dma_start3A_141 = arith.constant 0 : i32
        %dma_start3A_142 = tpu.memref_slice %arg10[%sub3A_140, %dma_start3A_141] : memref<40x128xi32, #tpu.memory_space<vmem>> -> memref<1x128xi32, #tpu.memory_space<vmem>>
        %dma_start3A_143 = tpu.memref_squeeze %dma_start3A_142 : memref<1x128xi32, #tpu.memory_space<vmem>> -> memref<128xi32, #tpu.memory_space<vmem>>
        %dma_start3A_144 = arith.constant 0 : i32
        %dma_start3A_145 = arith.constant 0 : i32
        %dma_start3A_146 = tpu.memref_slice %arg13[%dma_start3A_144, %dma_start3A_145] : memref<10240x128xf32, #tpu.memory_space<vmem_shared>> -> memref<10240x128xf32, #tpu.memory_space<vmem_shared>>
        tpu.enqueue_indirect_dma source(%arg12 : memref<128x128xf32, #tpu.memory_space<vmem>>) target(%dma_start3A_146 : memref<10240x128xf32, #tpu.memory_space<vmem_shared>>) offsets(%dma_start3A_143 : memref<128xi32, #tpu.memory_space<vmem>>) semaphore(%arg17 : memref<!tpu.dma_semaphore, #tpu.memory_space<semaphore_mem>>) {add = true}
      } else {
      }
      %mul3A_101 = arith.constant 2 : i32
      %mul3A_102 = arith.muli %scan3A_77, %mul3A_101 : i32
      %add3A_103 = arith.constant 1 : i32
      %add3A_104 = arith.addi %mul3A_102, %add3A_103 : i32
      %gt3A_105 = arith.constant 0 : i32
      %gt3A_106 = arith.cmpi sgt, %scan3A_77, %gt3A_105 : i32
      %convert_element_type3A_107 = arith.extui %gt3A_106 : i1 to i32
      %cond3A_108 = arith.constant 0 : i32
      %cond3A_109 = arith.cmpi ne, %convert_element_type3A_107, %cond3A_108 : i32
      scf.if %cond3A_109 {
        %dma_wait3A_133 = arith.constant 0 : i32
        %dma_wait3A_134 = arith.constant 0 : i32
        %dma_wait3A_135 = tpu.memref_slice %arg13[%dma_wait3A_133, %dma_wait3A_134] : memref<10240x128xf32, #tpu.memory_space<vmem_shared>> -> memref<128x128xf32, #tpu.memory_space<vmem_shared>>
        %dma_wait3A_136 = arith.constant 0 : i32
        %dma_wait3A_137 = arith.constant 0 : i32
        %dma_wait3A_138 = tpu.memref_slice %arg13[%dma_wait3A_136, %dma_wait3A_137] : memref<10240x128xf32, #tpu.memory_space<vmem_shared>> -> memref<128x128xf32, #tpu.memory_space<vmem_shared>>
        tpu.wait_dma2 semaphore(%arg17 : memref<!tpu.dma_semaphore, #tpu.memory_space<semaphore_mem>>) src(%arg12 : memref<128x128xf32, #tpu.memory_space<vmem>>) dst(%dma_wait3A_138 : memref<128x128xf32, #tpu.memory_space<vmem_shared>>)
      } else {
      }
      %eq3A_110 = arith.constant 0 : i32
      %eq3A_111 = arith.cmpi eq, %arg0, %eq3A_110 : i32
      %convert_element_type3A_112 = arith.extui %eq3A_111 : i1 to i32
      %cond3A_113 = arith.constant 0 : i32
      %cond3A_114 = arith.cmpi ne, %convert_element_type3A_112, %cond3A_113 : i32
      scf.if %cond3A_114 {
        %dma_start3A_133 = arith.constant 0 : i32
        %dma_start3A_134 = tpu.memref_slice %arg9[%add3A_104, %dma_start3A_133] : memref<40x128xi32, #tpu.memory_space<vmem>> -> memref<1x128xi32, #tpu.memory_space<vmem>>
        %dma_start3A_135 = tpu.memref_squeeze %dma_start3A_134 : memref<1x128xi32, #tpu.memory_space<vmem>> -> memref<128xi32, #tpu.memory_space<vmem>>
        %dma_start3A_136 = arith.constant 0 : i32
        %dma_start3A_137 = arith.constant 0 : i32
        %dma_start3A_138 = tpu.memref_slice %arg4[%dma_start3A_136, %dma_start3A_137] : memref<10000x128xf32, #tpu.memory_space<hbm>> -> memref<10000x128xf32, #tpu.memory_space<hbm>>
        tpu.enqueue_indirect_dma source(%dma_start3A_138 : memref<10000x128xf32, #tpu.memory_space<hbm>>) target(%arg12 : memref<128x128xf32, #tpu.memory_space<vmem>>) offsets(%dma_start3A_135 : memref<128xi32, #tpu.memory_space<vmem>>) semaphore(%arg15 : memref<!tpu.dma_semaphore, #tpu.memory_space<semaphore_mem>>)
      } else {
      }
      %eq3A_115 = arith.constant 1 : i32
      %eq3A_116 = arith.cmpi eq, %arg0, %eq3A_115 : i32
      %convert_element_type3A_117 = arith.extui %eq3A_116 : i1 to i32
      %cond3A_118 = arith.constant 0 : i32
      %cond3A_119 = arith.cmpi ne, %convert_element_type3A_117, %cond3A_118 : i32
      scf.if %cond3A_119 {
        %dma_start3A_133 = arith.constant 0 : i32
        %dma_start3A_134 = tpu.memref_slice %arg9[%add3A_104, %dma_start3A_133] : memref<40x128xi32, #tpu.memory_space<vmem>> -> memref<1x128xi32, #tpu.memory_space<vmem>>
        %dma_start3A_135 = tpu.memref_squeeze %dma_start3A_134 : memref<1x128xi32, #tpu.memory_space<vmem>> -> memref<128xi32, #tpu.memory_space<vmem>>
        %dma_start3A_136 = arith.constant 0 : i32
        %dma_start3A_137 = arith.constant 0 : i32
        %dma_start3A_138 = tpu.memref_slice %arg5[%dma_start3A_136, %dma_start3A_137] : memref<10000x128xf32, #tpu.memory_space<hbm>> -> memref<10000x128xf32, #tpu.memory_space<hbm>>
        tpu.enqueue_indirect_dma source(%dma_start3A_138 : memref<10000x128xf32, #tpu.memory_space<hbm>>) target(%arg12 : memref<128x128xf32, #tpu.memory_space<vmem>>) offsets(%dma_start3A_135 : memref<128xi32, #tpu.memory_space<vmem>>) semaphore(%arg15 : memref<!tpu.dma_semaphore, #tpu.memory_space<semaphore_mem>>)
      } else {
      }
      %dma_wait3A_120 = arith.constant 0 : i32
      %dma_wait3A_121 = arith.constant 0 : i32
      %dma_wait3A_122 = tpu.memref_slice %arg4[%dma_wait3A_120, %dma_wait3A_121] : memref<10000x128xf32, #tpu.memory_space<hbm>> -> memref<128x128xf32, #tpu.memory_space<hbm>>
      %dma_wait3A_123 = arith.constant 0 : i32
      %dma_wait3A_124 = arith.constant 0 : i32
      %dma_wait3A_125 = tpu.memref_slice %arg4[%dma_wait3A_123, %dma_wait3A_124] : memref<10000x128xf32, #tpu.memory_space<hbm>> -> memref<128x128xf32, #tpu.memory_space<hbm>>
      tpu.wait_dma2 semaphore(%arg14 : memref<!tpu.dma_semaphore, #tpu.memory_space<semaphore_mem>>) src(%dma_wait3A_125 : memref<128x128xf32, #tpu.memory_space<hbm>>) dst(%arg11 : memref<128x128xf32, #tpu.memory_space<vmem>>)
      %sub3A = arith.constant 1 : i32
      %sub3A_126 = arith.subi %add3A_104, %sub3A : i32
      %dma_start3A_127 = arith.constant 0 : i32
      %dma_start3A_128 = tpu.memref_slice %arg10[%sub3A_126, %dma_start3A_127] : memref<40x128xi32, #tpu.memory_space<vmem>> -> memref<1x128xi32, #tpu.memory_space<vmem>>
      %dma_start3A_129 = tpu.memref_squeeze %dma_start3A_128 : memref<1x128xi32, #tpu.memory_space<vmem>> -> memref<128xi32, #tpu.memory_space<vmem>>
      %dma_start3A_130 = arith.constant 0 : i32
      %dma_start3A_131 = arith.constant 0 : i32
      %dma_start3A_132 = tpu.memref_slice %arg13[%dma_start3A_130, %dma_start3A_131] : memref<10240x128xf32, #tpu.memory_space<vmem_shared>> -> memref<10240x128xf32, #tpu.memory_space<vmem_shared>>
      tpu.enqueue_indirect_dma source(%arg11 : memref<128x128xf32, #tpu.memory_space<vmem>>) target(%dma_start3A_132 : memref<10240x128xf32, #tpu.memory_space<vmem_shared>>) offsets(%dma_start3A_129 : memref<128xi32, #tpu.memory_space<vmem>>) semaphore(%arg16 : memref<!tpu.dma_semaphore, #tpu.memory_space<semaphore_mem>>) {add = true}
    }
    %scan3A_41 = arith.constant 20 : i32
    %dma_wait3A_42 = arith.constant 0 : i32
    %dma_wait3A_43 = arith.constant 0 : i32
    %dma_wait3A_44 = tpu.memref_slice %arg4[%dma_wait3A_42, %dma_wait3A_43] : memref<10000x128xf32, #tpu.memory_space<hbm>> -> memref<128x128xf32, #tpu.memory_space<hbm>>
    %dma_wait3A_45 = arith.constant 0 : i32
    %dma_wait3A_46 = arith.constant 0 : i32
    %dma_wait3A_47 = tpu.memref_slice %arg4[%dma_wait3A_45, %dma_wait3A_46] : memref<10000x128xf32, #tpu.memory_space<hbm>> -> memref<128x128xf32, #tpu.memory_space<hbm>>
    tpu.wait_dma2 semaphore(%arg15 : memref<!tpu.dma_semaphore, #tpu.memory_space<semaphore_mem>>) src(%dma_wait3A_47 : memref<128x128xf32, #tpu.memory_space<hbm>>) dst(%arg12 : memref<128x128xf32, #tpu.memory_space<vmem>>)
    %dma_start3A_48 = arith.constant 39 : i32
    %dma_start3A_49 = arith.constant 0 : i32
    %dma_start3A_50 = tpu.memref_slice %arg10[%dma_start3A_48, %dma_start3A_49] : memref<40x128xi32, #tpu.memory_space<vmem>> -> memref<1x128xi32, #tpu.memory_space<vmem>>
    %dma_start3A_51 = tpu.memref_squeeze %dma_start3A_50 : memref<1x128xi32, #tpu.memory_space<vmem>> -> memref<128xi32, #tpu.memory_space<vmem>>
    %dma_start3A_52 = arith.constant 0 : i32
    %dma_start3A_53 = arith.constant 0 : i32
    %dma_start3A_54 = tpu.memref_slice %arg13[%dma_start3A_52, %dma_start3A_53] : memref<10240x128xf32, #tpu.memory_space<vmem_shared>> -> memref<10240x128xf32, #tpu.memory_space<vmem_shared>>
    tpu.enqueue_indirect_dma source(%arg12 : memref<128x128xf32, #tpu.memory_space<vmem>>) target(%dma_start3A_54 : memref<10240x128xf32, #tpu.memory_space<vmem_shared>>) offsets(%dma_start3A_51 : memref<128xi32, #tpu.memory_space<vmem>>) semaphore(%arg17 : memref<!tpu.dma_semaphore, #tpu.memory_space<semaphore_mem>>) {add = true}
    %dma_wait3A_55 = arith.constant 0 : i32
    %dma_wait3A_56 = arith.constant 0 : i32
    %dma_wait3A_57 = tpu.memref_slice %arg13[%dma_wait3A_55, %dma_wait3A_56] : memref<10240x128xf32, #tpu.memory_space<vmem_shared>> -> memref<128x128xf32, #tpu.memory_space<vmem_shared>>
    %dma_wait3A_58 = arith.constant 0 : i32
    %dma_wait3A_59 = arith.constant 0 : i32
    %dma_wait3A_60 = tpu.memref_slice %arg13[%dma_wait3A_58, %dma_wait3A_59] : memref<10240x128xf32, #tpu.memory_space<vmem_shared>> -> memref<128x128xf32, #tpu.memory_space<vmem_shared>>
    tpu.wait_dma2 semaphore(%arg16 : memref<!tpu.dma_semaphore, #tpu.memory_space<semaphore_mem>>) src(%arg11 : memref<128x128xf32, #tpu.memory_space<vmem>>) dst(%dma_wait3A_60 : memref<128x128xf32, #tpu.memory_space<vmem_shared>>)
    %dma_wait3A_61 = arith.constant 0 : i32
    %dma_wait3A_62 = arith.constant 0 : i32
    %dma_wait3A_63 = tpu.memref_slice %arg13[%dma_wait3A_61, %dma_wait3A_62] : memref<10240x128xf32, #tpu.memory_space<vmem_shared>> -> memref<128x128xf32, #tpu.memory_space<vmem_shared>>
    %dma_wait3A_64 = arith.constant 0 : i32
    %dma_wait3A_65 = arith.constant 0 : i32
    %dma_wait3A_66 = tpu.memref_slice %arg13[%dma_wait3A_64, %dma_wait3A_65] : memref<10240x128xf32, #tpu.memory_space<vmem_shared>> -> memref<128x128xf32, #tpu.memory_space<vmem_shared>>
    tpu.wait_dma2 semaphore(%arg17 : memref<!tpu.dma_semaphore, #tpu.memory_space<semaphore_mem>>) src(%arg12 : memref<128x128xf32, #tpu.memory_space<vmem>>) dst(%dma_wait3A_66 : memref<128x128xf32, #tpu.memory_space<vmem_shared>>)
    %barrier3A_67 = arith.constant 0 : index
    tpu.barrier barrier_id(%barrier3A_67)
    %mul3A_68 = arith.constant 640 : i32
    %mul3A_69 = arith.muli %arg1, %mul3A_68 : i32
    %eq3A = arith.constant 0 : i32
    %eq3A_70 = arith.cmpi eq, %arg0, %eq3A : i32
    %convert_element_type3A = arith.extui %eq3A_70 : i1 to i32
    %cond3A = arith.constant 0 : i32
    %cond3A_71 = arith.cmpi ne, %convert_element_type3A, %cond3A : i32
    scf.if %cond3A_71 {
      "tpu.region"() ({
        %run_scoped3A = tpu.sem_alloc : memref<!tpu.dma_semaphore, #tpu.memory_space<semaphore_mem>>
        %dma_start3A_77 = arith.constant 0 : i32
        %dma_start3A_78 = tpu.memref_slice %arg7[%mul3A_69, %dma_start3A_77] : memref<10240x128xf32, #tpu.memory_space<hbm>> -> memref<640x128xf32, #tpu.memory_space<hbm>>
        %dma_start3A_79 = arith.constant 0 : i32
        %dma_start3A_80 = tpu.memref_slice %arg13[%mul3A_69, %dma_start3A_79] : memref<10240x128xf32, #tpu.memory_space<vmem_shared>> -> memref<640x128xf32, #tpu.memory_space<vmem_shared>>
        tpu.enqueue_dma source(%dma_start3A_80 : memref<640x128xf32, #tpu.memory_space<vmem_shared>>) target(%dma_start3A_78 : memref<640x128xf32, #tpu.memory_space<hbm>>) target_semaphore(%run_scoped3A : memref<!tpu.dma_semaphore, #tpu.memory_space<semaphore_mem>>)
        %dma_wait3A_81 = arith.constant 0 : i32
        %dma_wait3A_82 = tpu.memref_slice %arg7[%mul3A_69, %dma_wait3A_81] : memref<10240x128xf32, #tpu.memory_space<hbm>> -> memref<640x128xf32, #tpu.memory_space<hbm>>
        %dma_wait3A_83 = arith.constant 0 : i32
        %dma_wait3A_84 = tpu.memref_slice %arg13[%mul3A_69, %dma_wait3A_83] : memref<10240x128xf32, #tpu.memory_space<vmem_shared>> -> memref<640x128xf32, #tpu.memory_space<vmem_shared>>
        tpu.wait_dma2 semaphore(%run_scoped3A : memref<!tpu.dma_semaphore, #tpu.memory_space<semaphore_mem>>) src(%dma_wait3A_84 : memref<640x128xf32, #tpu.memory_space<vmem_shared>>) dst(%dma_wait3A_82 : memref<640x128xf32, #tpu.memory_space<hbm>>)
        tpu.yield
      }) : () -> ()
    } else {
    }
    %eq3A_72 = arith.constant 1 : i32
    %eq3A_73 = arith.cmpi eq, %arg0, %eq3A_72 : i32
    %convert_element_type3A_74 = arith.extui %eq3A_73 : i1 to i32
    %cond3A_75 = arith.constant 0 : i32
    %cond3A_76 = arith.cmpi ne, %convert_element_type3A_74, %cond3A_75 : i32
    scf.if %cond3A_76 {
      "tpu.region"() ({
        %run_scoped3A = tpu.sem_alloc : memref<!tpu.dma_semaphore, #tpu.memory_space<semaphore_mem>>
        %dma_start3A_77 = arith.constant 0 : i32
        %dma_start3A_78 = tpu.memref_slice %arg8[%mul3A_69, %dma_start3A_77] : memref<10240x128xf32, #tpu.memory_space<hbm>> -> memref<640x128xf32, #tpu.memory_space<hbm>>
        %dma_start3A_79 = arith.constant 0 : i32
        %dma_start3A_80 = tpu.memref_slice %arg13[%mul3A_69, %dma_start3A_79] : memref<10240x128xf32, #tpu.memory_space<vmem_shared>> -> memref<640x128xf32, #tpu.memory_space<vmem_shared>>
        tpu.enqueue_dma source(%dma_start3A_80 : memref<640x128xf32, #tpu.memory_space<vmem_shared>>) target(%dma_start3A_78 : memref<640x128xf32, #tpu.memory_space<hbm>>) target_semaphore(%run_scoped3A : memref<!tpu.dma_semaphore, #tpu.memory_space<semaphore_mem>>)
        %dma_wait3A_81 = arith.constant 0 : i32
        %dma_wait3A_82 = tpu.memref_slice %arg8[%mul3A_69, %dma_wait3A_81] : memref<10240x128xf32, #tpu.memory_space<hbm>> -> memref<640x128xf32, #tpu.memory_space<hbm>>
        %dma_wait3A_83 = arith.constant 0 : i32
        %dma_wait3A_84 = tpu.memref_slice %arg13[%mul3A_69, %dma_wait3A_83] : memref<10240x128xf32, #tpu.memory_space<vmem_shared>> -> memref<640x128xf32, #tpu.memory_space<vmem_shared>>
        tpu.wait_dma2 semaphore(%run_scoped3A : memref<!tpu.dma_semaphore, #tpu.memory_space<semaphore_mem>>) src(%dma_wait3A_84 : memref<640x128xf32, #tpu.memory_space<vmem_shared>>) dst(%dma_wait3A_82 : memref<640x128xf32, #tpu.memory_space<hbm>>)
        tpu.yield
      }) : () -> ()
    } else {
    }
    return
  }
}

module attributes {stable_mosaic.version = 14 : i64} {
  func.func @_encode_body(%arg0: i32, %arg1: memref<1000x128xf32, #tpu.memory_space<vmem>>, %arg2: memref<1000x1xi32, #tpu.memory_space<vmem>>, %arg3: memref<1000x1xf32, #tpu.memory_space<vmem>>, %arg4: memref<1024x1xf32, #tpu.memory_space<vmem>>, %arg5: memref<128x256xf32, #tpu.memory_space<vmem>>, %arg6: memref<1x256xf32, #tpu.memory_space<vmem>>, %arg7: memref<256x256xf32, #tpu.memory_space<vmem>>, %arg8: memref<1x256xf32, #tpu.memory_space<vmem>>, %arg9: memref<1x256xf32, #tpu.memory_space<vmem>>, %arg10: memref<1000x128xf32, #tpu.memory_space<vmem>>, %arg11: memref<1000x128xf32, #tpu.memory_space<vmem>>) attributes {dimension_semantics = [#tpu.dimension_semantics<arbitrary>], iteration_bounds = array<i64: 10>, scalar_prefetch = 0 : i64, scratch_operands = 0 : i64, tpu.core_type = #tpu.core_type<tc>, window_params = [{transform_indices = @transform_0, window_bounds = array<i64: 1000, 128>}, {transform_indices = @transform_1, window_bounds = array<i64: 1000, 1>}, {transform_indices = @transform_2, window_bounds = array<i64: 1000, 1>}, {pipeline_mode = #tpu.pipeline_mode<synchronous>, transform_indices = @transform_3, window_bounds = array<i64: 1024, 1>}, {pipeline_mode = #tpu.pipeline_mode<synchronous>, transform_indices = @transform_4, window_bounds = array<i64: 128, 256>}, {pipeline_mode = #tpu.pipeline_mode<synchronous>, transform_indices = @transform_5, window_bounds = array<i64: 1, 256>}, {pipeline_mode = #tpu.pipeline_mode<synchronous>, transform_indices = @transform_6, window_bounds = array<i64: 256, 256>}, {pipeline_mode = #tpu.pipeline_mode<synchronous>, transform_indices = @transform_7, window_bounds = array<i64: 1, 256>}, {pipeline_mode = #tpu.pipeline_mode<synchronous>, transform_indices = @transform_8, window_bounds = array<i64: 1, 256>}, {transform_indices = @transform_9, window_bounds = array<i64: 1000, 128>}, {transform_indices = @transform_10, window_bounds = array<i64: 1000, 128>}]} {
    %get3A = arith.constant 0 : index
    %get3A_0 = arith.constant 0 : index
    %get3A_1 = vector.load %arg1[%get3A, %get3A_0] : memref<1000x128xf32, #tpu.memory_space<vmem>>, vector<1000x128xf32>
    %get3A_2 = arith.constant 0 : index
    %get3A_3 = arith.constant 0 : index
    %get3A_4 = vector.load %arg5[%get3A_2, %get3A_3] : memref<128x256xf32, #tpu.memory_space<vmem>>, vector<128x256xf32>
    %dot_general3A = arith.constant dense<0.000000e+00> : vector<1000x256xf32>
    %dot_general3A_5 = tpu.matmul %get3A_1, %get3A_4, %dot_general3A {dimension_numbers = #tpu.dot_dimension_numbers<[1], [0], [0], [1], [0, 0, 1, 1], [], []>, precision = #tpu.contract_precision<fp32>, transpose_lhs_hint = false} : vector<1000x128xf32>, vector<128x256xf32>, vector<1000x256xf32> -> vector<1000x256xf32>
    %get3A_6 = arith.constant 0 : index
    %get3A_7 = arith.constant 0 : index
    %get3A_8 = vector.load %arg6[%get3A_6, %get3A_7] : memref<1x256xf32, #tpu.memory_space<vmem>>, vector<1x256xf32>
    %add3A = vector.broadcast %get3A_8 : vector<1x256xf32> to vector<1000x256xf32>
    %add3A_9 = arith.addf %dot_general3A_5, %add3A : vector<1000x256xf32>
    %iota3A = tpu.iota {dimensions = array<i32: 1>} : vector<1000x1024xi32>
    %get3A_10 = arith.constant 0 : index
    %get3A_11 = arith.constant 0 : index
    %get3A_12 = vector.load %arg2[%get3A_10, %get3A_11] : memref<1000x1xi32, #tpu.memory_space<vmem>>, vector<1000x1xi32>
    %eq3A = vector.broadcast %get3A_12 : vector<1000x1xi32> to vector<1000x1024xi32>
    %eq3A_13 = arith.cmpi eq, %iota3A, %eq3A : vector<1000x1024xi32>
    %convert_element_type3A = arith.extui %eq3A_13 : vector<1000x1024xi1> to vector<1000x1024xi32>
    %convert_element_type3A_14 = arith.sitofp %convert_element_type3A : vector<1000x1024xi32> to vector<1000x1024xf32>
    %get3A_15 = arith.constant 0 : index
    %get3A_16 = arith.constant 0 : index
    %get3A_17 = vector.load %arg4[%get3A_15, %get3A_16] : memref<1024x1xf32, #tpu.memory_space<vmem>>, vector<1024x1xf32>
    %dot_general3A_18 = arith.constant dense<0.000000e+00> : vector<1000x1xf32>
    %dot_general3A_19 = tpu.matmul %convert_element_type3A_14, %get3A_17, %dot_general3A_18 {dimension_numbers = #tpu.dot_dimension_numbers<[1], [0], [0], [1], [0, 0, 1, 1], [], []>, precision = #tpu.contract_precision<fp32>, transpose_lhs_hint = false} : vector<1000x1024xf32>, vector<1024x1xf32>, vector<1000x1xf32> -> vector<1000x1xf32>
    %get3A_20 = arith.constant 0 : index
    %get3A_21 = arith.constant 0 : index
    %get3A_22 = vector.load %arg3[%get3A_20, %get3A_21] : memref<1000x1xf32, #tpu.memory_space<vmem>>, vector<1000x1xf32>
    %sub3A = arith.subf %dot_general3A_19, %get3A_22 : vector<1000x1xf32>
    %iota3A_23 = tpu.iota {dimensions = array<i32: 1>} : vector<1x128xi32>
    %convert_element_type3A_24 = arith.sitofp %iota3A_23 : vector<1x128xi32> to vector<1x128xf32>
    %mul3A = arith.constant -0.0719557852 : f32
    %mul3A_25 = vector.broadcast %mul3A : f32 to vector<1x128xf32>
    %mul3A_26 = arith.mulf %convert_element_type3A_24, %mul3A_25 : vector<1x128xf32>
    %exp3A = math.exp %mul3A_26 : vector<1x128xf32>
    %mul3A_27 = vector.broadcast %sub3A : vector<1000x1xf32> to vector<1000x128xf32>
    %mul3A_28 = vector.broadcast %exp3A : vector<1x128xf32> to vector<1000x128xf32>
    %mul3A_29 = arith.mulf %mul3A_27, %mul3A_28 : vector<1000x128xf32>
    %sin3A = math.sin %mul3A_29 : vector<1000x128xf32>
    %cos3A = math.cos %mul3A_29 : vector<1000x128xf32>
    %concatenate3A = tpu.concatenate %sin3A, %cos3A in 1 : vector<1000x128xf32>, vector<1000x128xf32> -> vector<1000x256xf32>
    %get3A_30 = arith.constant 0 : index
    %get3A_31 = arith.constant 0 : index
    %get3A_32 = vector.load %arg7[%get3A_30, %get3A_31] : memref<256x256xf32, #tpu.memory_space<vmem>>, vector<256x256xf32>
    %dot_general3A_33 = arith.constant dense<0.000000e+00> : vector<1000x256xf32>
    %dot_general3A_34 = tpu.matmul %concatenate3A, %get3A_32, %dot_general3A_33 {dimension_numbers = #tpu.dot_dimension_numbers<[1], [0], [0], [1], [0, 0, 1, 1], [], []>, precision = #tpu.contract_precision<fp32>, transpose_lhs_hint = false} : vector<1000x256xf32>, vector<256x256xf32>, vector<1000x256xf32> -> vector<1000x256xf32>
    %add3A_35 = arith.addf %add3A_9, %dot_general3A_34 : vector<1000x256xf32>
    %get3A_36 = arith.constant 0 : index
    %get3A_37 = arith.constant 0 : index
    %get3A_38 = vector.load %arg8[%get3A_36, %get3A_37] : memref<1x256xf32, #tpu.memory_space<vmem>>, vector<1x256xf32>
    %add3A_39 = vector.broadcast %get3A_38 : vector<1x256xf32> to vector<1000x256xf32>
    %add3A_40 = arith.addf %add3A_35, %add3A_39 : vector<1000x256xf32>
    %slice3A = vector.extract_strided_slice %add3A_40 {offsets = [0, 0], sizes = [1000, 128], strides = [1, 1]} : vector<1000x256xf32> to vector<1000x128xf32>
    %swap3A = arith.constant 0 : index
    %swap3A_41 = arith.constant 0 : index
    %swap3A_42 = vector.load %arg10[%swap3A, %swap3A_41] : memref<1000x128xf32, #tpu.memory_space<vmem>>, vector<1000x128xf32>
    tpu.vector_store %arg10[%swap3A, %swap3A_41], %slice3A {strides = array<i32>} : memref<1000x128xf32, #tpu.memory_space<vmem>>, vector<1000x128xf32>,
    %slice3A_43 = vector.extract_strided_slice %add3A_40 {offsets = [0, 128], sizes = [1000, 128], strides = [1, 1]} : vector<1000x256xf32> to vector<1000x128xf32>
    %swap3A_44 = arith.constant 0 : index
    %swap3A_45 = arith.constant 0 : index
    %swap3A_46 = vector.load %arg11[%swap3A_44, %swap3A_45] : memref<1000x128xf32, #tpu.memory_space<vmem>>, vector<1000x128xf32>
    tpu.vector_store %arg11[%swap3A_44, %swap3A_45], %slice3A_43 {strides = array<i32>} : memref<1000x128xf32, #tpu.memory_space<vmem>>, vector<1000x128xf32>,
    return
  }
  func.func @transform_0(%arg0: i32) -> (i32, i32) {
    %c0_i32 = arith.constant 0 : i32
    %c0_i32_0 = arith.constant 0 : i32
    return %arg0, %c0_i32 : i32, i32
  }
  func.func @transform_1(%arg0: i32) -> (i32, i32) {
    %c0_i32 = arith.constant 0 : i32
    %c0_i32_0 = arith.constant 0 : i32
    return %arg0, %c0_i32 : i32, i32
  }
  func.func @transform_2(%arg0: i32) -> (i32, i32) {
    %c0_i32 = arith.constant 0 : i32
    %c0_i32_0 = arith.constant 0 : i32
    return %arg0, %c0_i32 : i32, i32
  }
  func.func @transform_3(%arg0: i32) -> (i32, i32) {
    %c0_i32 = arith.constant 0 : i32
    %c0_i32_0 = arith.constant 0 : i32
    %c0_i32_1 = arith.constant 0 : i32
    return %c0_i32, %c0_i32_0 : i32, i32
  }
  func.func @transform_4(%arg0: i32) -> (i32, i32) {
    %c0_i32 = arith.constant 0 : i32
    %c0_i32_0 = arith.constant 0 : i32
    %c0_i32_1 = arith.constant 0 : i32
    return %c0_i32, %c0_i32_0 : i32, i32
  }
  func.func @transform_5(%arg0: i32) -> (i32, i32) {
    %c0_i32 = arith.constant 0 : i32
    %c0_i32_0 = arith.constant 0 : i32
    %c0_i32_1 = arith.constant 0 : i32
    return %c0_i32, %c0_i32_0 : i32, i32
  }
  func.func @transform_6(%arg0: i32) -> (i32, i32) {
    %c0_i32 = arith.constant 0 : i32
    %c0_i32_0 = arith.constant 0 : i32
    %c0_i32_1 = arith.constant 0 : i32
    return %c0_i32, %c0_i32_0 : i32, i32
  }
  func.func @transform_7(%arg0: i32) -> (i32, i32) {
    %c0_i32 = arith.constant 0 : i32
    %c0_i32_0 = arith.constant 0 : i32
    %c0_i32_1 = arith.constant 0 : i32
    return %c0_i32, %c0_i32_0 : i32, i32
  }
  func.func @transform_8(%arg0: i32) -> (i32, i32) {
    %c0_i32 = arith.constant 0 : i32
    %c0_i32_0 = arith.constant 0 : i32
    %c0_i32_1 = arith.constant 0 : i32
    return %c0_i32, %c0_i32_0 : i32, i32
  }
  func.func @transform_9(%arg0: i32) -> (i32, i32) {
    %c0_i32 = arith.constant 0 : i32
    %c0_i32_0 = arith.constant 0 : i32
    return %arg0, %c0_i32 : i32, i32
  }
  func.func @transform_10(%arg0: i32) -> (i32, i32) {
    %c0_i32 = arith.constant 0 : i32
    %c0_i32_0 = arith.constant 0 : i32
    return %arg0, %c0_i32 : i32, i32
  }
}

module attributes {stable_mosaic.version = 14 : i64} {
  func.func @_encode_body(%arg0: i32, %arg1: memref<1000x128xf32, #tpu.memory_space<vmem>>, %arg2: memref<1000x1xi32, #tpu.memory_space<vmem>>, %arg3: memref<1000x1xf32, #tpu.memory_space<vmem>>, %arg4: memref<1024x1xf32, #tpu.memory_space<vmem>>, %arg5: memref<128x256xf32, #tpu.memory_space<vmem>>, %arg6: memref<1x256xf32, #tpu.memory_space<vmem>>, %arg7: memref<256x256xf32, #tpu.memory_space<vmem>>, %arg8: memref<1x256xf32, #tpu.memory_space<vmem>>, %arg9: memref<1x256xf32, #tpu.memory_space<vmem>>, %arg10: memref<1000x128xf32, #tpu.memory_space<vmem>>, %arg11: memref<1000x128xf32, #tpu.memory_space<vmem>>) attributes {dimension_semantics = [#tpu.dimension_semantics<arbitrary>], iteration_bounds = array<i64: 10>, scalar_prefetch = 0 : i64, scratch_operands = 0 : i64, tpu.core_type = #tpu.core_type<tc>, window_params = [{transform_indices = @transform_0, window_bounds = array<i64: 1000, 128>}, {transform_indices = @transform_1, window_bounds = array<i64: 1000, 1>}, {transform_indices = @transform_2, window_bounds = array<i64: 1000, 1>}, {pipeline_mode = #tpu.pipeline_mode<synchronous>, transform_indices = @transform_3, window_bounds = array<i64: 1024, 1>}, {pipeline_mode = #tpu.pipeline_mode<synchronous>, transform_indices = @transform_4, window_bounds = array<i64: 128, 256>}, {pipeline_mode = #tpu.pipeline_mode<synchronous>, transform_indices = @transform_5, window_bounds = array<i64: 1, 256>}, {pipeline_mode = #tpu.pipeline_mode<synchronous>, transform_indices = @transform_6, window_bounds = array<i64: 256, 256>}, {pipeline_mode = #tpu.pipeline_mode<synchronous>, transform_indices = @transform_7, window_bounds = array<i64: 1, 256>}, {pipeline_mode = #tpu.pipeline_mode<synchronous>, transform_indices = @transform_8, window_bounds = array<i64: 1, 256>}, {transform_indices = @transform_9, window_bounds = array<i64: 1000, 128>}, {transform_indices = @transform_10, window_bounds = array<i64: 1000, 128>}]} {
    %get3A = arith.constant 0 : index
    %get3A_0 = arith.constant 0 : index
    %get3A_1 = vector.load %arg1[%get3A, %get3A_0] : memref<1000x128xf32, #tpu.memory_space<vmem>>, vector<1000x128xf32>
    %get3A_2 = arith.constant 0 : index
    %get3A_3 = arith.constant 0 : index
    %get3A_4 = vector.load %arg5[%get3A_2, %get3A_3] : memref<128x256xf32, #tpu.memory_space<vmem>>, vector<128x256xf32>
    %dot_general3A = arith.constant dense<0.000000e+00> : vector<1000x256xf32>
    %dot_general3A_5 = tpu.matmul %get3A_1, %get3A_4, %dot_general3A {dimension_numbers = #tpu.dot_dimension_numbers<[1], [0], [0], [1], [0, 0, 1, 1], [], []>, precision = #tpu.contract_precision<fp32>, transpose_lhs_hint = false} : vector<1000x128xf32>, vector<128x256xf32>, vector<1000x256xf32> -> vector<1000x256xf32>
    %get3A_6 = arith.constant 0 : index
    %get3A_7 = arith.constant 0 : index
    %get3A_8 = vector.load %arg6[%get3A_6, %get3A_7] : memref<1x256xf32, #tpu.memory_space<vmem>>, vector<1x256xf32>
    %add3A = vector.broadcast %get3A_8 : vector<1x256xf32> to vector<1000x256xf32>
    %add3A_9 = arith.addf %dot_general3A_5, %add3A : vector<1000x256xf32>
    %iota3A = tpu.iota {dimensions = array<i32: 1>} : vector<1000x1024xi32>
    %get3A_10 = arith.constant 0 : index
    %get3A_11 = arith.constant 0 : index
    %get3A_12 = vector.load %arg2[%get3A_10, %get3A_11] : memref<1000x1xi32, #tpu.memory_space<vmem>>, vector<1000x1xi32>
    %eq3A = vector.broadcast %get3A_12 : vector<1000x1xi32> to vector<1000x1024xi32>
    %eq3A_13 = arith.cmpi eq, %iota3A, %eq3A : vector<1000x1024xi32>
    %convert_element_type3A = arith.extui %eq3A_13 : vector<1000x1024xi1> to vector<1000x1024xi32>
    %convert_element_type3A_14 = arith.sitofp %convert_element_type3A : vector<1000x1024xi32> to vector<1000x1024xf32>
    %get3A_15 = arith.constant 0 : index
    %get3A_16 = arith.constant 0 : index
    %get3A_17 = vector.load %arg4[%get3A_15, %get3A_16] : memref<1024x1xf32, #tpu.memory_space<vmem>>, vector<1024x1xf32>
    %dot_general3A_18 = arith.constant dense<0.000000e+00> : vector<1000x1xf32>
    %dot_general3A_19 = tpu.matmul %convert_element_type3A_14, %get3A_17, %dot_general3A_18 {dimension_numbers = #tpu.dot_dimension_numbers<[1], [0], [0], [1], [0, 0, 1, 1], [], []>, precision = #tpu.contract_precision<fp32>, transpose_lhs_hint = false} : vector<1000x1024xf32>, vector<1024x1xf32>, vector<1000x1xf32> -> vector<1000x1xf32>
    %get3A_20 = arith.constant 0 : index
    %get3A_21 = arith.constant 0 : index
    %get3A_22 = vector.load %arg3[%get3A_20, %get3A_21] : memref<1000x1xf32, #tpu.memory_space<vmem>>, vector<1000x1xf32>
    %sub3A = arith.subf %dot_general3A_19, %get3A_22 : vector<1000x1xf32>
    %iota3A_23 = tpu.iota {dimensions = array<i32: 1>} : vector<1x128xi32>
    %convert_element_type3A_24 = arith.sitofp %iota3A_23 : vector<1x128xi32> to vector<1x128xf32>
    %mul3A = arith.constant -0.0719557852 : f32
    %mul3A_25 = vector.broadcast %mul3A : f32 to vector<1x128xf32>
    %mul3A_26 = arith.mulf %convert_element_type3A_24, %mul3A_25 : vector<1x128xf32>
    %exp3A = math.exp %mul3A_26 : vector<1x128xf32>
    %mul3A_27 = vector.broadcast %sub3A : vector<1000x1xf32> to vector<1000x128xf32>
    %mul3A_28 = vector.broadcast %exp3A : vector<1x128xf32> to vector<1000x128xf32>
    %mul3A_29 = arith.mulf %mul3A_27, %mul3A_28 : vector<1000x128xf32>
    %sin3A = math.sin %mul3A_29 : vector<1000x128xf32>
    %cos3A = math.cos %mul3A_29 : vector<1000x128xf32>
    %concatenate3A = tpu.concatenate %sin3A, %cos3A in 1 : vector<1000x128xf32>, vector<1000x128xf32> -> vector<1000x256xf32>
    %get3A_30 = arith.constant 0 : index
    %get3A_31 = arith.constant 0 : index
    %get3A_32 = vector.load %arg7[%get3A_30, %get3A_31] : memref<256x256xf32, #tpu.memory_space<vmem>>, vector<256x256xf32>
    %dot_general3A_33 = arith.constant dense<0.000000e+00> : vector<1000x256xf32>
    %dot_general3A_34 = tpu.matmul %concatenate3A, %get3A_32, %dot_general3A_33 {dimension_numbers = #tpu.dot_dimension_numbers<[1], [0], [0], [1], [0, 0, 1, 1], [], []>, precision = #tpu.contract_precision<fp32>, transpose_lhs_hint = false} : vector<1000x256xf32>, vector<256x256xf32>, vector<1000x256xf32> -> vector<1000x256xf32>
    %add3A_35 = arith.addf %add3A_9, %dot_general3A_34 : vector<1000x256xf32>
    %get3A_36 = arith.constant 0 : index
    %get3A_37 = arith.constant 0 : index
    %get3A_38 = vector.load %arg8[%get3A_36, %get3A_37] : memref<1x256xf32, #tpu.memory_space<vmem>>, vector<1x256xf32>
    %add3A_39 = vector.broadcast %get3A_38 : vector<1x256xf32> to vector<1000x256xf32>
    %add3A_40 = arith.addf %add3A_35, %add3A_39 : vector<1000x256xf32>
    %mul3A_41 = arith.constant 1000 : i32
    %mul3A_42 = arith.muli %arg0, %mul3A_41 : i32
    %iota3A_43 = tpu.iota {dimensions = array<i32: 0>} : vector<1000x1xi32>
    %add3A_44 = vector.broadcast %mul3A_42 : i32 to vector<1000x1xi32>
    %add3A_45 = arith.addi %add3A_44, %iota3A_43 : vector<1000x1xi32>
    %lt3A = arith.constant 1024 : i32
    %lt3A_46 = vector.broadcast %lt3A : i32 to vector<1000x1xi32>
    %lt3A_47 = arith.cmpi slt, %add3A_45, %lt3A_46 : vector<1000x1xi32>
    %jit3A = arith.constant 1.000000e+00 : f32
    %jit3A_48 = arith.constant 0.000000e+00 : f32
    %broadcast_in_dim3A = vector.broadcast %jit3A : f32 to vector<1000x1xf32>
    %broadcast_in_dim3A_49 = vector.broadcast %jit3A_48 : f32 to vector<1000x1xf32>
    %select_n3A = arith.select %lt3A_47, %broadcast_in_dim3A, %broadcast_in_dim3A_49 : vector<1000x1xi1>, vector<1000x1xf32>
    %get3A_50 = arith.constant 0 : index
    %get3A_51 = arith.constant 0 : index
    %get3A_52 = vector.load %arg9[%get3A_50, %get3A_51] : memref<1x256xf32, #tpu.memory_space<vmem>>, vector<1x256xf32>
    %mul3A_53 = vector.broadcast %select_n3A : vector<1000x1xf32> to vector<1000x256xf32>
    %mul3A_54 = vector.broadcast %get3A_52 : vector<1x256xf32> to vector<1000x256xf32>
    %mul3A_55 = arith.mulf %mul3A_53, %mul3A_54 : vector<1000x256xf32>
    %add3A_56 = arith.addf %add3A_40, %mul3A_55 : vector<1000x256xf32>
    %slice3A = vector.extract_strided_slice %add3A_56 {offsets = [0, 0], sizes = [1000, 128], strides = [1, 1]} : vector<1000x256xf32> to vector<1000x128xf32>
    %swap3A = arith.constant 0 : index
    %swap3A_57 = arith.constant 0 : index
    %swap3A_58 = vector.load %arg10[%swap3A, %swap3A_57] : memref<1000x128xf32, #tpu.memory_space<vmem>>, vector<1000x128xf32>
    tpu.vector_store %arg10[%swap3A, %swap3A_57], %slice3A {strides = array<i32>} : memref<1000x128xf32, #tpu.memory_space<vmem>>, vector<1000x128xf32>,
    %slice3A_59 = vector.extract_strided_slice %add3A_56 {offsets = [0, 128], sizes = [1000, 128], strides = [1, 1]} : vector<1000x256xf32> to vector<1000x128xf32>
    %swap3A_60 = arith.constant 0 : index
    %swap3A_61 = arith.constant 0 : index
    %swap3A_62 = vector.load %arg11[%swap3A_60, %swap3A_61] : memref<1000x128xf32, #tpu.memory_space<vmem>>, vector<1000x128xf32>
    tpu.vector_store %arg11[%swap3A_60, %swap3A_61], %slice3A_59 {strides = array<i32>} : memref<1000x128xf32, #tpu.memory_space<vmem>>, vector<1000x128xf32>,
    return
  }
  func.func @transform_0(%arg0: i32) -> (i32, i32) {
    %c0_i32 = arith.constant 0 : i32
    %c0_i32_0 = arith.constant 0 : i32
    return %arg0, %c0_i32 : i32, i32
  }
  func.func @transform_1(%arg0: i32) -> (i32, i32) {
    %c0_i32 = arith.constant 0 : i32
    %c0_i32_0 = arith.constant 0 : i32
    return %arg0, %c0_i32 : i32, i32
  }
  func.func @transform_2(%arg0: i32) -> (i32, i32) {
    %c0_i32 = arith.constant 0 : i32
    %c0_i32_0 = arith.constant 0 : i32
    return %arg0, %c0_i32 : i32, i32
  }
  func.func @transform_3(%arg0: i32) -> (i32, i32) {
    %c0_i32 = arith.constant 0 : i32
    %c0_i32_0 = arith.constant 0 : i32
    %c0_i32_1 = arith.constant 0 : i32
    return %c0_i32, %c0_i32_0 : i32, i32
  }
  func.func @transform_4(%arg0: i32) -> (i32, i32) {
    %c0_i32 = arith.constant 0 : i32
    %c0_i32_0 = arith.constant 0 : i32
    %c0_i32_1 = arith.constant 0 : i32
    return %c0_i32, %c0_i32_0 : i32, i32
  }
  func.func @transform_5(%arg0: i32) -> (i32, i32) {
    %c0_i32 = arith.constant 0 : i32
    %c0_i32_0 = arith.constant 0 : i32
    %c0_i32_1 = arith.constant 0 : i32
    return %c0_i32, %c0_i32_0 : i32, i32
  }
  func.func @transform_6(%arg0: i32) -> (i32, i32) {
    %c0_i32 = arith.constant 0 : i32
    %c0_i32_0 = arith.constant 0 : i32
    %c0_i32_1 = arith.constant 0 : i32
    return %c0_i32, %c0_i32_0 : i32, i32
  }
  func.func @transform_7(%arg0: i32) -> (i32, i32) {
    %c0_i32 = arith.constant 0 : i32
    %c0_i32_0 = arith.constant 0 : i32
    %c0_i32_1 = arith.constant 0 : i32
    return %c0_i32, %c0_i32_0 : i32, i32
  }
  func.func @transform_8(%arg0: i32) -> (i32, i32) {
    %c0_i32 = arith.constant 0 : i32
    %c0_i32_0 = arith.constant 0 : i32
    %c0_i32_1 = arith.constant 0 : i32
    return %c0_i32, %c0_i32_0 : i32, i32
  }
  func.func @transform_9(%arg0: i32) -> (i32, i32) {
    %c0_i32 = arith.constant 0 : i32
    %c0_i32_0 = arith.constant 0 : i32
    return %arg0, %c0_i32 : i32, i32
  }
  func.func @transform_10(%arg0: i32) -> (i32, i32) {
    %c0_i32 = arith.constant 0 : i32
    %c0_i32_0 = arith.constant 0 : i32
    return %arg0, %c0_i32 : i32, i32
  }
}

module attributes {stable_mosaic.version = 14 : i64} {
  func.func @_combine_body(%arg0: i32, %arg1: memref<1000x128xf32, #tpu.memory_space<vmem>>, %arg2: memref<1000x128xf32, #tpu.memory_space<vmem>>, %arg3: memref<1000x128xf32, #tpu.memory_space<vmem>>, %arg4: memref<1000x128xf32, #tpu.memory_space<vmem>>, %arg5: memref<256x256xf32, #tpu.memory_space<vmem>>, %arg6: memref<256x256xf32, #tpu.memory_space<vmem>>, %arg7: memref<1x256xf32, #tpu.memory_space<vmem>>, %arg8: memref<1000x128xf32, #tpu.memory_space<vmem>>, %arg9: memref<1000x128xf32, #tpu.memory_space<vmem>>) attributes {dimension_semantics = [#tpu.dimension_semantics<arbitrary>], iteration_bounds = array<i64: 10>, scalar_prefetch = 0 : i64, scratch_operands = 0 : i64, tpu.core_type = #tpu.core_type<tc>, window_params = [{transform_indices = @transform_0, window_bounds = array<i64: 1000, 128>}, {transform_indices = @transform_1, window_bounds = array<i64: 1000, 128>}, {transform_indices = @transform_2, window_bounds = array<i64: 1000, 128>}, {transform_indices = @transform_3, window_bounds = array<i64: 1000, 128>}, {pipeline_mode = #tpu.pipeline_mode<synchronous>, transform_indices = @transform_4, window_bounds = array<i64: 256, 256>}, {pipeline_mode = #tpu.pipeline_mode<synchronous>, transform_indices = @transform_5, window_bounds = array<i64: 256, 256>}, {pipeline_mode = #tpu.pipeline_mode<synchronous>, transform_indices = @transform_6, window_bounds = array<i64: 1, 256>}, {transform_indices = @transform_7, window_bounds = array<i64: 1000, 128>}, {transform_indices = @transform_8, window_bounds = array<i64: 1000, 128>}]} {
    %get3A = arith.constant 0 : index
    %get3A_0 = arith.constant 0 : index
    %get3A_1 = vector.load %arg1[%get3A, %get3A_0] : memref<1000x128xf32, #tpu.memory_space<vmem>>, vector<1000x128xf32>
    %get3A_2 = arith.constant 0 : index
    %get3A_3 = arith.constant 0 : index
    %get3A_4 = vector.load %arg2[%get3A_2, %get3A_3] : memref<1000x128xf32, #tpu.memory_space<vmem>>, vector<1000x128xf32>
    %concatenate3A = tpu.concatenate %get3A_1, %get3A_4 in 1 : vector<1000x128xf32>, vector<1000x128xf32> -> vector<1000x256xf32>
    %get3A_5 = arith.constant 0 : index
    %get3A_6 = arith.constant 0 : index
    %get3A_7 = vector.load %arg3[%get3A_5, %get3A_6] : memref<1000x128xf32, #tpu.memory_space<vmem>>, vector<1000x128xf32>
    %get3A_8 = arith.constant 0 : index
    %get3A_9 = arith.constant 0 : index
    %get3A_10 = vector.load %arg4[%get3A_8, %get3A_9] : memref<1000x128xf32, #tpu.memory_space<vmem>>, vector<1000x128xf32>
    %concatenate3A_11 = tpu.concatenate %get3A_7, %get3A_10 in 1 : vector<1000x128xf32>, vector<1000x128xf32> -> vector<1000x256xf32>
    %get3A_12 = arith.constant 0 : index
    %get3A_13 = arith.constant 0 : index
    %get3A_14 = vector.load %arg5[%get3A_12, %get3A_13] : memref<256x256xf32, #tpu.memory_space<vmem>>, vector<256x256xf32>
    %dot_general3A = arith.constant dense<0.000000e+00> : vector<1000x256xf32>
    %dot_general3A_15 = tpu.matmul %concatenate3A, %get3A_14, %dot_general3A {dimension_numbers = #tpu.dot_dimension_numbers<[1], [0], [0], [1], [0, 0, 1, 1], [], []>, precision = #tpu.contract_precision<fp32>, transpose_lhs_hint = false} : vector<1000x256xf32>, vector<256x256xf32>, vector<1000x256xf32> -> vector<1000x256xf32>
    %get3A_16 = arith.constant 0 : index
    %get3A_17 = arith.constant 0 : index
    %get3A_18 = vector.load %arg6[%get3A_16, %get3A_17] : memref<256x256xf32, #tpu.memory_space<vmem>>, vector<256x256xf32>
    %dot_general3A_19 = arith.constant dense<0.000000e+00> : vector<1000x256xf32>
    %dot_general3A_20 = tpu.matmul %concatenate3A_11, %get3A_18, %dot_general3A_19 {dimension_numbers = #tpu.dot_dimension_numbers<[1], [0], [0], [1], [0, 0, 1, 1], [], []>, precision = #tpu.contract_precision<fp32>, transpose_lhs_hint = false} : vector<1000x256xf32>, vector<256x256xf32>, vector<1000x256xf32> -> vector<1000x256xf32>
    %add3A = arith.addf %dot_general3A_15, %dot_general3A_20 : vector<1000x256xf32>
    %get3A_21 = arith.constant 0 : index
    %get3A_22 = arith.constant 0 : index
    %get3A_23 = vector.load %arg7[%get3A_21, %get3A_22] : memref<1x256xf32, #tpu.memory_space<vmem>>, vector<1x256xf32>
    %add3A_24 = vector.broadcast %get3A_23 : vector<1x256xf32> to vector<1000x256xf32>
    %add3A_25 = arith.addf %add3A, %add3A_24 : vector<1000x256xf32>
    %max3A = arith.constant 0.000000e+00 : f32
    %max3A_26 = vector.broadcast %max3A : f32 to vector<1000x256xf32>
    %max3A_27 = arith.maximumf %add3A_25, %max3A_26 : vector<1000x256xf32>
    %slice3A = vector.extract_strided_slice %max3A_27 {offsets = [0, 0], sizes = [1000, 128], strides = [1, 1]} : vector<1000x256xf32> to vector<1000x128xf32>
    %swap3A = arith.constant 0 : index
    %swap3A_28 = arith.constant 0 : index
    %swap3A_29 = vector.load %arg8[%swap3A, %swap3A_28] : memref<1000x128xf32, #tpu.memory_space<vmem>>, vector<1000x128xf32>
    tpu.vector_store %arg8[%swap3A, %swap3A_28], %slice3A {strides = array<i32>} : memref<1000x128xf32, #tpu.memory_space<vmem>>, vector<1000x128xf32>,
    %slice3A_30 = vector.extract_strided_slice %max3A_27 {offsets = [0, 128], sizes = [1000, 128], strides = [1, 1]} : vector<1000x256xf32> to vector<1000x128xf32>
    %swap3A_31 = arith.constant 0 : index
    %swap3A_32 = arith.constant 0 : index
    %swap3A_33 = vector.load %arg9[%swap3A_31, %swap3A_32] : memref<1000x128xf32, #tpu.memory_space<vmem>>, vector<1000x128xf32>
    tpu.vector_store %arg9[%swap3A_31, %swap3A_32], %slice3A_30 {strides = array<i32>} : memref<1000x128xf32, #tpu.memory_space<vmem>>, vector<1000x128xf32>,
    return
  }
  func.func @transform_0(%arg0: i32) -> (i32, i32) {
    %c0_i32 = arith.constant 0 : i32
    %c0_i32_0 = arith.constant 0 : i32
    return %arg0, %c0_i32 : i32, i32
  }
  func.func @transform_1(%arg0: i32) -> (i32, i32) {
    %c0_i32 = arith.constant 0 : i32
    %c0_i32_0 = arith.constant 0 : i32
    return %arg0, %c0_i32 : i32, i32
  }
  func.func @transform_2(%arg0: i32) -> (i32, i32) {
    %c0_i32 = arith.constant 0 : i32
    %c0_i32_0 = arith.constant 0 : i32
    return %arg0, %c0_i32 : i32, i32
  }
  func.func @transform_3(%arg0: i32) -> (i32, i32) {
    %c0_i32 = arith.constant 0 : i32
    %c0_i32_0 = arith.constant 0 : i32
    return %arg0, %c0_i32 : i32, i32
  }
  func.func @transform_4(%arg0: i32) -> (i32, i32) {
    %c0_i32 = arith.constant 0 : i32
    %c0_i32_0 = arith.constant 0 : i32
    %c0_i32_1 = arith.constant 0 : i32
    return %c0_i32, %c0_i32_0 : i32, i32
  }
  func.func @transform_5(%arg0: i32) -> (i32, i32) {
    %c0_i32 = arith.constant 0 : i32
    %c0_i32_0 = arith.constant 0 : i32
    %c0_i32_1 = arith.constant 0 : i32
    return %c0_i32, %c0_i32_0 : i32, i32
  }
  func.func @transform_6(%arg0: i32) -> (i32, i32) {
    %c0_i32 = arith.constant 0 : i32
    %c0_i32_0 = arith.constant 0 : i32
    %c0_i32_1 = arith.constant 0 : i32
    return %c0_i32, %c0_i32_0 : i32, i32
  }
  func.func @transform_7(%arg0: i32) -> (i32, i32) {
    %c0_i32 = arith.constant 0 : i32
    %c0_i32_0 = arith.constant 0 : i32
    return %arg0, %c0_i32 : i32, i32
  }
  func.func @transform_8(%arg0: i32) -> (i32, i32) {
    %c0_i32 = arith.constant 0 : i32
    %c0_i32_0 = arith.constant 0 : i32
    return %arg0, %c0_i32 : i32, i32
  }
}

module attributes {stable_mosaic.version = 14 : i64} {
  func.func @_final_body(%arg0: i32, %arg1: memref<1000x128xf32, #tpu.memory_space<vmem>>, %arg2: memref<1000x128xf32, #tpu.memory_space<vmem>>, %arg3: memref<1000x128xf32, #tpu.memory_space<vmem>>, %arg4: memref<1000x128xf32, #tpu.memory_space<vmem>>, %arg5: memref<256x256xf32, #tpu.memory_space<vmem>>, %arg6: memref<256x256xf32, #tpu.memory_space<vmem>>, %arg7: memref<1x256xf32, #tpu.memory_space<vmem>>, %arg8: memref<256x1xf32, #tpu.memory_space<vmem>>, %arg9: memref<1x1xf32, #tpu.memory_space<vmem>>, %arg10: memref<1000x1xf32, #tpu.memory_space<vmem>>) attributes {dimension_semantics = [#tpu.dimension_semantics<arbitrary>], iteration_bounds = array<i64: 10>, scalar_prefetch = 0 : i64, scratch_operands = 0 : i64, tpu.core_type = #tpu.core_type<tc>, window_params = [{transform_indices = @transform_0, window_bounds = array<i64: 1000, 128>}, {transform_indices = @transform_1, window_bounds = array<i64: 1000, 128>}, {transform_indices = @transform_2, window_bounds = array<i64: 1000, 128>}, {transform_indices = @transform_3, window_bounds = array<i64: 1000, 128>}, {pipeline_mode = #tpu.pipeline_mode<synchronous>, transform_indices = @transform_4, window_bounds = array<i64: 256, 256>}, {pipeline_mode = #tpu.pipeline_mode<synchronous>, transform_indices = @transform_5, window_bounds = array<i64: 256, 256>}, {pipeline_mode = #tpu.pipeline_mode<synchronous>, transform_indices = @transform_6, window_bounds = array<i64: 1, 256>}, {pipeline_mode = #tpu.pipeline_mode<synchronous>, transform_indices = @transform_7, window_bounds = array<i64: 256, 1>}, {pipeline_mode = #tpu.pipeline_mode<synchronous>, transform_indices = @transform_8, window_bounds = array<i64: 1, 1>}, {transform_indices = @transform_9, window_bounds = array<i64: 1000, 1>}]} {
    %get3A = arith.constant 0 : index
    %get3A_0 = arith.constant 0 : index
    %get3A_1 = vector.load %arg1[%get3A, %get3A_0] : memref<1000x128xf32, #tpu.memory_space<vmem>>, vector<1000x128xf32>
    %get3A_2 = arith.constant 0 : index
    %get3A_3 = arith.constant 0 : index
    %get3A_4 = vector.load %arg2[%get3A_2, %get3A_3] : memref<1000x128xf32, #tpu.memory_space<vmem>>, vector<1000x128xf32>
    %concatenate3A = tpu.concatenate %get3A_1, %get3A_4 in 1 : vector<1000x128xf32>, vector<1000x128xf32> -> vector<1000x256xf32>
    %get3A_5 = arith.constant 0 : index
    %get3A_6 = arith.constant 0 : index
    %get3A_7 = vector.load %arg3[%get3A_5, %get3A_6] : memref<1000x128xf32, #tpu.memory_space<vmem>>, vector<1000x128xf32>
    %get3A_8 = arith.constant 0 : index
    %get3A_9 = arith.constant 0 : index
    %get3A_10 = vector.load %arg4[%get3A_8, %get3A_9] : memref<1000x128xf32, #tpu.memory_space<vmem>>, vector<1000x128xf32>
    %concatenate3A_11 = tpu.concatenate %get3A_7, %get3A_10 in 1 : vector<1000x128xf32>, vector<1000x128xf32> -> vector<1000x256xf32>
    %get3A_12 = arith.constant 0 : index
    %get3A_13 = arith.constant 0 : index
    %get3A_14 = vector.load %arg5[%get3A_12, %get3A_13] : memref<256x256xf32, #tpu.memory_space<vmem>>, vector<256x256xf32>
    %dot_general3A = arith.constant dense<0.000000e+00> : vector<1000x256xf32>
    %dot_general3A_15 = tpu.matmul %concatenate3A, %get3A_14, %dot_general3A {dimension_numbers = #tpu.dot_dimension_numbers<[1], [0], [0], [1], [0, 0, 1, 1], [], []>, precision = #tpu.contract_precision<fp32>, transpose_lhs_hint = false} : vector<1000x256xf32>, vector<256x256xf32>, vector<1000x256xf32> -> vector<1000x256xf32>
    %get3A_16 = arith.constant 0 : index
    %get3A_17 = arith.constant 0 : index
    %get3A_18 = vector.load %arg6[%get3A_16, %get3A_17] : memref<256x256xf32, #tpu.memory_space<vmem>>, vector<256x256xf32>
    %dot_general3A_19 = arith.constant dense<0.000000e+00> : vector<1000x256xf32>
    %dot_general3A_20 = tpu.matmul %concatenate3A_11, %get3A_18, %dot_general3A_19 {dimension_numbers = #tpu.dot_dimension_numbers<[1], [0], [0], [1], [0, 0, 1, 1], [], []>, precision = #tpu.contract_precision<fp32>, transpose_lhs_hint = false} : vector<1000x256xf32>, vector<256x256xf32>, vector<1000x256xf32> -> vector<1000x256xf32>
    %add3A = arith.addf %dot_general3A_15, %dot_general3A_20 : vector<1000x256xf32>
    %get3A_21 = arith.constant 0 : index
    %get3A_22 = arith.constant 0 : index
    %get3A_23 = vector.load %arg7[%get3A_21, %get3A_22] : memref<1x256xf32, #tpu.memory_space<vmem>>, vector<1x256xf32>
    %add3A_24 = vector.broadcast %get3A_23 : vector<1x256xf32> to vector<1000x256xf32>
    %add3A_25 = arith.addf %add3A, %add3A_24 : vector<1000x256xf32>
    %get3A_26 = arith.constant 0 : index
    %get3A_27 = arith.constant 0 : index
    %get3A_28 = vector.load %arg8[%get3A_26, %get3A_27] : memref<256x1xf32, #tpu.memory_space<vmem>>, vector<256x1xf32>
    %dot_general3A_29 = arith.constant dense<0.000000e+00> : vector<1000x1xf32>
    %dot_general3A_30 = tpu.matmul %add3A_25, %get3A_28, %dot_general3A_29 {dimension_numbers = #tpu.dot_dimension_numbers<[1], [0], [0], [1], [0, 0, 1, 1], [], []>, precision = #tpu.contract_precision<fp32>, transpose_lhs_hint = false} : vector<1000x256xf32>, vector<256x1xf32>, vector<1000x1xf32> -> vector<1000x1xf32>
    %get3A_31 = arith.constant 0 : index
    %get3A_32 = arith.constant 0 : index
    %get3A_33 = vector.load %arg9[%get3A_31, %get3A_32] : memref<1x1xf32, #tpu.memory_space<vmem>>, vector<1x1xf32>
    %add3A_34 = vector.broadcast %get3A_33 : vector<1x1xf32> to vector<1000x1xf32>
    %add3A_35 = arith.addf %dot_general3A_30, %add3A_34 : vector<1000x1xf32>
    %swap3A = arith.constant 0 : index
    %swap3A_36 = arith.constant 0 : index
    %swap3A_37 = vector.load %arg10[%swap3A, %swap3A_36] : memref<1000x1xf32, #tpu.memory_space<vmem>>, vector<1000x1xf32>
    tpu.vector_store %arg10[%swap3A, %swap3A_36], %add3A_35 {strides = array<i32>} : memref<1000x1xf32, #tpu.memory_space<vmem>>, vector<1000x1xf32>,
    return
  }
  func.func @transform_0(%arg0: i32) -> (i32, i32) {
    %c0_i32 = arith.constant 0 : i32
    %c0_i32_0 = arith.constant 0 : i32
    return %arg0, %c0_i32 : i32, i32
  }
  func.func @transform_1(%arg0: i32) -> (i32, i32) {
    %c0_i32 = arith.constant 0 : i32
    %c0_i32_0 = arith.constant 0 : i32
    return %arg0, %c0_i32 : i32, i32
  }
  func.func @transform_2(%arg0: i32) -> (i32, i32) {
    %c0_i32 = arith.constant 0 : i32
    %c0_i32_0 = arith.constant 0 : i32
    return %arg0, %c0_i32 : i32, i32
  }
  func.func @transform_3(%arg0: i32) -> (i32, i32) {
    %c0_i32 = arith.constant 0 : i32
    %c0_i32_0 = arith.constant 0 : i32
    return %arg0, %c0_i32 : i32, i32
  }
  func.func @transform_4(%arg0: i32) -> (i32, i32) {
    %c0_i32 = arith.constant 0 : i32
    %c0_i32_0 = arith.constant 0 : i32
    %c0_i32_1 = arith.constant 0 : i32
    return %c0_i32, %c0_i32_0 : i32, i32
  }
  func.func @transform_5(%arg0: i32) -> (i32, i32) {
    %c0_i32 = arith.constant 0 : i32
    %c0_i32_0 = arith.constant 0 : i32
    %c0_i32_1 = arith.constant 0 : i32
    return %c0_i32, %c0_i32_0 : i32, i32
  }
  func.func @transform_6(%arg0: i32) -> (i32, i32) {
    %c0_i32 = arith.constant 0 : i32
    %c0_i32_0 = arith.constant 0 : i32
    %c0_i32_1 = arith.constant 0 : i32
    return %c0_i32, %c0_i32_0 : i32, i32
  }
  func.func @transform_7(%arg0: i32) -> (i32, i32) {
    %c0_i32 = arith.constant 0 : i32
    %c0_i32_0 = arith.constant 0 : i32
    %c0_i32_1 = arith.constant 0 : i32
    return %c0_i32, %c0_i32_0 : i32, i32
  }
  func.func @transform_8(%arg0: i32) -> (i32, i32) {
    %c0_i32 = arith.constant 0 : i32
    %c0_i32_0 = arith.constant 0 : i32
    %c0_i32_1 = arith.constant 0 : i32
    return %c0_i32, %c0_i32_0 : i32, i32
  }
  func.func @transform_9(%arg0: i32) -> (i32, i32) {
    %c0_i32 = arith.constant 0 : i32
    %c0_i32_0 = arith.constant 0 : i32
    return %arg0, %c0_i32 : i32, i32
  }
}

</mosaic_0001>

<sc_bundles>
// kernel: kernel.10.cloned.1.call-start
scs
__scs_entry_jumppad:
0x0: {  	(pc) =	sbr.rel $0x88, $3  }
0x1: {  	(tag) =	ssettag $0x0;
	lr =	simm.s32 $0x1  }
0x2: {  	[smem:$0x3F84] =	sst lr;
	_ =	strace $0xD0000000  }
0x3: {  	_ = 	snop  }
0x4: {  	_ = 	snop  }
0x5: {  	_ = 	snop  }
0x6: {  	_ = 	snop  }
0x7: {  	_ = 	snop  }
__scs_overlays_trampoline_lowered:
0x8: {  	[smem:$0x3F93] =	sst s0  }
0x9: {  	[smem:$0x3F94] =	sst s1  }
0xa: {  	[smem:$0x3F95] =	sst s2  }
0xb: {  	[smem:$0x3F96] =	sst s3  }
0xc: {  	[smem:$0x3F97] =	sst s4  }
0xd: {  	[smem:$0x3F98] =	sst s5  }
0xe: {  	[smem:$0x3F99] =	sst s6  }
0xf: {  	[smem:$0x3F9A] =	sst s7  }
0x10: {  	[smem:$0x3F9B] =	sst s8  }
0x11: {  	[smem:$0x3F9C] =	sst s9;
	s0 =	simm.s32 @!p0 $0x0  }
0x12: {  	s1 =	sld [smem:$0x3F82];
	s0 =	simm.s32 @p0 $0x1  }
0x13: {  	[smem:$0x3F9D] =	sst s0;
	s0 =	simm.s32 @!p1 $0x0  }
0x14: {  	s2 =	sld [smem:$0x3F81];
	s0 =	simm.s32 @p1 $0x1  }
0x15: {  	[smem:$0x3F9E] =	sst s0;
	s0 =	simm.s32 @!p2 $0x0  }
0x16: {  	s3 =	sld [smem:$0x3FDB];
	s0 =	simm.s32 @p2 $0x1  }
0x17: {  	s4 =	simm.s32 $0x1BF5;
	[smem:$0x3FA0] =	sst s0  }
0x18: {  	s0 =	sld [smem:$0x3F83];
	_ =	swait.ge [sflag:s4], $0x0  }
0x19: {  	s7 =	sld [smem:$0x3F84]  }
0x1a: {  	s8 =	sadd.s32 $0xFFFFE003, lr  }
0x1b: {  	s9 =	sadd.s32 $0xFFFFFEF7, lr;
	s5 =	simm.s32 $0xFFFFFFFF;
	p2 =	slt.u32 s8, $0xFFFFF086  }
0x1c: {  	p1 =	slt.u32 s9, $0xF7A;
	s5 =	simm.s32 @!p2 $0x0  }
0x1d: {  	s5 =	simm.s32 @p1 $0x1;
	p0 =	seq.s32 s7, s2  }
0x1e: {  	s7 =	smul.u32 @!p0 $0xF7A, s2;
	p2 =	seq.s32 @!p0 s5, $0x0  }
0x1f: {  	s9 =	smul.u32 $0xF7A, s1;
	s8 =	simm.s32 @!p0 $0x1BF5;
	p2 =	por !p2, p0  }
0x20: {  	[sflag:s8] =	ssyncset.s32 @!p0 $0xFFFFF086;
	s6 =	sadd.s32 @!p0 s3, s7;
	s7 =	simm.s32 @!p0 $0x108  }
0x21: {  	s3 =	sadd.s32 s3, s9;
	s6 =	sadd.s32 @!p0 $0x88, s6;
	s7 =	simm.s32 @p2 $0x1082  }
0x22: {  	[simem:s7], [sflag:s8] =	dma.local @!p0 [hbm:s6], $0xF7A  }
0x23: {  	s9 =	sor.u32 $0xD0000000, s2;
	s6 =	simm.s32 $0x108;
	_ =	swait.ge @!p0 [sflag:s8], $0x0  }
0x24: {  	s3 =	sadd.s32 $0x88, s3;
	s6 =	simm.s32 @!p1 $0x1082;
	[sflag:s4] =	ssyncset.s32 $0xFFFFF086  }
0x25: {  	[simem:s6], [sflag:s4] =	dma.local [hbm:s3], $0xF7A  }
0x26: {  	[smem:$0x3F84] =	sst s1;
	(tag) =	ssettag s2;
	_ =	strace s9  }
0x27: {  	s1 =	sld [smem:$0x3F94]  }
0x28: {  	s2 =	sld [smem:$0x3F95]  }
0x29: {  	s4 =	sld [smem:$0x3F97]  }
0x2a: {  	p0 =	seq.s32 s5, $0x0;
	s5 =	sld [smem:$0x3F98]  }
0x2b: {  	s6 =	sld [smem:$0x3F99]  }
0x2c: {  	s7 =	sld [smem:$0x3F9A]  }
0x2d: {  	s3 =	simm.s32 $0x108;
	s8 =	sld [smem:$0x3F9B]  }
0x2e: {  	s3 =	simm.s32 @!p0 $0x1082;
	s9 =	sld [smem:$0x3F9C]  }
0x2f: {  	lr =	sadd.s32 s0, s3;
	s0 =	sld [smem:$0x3F93]  }
0x30: {  	s3 =	sld [smem:$0x3F96]  }
0x31: {  	[smem:$0x3F9F] =	sst s10  }
0x32: {  	s10 =	sld [smem:$0x3F9D];
	_ =	sdelay $0x3  }
0x33: {  	p0 =	seq.s32 s10, $0x1;
	s10 =	sld [smem:$0x3F9F];
	_ =	sdelay $0x3  }
0x34: {  	[smem:$0x3F9F] =	sst s10  }
0x35: {  	s10 =	sld [smem:$0x3F9E];
	_ =	sdelay $0x3  }
0x36: {  	p1 =	seq.s32 s10, $0x1;
	s10 =	sld [smem:$0x3F9F];
	_ =	sdelay $0x3  }
0x37: {  	[smem:$0x3F9F] =	sst s10  }
0x38: {  	s10 =	sld [smem:$0x3FA0]  }
0x39: {  	_ = 	snop;
	(pc) =	sbr.ind lr, $3  }
0x3a: {  	_ = 	snop  }
0x3b: {  	_ = 	snop  }
0x3c: {  	p2 =	seq.s32 s10, $0x1;
	s10 =	sld [smem:$0x3F9F]  }
0x3d: {  	_ =	shalt  }
0x3e: {  	_ =	shalt  }
0x3f: {  	_ =	shalt  }
0x40: {  	_ =	shalt  }
0x41: {  	_ =	shalt  }
0x42: {  	_ =	shalt  }
0x43: {  	_ =	shalt  }
0x44: {  	_ =	shalt  }
0x45: {  	_ =	shalt  }
0x46: {  	_ =	shalt  }
0x47: {  	_ =	shalt  }
0x48: {  	_ =	shalt  }
0x49: {  	_ =	shalt  }
0x4a: {  	_ =	shalt  }
0x4b: {  	_ =	shalt  }
0x4c: {  	_ =	shalt  }
0x4d: {  	_ =	shalt  }
0x4e: {  	_ =	shalt  }
0x4f: {  	_ =	shalt  }
0x50: {  	_ =	shalt  }
0x51: {  	_ =	shalt  }
0x52: {  	_ =	shalt  }
0x53: {  	_ =	shalt  }
0x54: {  	_ =	shalt  }
0x55: {  	_ =	shalt  }
0x56: {  	_ =	shalt  }
0x57: {  	_ =	shalt  }
0x58: {  	_ =	shalt  }
0x59: {  	_ =	shalt  }
0x5a: {  	_ =	shalt  }
0x5b: {  	_ =	shalt  }
0x5c: {  	_ =	shalt  }
0x5d: {  	_ =	shalt  }
0x5e: {  	_ =	shalt  }
0x5f: {  	_ =	shalt  }
0x60: {  	_ =	shalt  }
0x61: {  	_ =	shalt  }
0x62: {  	_ =	shalt  }
0x63: {  	_ =	shalt  }
0x64: {  	_ =	shalt  }
0x65: {  	_ =	shalt  }
0x66: {  	_ =	shalt  }
0x67: {  	_ =	shalt  }
0x68: {  	_ =	shalt  }
0x69: {  	_ =	shalt  }
0x6a: {  	_ =	shalt  }
0x6b: {  	_ =	shalt  }
0x6c: {  	_ =	shalt  }
0x6d: {  	_ =	shalt  }
0x6e: {  	_ =	shalt  }
0x6f: {  	_ =	shalt  }
0x70: {  	_ =	shalt  }
0x71: {  	_ =	shalt  }
0x72: {  	_ =	shalt  }
0x73: {  	_ =	shalt  }
0x74: {  	_ =	shalt  }
0x75: {  	_ =	shalt  }
0x76: {  	_ =	shalt  }
0x77: {  	_ =	shalt  }
0x78: {  	_ =	shalt  }
0x79: {  	_ =	shalt  }
0x7a: {  	_ =	shalt  }
0x7b: {  	_ =	shalt  }
0x7c: {  	_ =	shalt  }
0x7d: {  	_ =	shalt  }
0x7e: {  	_ =	shalt  }
0x7f: {  	_ =	shalt  }
0x80: {  	_ =	shalt  }
0x81: {  	_ =	shalt  }
0x82: {  	_ =	shalt  }
0x83: {  	_ =	shalt  }
0x84: {  	_ =	shalt  }
0x85: {  	_ =	shalt  }
0x86: {  	_ =	shalt  }
0x87: {  	_ =	shalt  }
.Lfunc_end0:
.L_simem_size_0:
called_computation_lowered:
.L_overlay_start_0:
0x88: {  	s2 =	sld [smem:$0x3FD9]  }
0x89: {  	s3 =	sld [smem:$0x3FFE];
	_ =	sdelay $0x1  }
0x8a: {  	s1 =	srdreg.scid  }
0x8b: {  	s0 =	sand.u32 $0x1, s1  }
0x8c: {  	s17 =	sshll.u32 s0, $0xA;
	s2 =	sadd.s32 s3, s2  }
0x8d: {  	s2 =	sadd.s32 s2, s17  }
0x8e: {  	[smem:$0x3FAB] =	sst s2  }
0x8f: {  	_ = 	snop  }
0x90: {  	(tm) =	ssettm $0x1  }
0x91: {  	s18 =	sld [smem:$0x3FFB];
	_ =	sdelay $0x3  }
0x92: {  	_ =	strace s18  }
0x93: {  	s2 =	sld [smem:$0x3FFC];
	_ =	sdelay $0x3  }
0x94: {  	_ =	strace s2  }
0x95: {  	s2 =	sld [smem:$0x3FFD];
	_ =	sdelay $0x3  }
0x96: {  	_ =	strace s2  }
0x97: {  	_ =	strace $0x8FFFFFFF  }
0x98: {  	s19 =	sld [smem:$0x3FDB];
	_ =	sdelay $0x1  }
0x99: {  	s20 =	simm.s32 $_scs_section_size  }
0x9a: {  	s4 =	simm.s32 $_size__tile_overlayer_lowered;
	s5 =	simm.s32 $_tile_overlayer_lowered  }
0x9b: {  	s6 =	simm.s32 $0x1BFF;
	s21 =	sshll.u32 s5, $0x1;
	s3 =	sadd.s32 s20, s19  }
0x9c: {  	s22 =	simm.s32 $0x0;
	s4 =	sshll.u32 s4, $0x1;
	s5 =	sadd.s32 s21, s3  }
0x9d: {  	[timem:s22], [sflag:s6] =	dma.local [hbm:s5], s4  }
0x9e: {  	_ =	swait.ge [sflag:s6], s4  }
0x9f: {  	s4 =	ssub.s32 $0x0, s4;
	[sflag:s6] =	ssyncset.done $0x0  }
0xa0: {  	[sflag:s6] =	ssyncadd.s32 s4;
	_ =	sdelay $0x1  }
0xa1: {  	s23 =	simm.s32 $0x1B8B  }
0xa2: {  	_ =	swait.ge [sflag:s23], $0x1  }
0xa3: {  	[sflag:s23] =	ssyncset.done $0x0  }
0xa4: {  	[sflag:s23] =	ssyncadd.s32 $0xFFFFFFFF  }
0xa5: {  	s4 =	sld [smem:$0x0]  }
0xa6: {  	s5 =	sand.u32 $0xFFFFFFFE, s1  }
0xa7: {  	p0 =	sne.s32 s1, s5  }
0xa8: {  	s5 =	sshll.u32 @p0 s5, $0xE  }
0xa9: {  	s5 =	sadd.s32 @p0 $0x11B8D, s5;
	s6 =	sshll.u32 @p0 s4, $0x11  }
0xaa: {  	s5 =	sor.u32 @p0 s6, s5  }
0xab: {  	[sflag:s5] =	ssyncadd.remote.s32 @p0 $0x1;
	_ =	sdelay $0x1  }
0xac: {  	s5 =	simm.s32 @p0 $0x1B8D  }
0xad: {  	_ =	swait.eq @p0 [sflag:s5], $0x1  }
0xae: {  	[sflag:s5] =	ssyncadd.s32 @p0 $0xFFFFFFFF  }
0xaf: {  	s6 =	sshll.u32 @!p0 s1, $0xE  }
0xb0: {  	s6 =	sor.u32 @!p0 $0x4000, s6;
	s5 =	simm.s32 @!p0 $0x1B8D  }
0xb1: {  	s4 =	sshll.u32 @!p0 s4, $0x11;
	s6 =	sadd.s32 @!p0 $0x11B8D, s6;
	_ =	swait.eq @!p0 [sflag:s5], $0x1  }
0xb2: {  	s4 =	sor.u32 @!p0 s4, s6;
	[sflag:s5] =	ssyncadd.s32 @!p0 $0xFFFFFFFF  }
0xb3: {  	s25 =	simm.s32 $0x1B8E;
	s24 =	sld [smem:$0x3FFE];
	[sflag:s4] =	ssyncadd.remote.s32 @!p0 $0x1  }
0xb4: {  	s26 =	simm.s32 $execute0_lowered;
	[smem:$0x3FD2] =	sst s25  }
0xb5: {  	s5 =	sshll.u32 s26, $0x1;
	_ =	strace $0x80000049;
	[dreg:$0x1] =	wrdreg $0xFFFFFFFF  }
0xb6: {  	s28 =	simm.s32 $_size_execute0_lowered;
	s3 =	sadd.s32 s3, s5;
	[dreg:$0x0] =	wrdreg $0x0  }
0xb7: {  	s5 =	sshll.u32 s28, $0x1;
	[dreg:$0x2] =	wrdreg s3  }
0xb8: {  	[dreg:$0x3] =	wrdreg s5  }
0xb9: {  	[dreg:$0x4] =	wrdreg $0xC0  }
0xba: {  	_ =	task [dreg:s22], $0x5FFFF  }
0xbb: {  	[dreg:$0x1] =	wrdreg $0xFFFFFFFF  }
0xbc: {  	[dreg:$0x0] =	wrdreg $0x60  }
0xbd: {  	[dreg:$0x2] =	wrdreg s24  }
0xbe: {  	[dreg:$0x3] =	wrdreg $0xA8000  }
0xbf: {  	[dreg:$0x4] =	wrdreg $0x9  }
0xc0: {  	_ =	task.clear_ibuf [dreg:s22], $0x5FFFF;
	_ =	strace $0x90000049  }
0xc1: {  	s29 =	simm.s32 $0x9;
	_ =	strace $0x8000004B  }
0xc2: {  	_ =	swait.ge [sflag:s29], $0x1  }
0xc3: {  	[sflag:s29] =	ssyncadd.s32 $0xFFFFFFFF  }
0xc4: {  	_ =	strace $0x9000004B  }
0xc5: {  	_ =	sfence  }
0xc6: {  	s30 =	sld [smem:$0x0];
	_ =	sdelay $0x2  }
0xc7: {  	s31 =	sshll.u32 s1, $0xD;
	s1 =	sshrl.u32 s1, $0x2  }
0xc8: {  	s4 =	sand.u32 $0x4000, s31;
	s1 =	sadd.s32 s1, s30  }
0xc9: {  	s0 =	sor.u32 s4, s0;
	s1 =	sshll.u32 s1, $0x11  }
0xca: {  	s0 =	sor.u32 s1, s0  }
0xcb: {  	s0 =	sadd.s32 $0x8F2B, s0  }
0xcc: {  	[sflag:s0] =	ssyncadd.remote.s32 $0x1  }
0xcd: {  	_ =	sfence.sel $0xFFFF  }
0xce: {  	[dreg:$0x0] =	wrdreg $0xFFFFFFFF;
	(pc) =	sbr.abs _section_cstart, $3  }
0xcf: {  	[dreg:$0x1] =	wrdreg $0xFFFFFFFF  }
0xd0: {  	_ =	task.clear_ibuf [dreg:s22], $0x2FFFF;
	_ =	strace $0x9FFFFFFF  }
0xd1: {  	(tm) =	ssettm $0x7FFFFFFF  }
tec
execute0_lowered:
.L_overlay_start_1:
0x0: {  	(tag) =	ssettag $0x1  }
0x1: {  	s13 =	rddreg [dreg:$0x0]  }
0x2: {  	s1 =	rddreg [dreg:$0x1]  }
0x3: {  	s0 =	rddreg [dreg:$0x2]  }
0x4: {  	s2 =	simm.s32 $0x0;
	s4 =	srdreg.scid;
	s3 =	stileid.u32  }
0x5: {  	s18 =	simm.s32 $0x133200;
	s19 =	simm.s32 $0x80;
	s20 =	simm.s32 $0x2800  }
0x6: {  	s21 =	simm.s32 $0x3;
	s22 =	simm.s32 $0x2;
	s23 =	simm.s32 $0x6800  }
0x7: {  	s24 =	simm.s32 $0x4;
	s25 =	simm.s32 $0x2780;
	[smem:$0x7FF] =	sst s2  }
0x8: {  	s10 =	sadd.s32 $0x106200, s13;
	s11 =	sadd.s32 $0x101200, s13;
	s12 =	sand.u32 $0x1, s4  }
0x9: {  	s4 =	sadd.s32 $0xDA000, s13;
	s8 =	smul.u32 $0x50000, s3;
	s5 =	sadd.s32 $0xB2E00, s13  }
0xa: {  	s6 =	sadd.s32 $0x60600, s13;
	s28 =	smul.u32 $0x500, s3;
	s29 =	sshll.u32 s3, $0x6  }
0xb: {  	s16 =	smul.u32 $0x2800, s3;
	_ =	strace $0x8000004A;
	s7 =	ssub.s32 $0x2, s12  }
0xc: {  	p1 =	seq.s32 s12, $0x1;
	p0 =	seq.s32 s12, $0x0;
	s12 =	smov.u32 s5  }
0xd: {  	s9 =	sshrl.u32 s7, $0x1;
	s26 =	sshrl.u32 s8, $0x2;
	s8 =	sadd.s32 s10, s28  }
0xe: {  	s17 =	sshrl.u32 s16, $0x3;
	s18 =	simm.s32 @!p1 $0x10B200;
	s12 =	smov.u32 @p0 s4  }
0xf: {  	s14 =	ssub.s32 s7, s9;
	s15 =	sadd.s32 s26, s1;
	s7 =	sor.u32 $0x1C05, s29  }
0x10: {  	s9 =	sadd.s32 s11, s28;
	s30 =	sadd.s32 $0x280, s17;
	s31 =	sadd.s32 s18, s13  }
0x11: {  	s17 =	simm.s32 $0x1400;
	s18 =	simm.s32 $0x1;
	s26 =	simm.s32 $0x0  }
0x12: {  	s10 =	sadd.s32 s10, s30;
	s11 =	sadd.s32 s11, s30;
	s13 =	smax.u32 s14, $0x1  }
0x13: {  	s14 =	sadd.s32 s31, s16;
	s15 =	sshrl.u32 s15, $0x3;
	s16 =	simm.s32 $0x5  }
.LBB2_1:
0x14: {  	[spmem:s15], [sflag:s7] =	dma.local [hbm:s6], $0x2800  }
0x15: {  	_ =	swait.ge [sflag:s16], $0x2800  }
0x16: {  	[sflag:s16] =	ssyncset.done $0x0  }
0x17: {  	[sflag:s16] =	ssyncadd.s32 $0xFFFFD800  }
0x18: {  	[bflag:$0x0] =	sbarrier.arrive $0xFFFF  }
0x19: {  	[tilespmem:s2], [sflag:$0x5] =	stream.linear.gather [hbm4b:s8+s2], $0x1400, $0x38;
	[tilespmem:$0x1E800] =	vst v63  }
0x1a: {  	_ =	swait.ge [sflag:s16], $0x1400  }
0x1b: {  	[sflag:s16] =	ssyncset.done $0x0  }
0x1c: {  	[sflag:s16] =	ssyncadd.s32 $0xFFFFEC00  }
0x1d: {  	[tilespmem:s17], [sflag:$0x5] =	stream.linear.gather [hbm4b:s9+s2], $0x1400, $0x38;
	[tilespmem:$0x1E800] =	vst v63  }
0x1e: {  	_ =	swait.ge [sflag:s16], $0x1400  }
0x1f: {  	s28 =	simm.s32 @p0 $0x80;
	[sflag:s16] =	ssyncset.done $0x0  }
0x20: {  	s29 =	simm.s32 @p0 $0x0;
	s30 =	simm.s32 @p0 $0x2800;
	[sflag:s16] =	ssyncadd.s32 $0xFFFFEC00  }
0x21: {  	[tilespmem:s30], [sflag:$0x1] =	stream.indirect.gather @p0 [hbm4b:s4+s28], $0x80, s29, s28, $0xb8;
	[tilespmem:$0x1E800] =	vst v63  }
0x22: {  	s29 =	simm.s32 @p0 $0x6800  }
0x23: {  	[tilespmem:s29], [sflag:$0x2] =	stream.indirect.gather @p0 [hbm4b:s4+s28], $0x80, s28, s28, $0xb8;
	[tilespmem:$0x1E800] =	vst v63  }
0x24: {  	s30 =	simm.s32 @!p0 $0x2800;
	s28 =	simm.s32 @!p0 $0x80;
	s29 =	simm.s32 @!p0 $0x0  }
0x25: {  	[tilespmem:s30], [sflag:$0x1] =	stream.indirect.gather @!p0 [hbm4b:s5+s28], $0x80, s29, s28, $0xb8;
	[tilespmem:$0x1E800] =	vst v63  }
0x26: {  	s29 =	simm.s32 @!p0 $0x6800  }
0x27: {  	[tilespmem:s29], [sflag:$0x2] =	stream.indirect.gather @!p0 [hbm4b:s5+s28], $0x80, s28, s28, $0xb8;
	[tilespmem:$0x1E800] =	vst v63  }
0x28: {  	_ =	swait.ge [sflag:s18], $0x4000  }
0x29: {  	[sflag:s18] =	ssyncset.done $0x0  }
0x2a: {  	[sflag:s18] =	ssyncadd.s32 $0xFFFFC000  }
0x2b: {  	[spmem:s1] =	stream.indirect.scatter.add.f32 [tilespmem:s20], [sflag:$0x3], $0x80, s17, s19, $0xb8;
	[tilespmem:$0x1E800] =	vst v63  }
0x2c: {  	_ =	swait.ge [sflag:s21], $0x4000  }
0x2d: {  	[sflag:s21] =	ssyncset.done $0x0  }
0x2e: {  	s28 =	simm.s32 $0x100;
	[sflag:s21] =	ssyncadd.s32 $0xFFFFC000  }
0x2f: {  	[tilespmem:s20], [sflag:$0x1] =	stream.indirect.gather [hbm4b:s12+s19], $0x80, s28, s19, $0xb8;
	[tilespmem:$0x1E800] =	vst v63  }
0x30: {  	_ =	swait.ge [sflag:s22], $0x4000  }
0x31: {  	[sflag:s22] =	ssyncset.done $0x0  }
0x32: {  	s28 =	simm.s32 $0x1480;
	[sflag:s22] =	ssyncadd.s32 $0xFFFFC000  }
0x33: {  	[spmem:s1] =	stream.indirect.scatter.add.f32 [tilespmem:s23], [sflag:$0x4], $0x80, s28, s19, $0xb8;
	[tilespmem:$0x1E800] =	vst v63  }
0x34: {  	_ =	swait.ge [sflag:s24], $0x4000  }
0x35: {  	[sflag:s24] =	ssyncset.done $0x0  }
0x36: {  	s28 =	simm.s32 $0x180;
	[sflag:s24] =	ssyncadd.s32 $0xFFFFC000  }
0x37: {  	[tilespmem:s23], [sflag:$0x2] =	stream.indirect.gather [hbm4b:s12+s19], $0x80, s28, s19, $0xb8;
	[tilespmem:$0x1E800] =	vst v63  }
0x38: {  	_ =	swait.ge [sflag:s18], $0x4000  }
0x39: {  	[sflag:s18] =	ssyncset.done $0x0  }
0x3a: {  	s29 =	simm.s32 $0x1500;
	s28 =	simm.s32 $0xFFFFB800;
	[sflag:s18] =	ssyncadd.s32 $0xFFFFC000  }
.LBB2_2:
0x3b: {  	[spmem:s1] =	stream.indirect.scatter.add.f32 [tilespmem:s20], [sflag:$0x3], $0x80, s29, s19, $0xb8;
	[tilespmem:$0x1E800] =	vst v63  }
0x3c: {  	s29 =	smov.u32 s28  }
0x3d: {  	p1 =	sne.s32 s28, $0xFFFFFC00;
	s28 =	sadd.s32 $0x400, s28;
	_ =	swait.ge [sflag:s21], $0x4000  }
0x3e: {  	s29 =	sshra.s32 s29, $0x2;
	[sflag:s21] =	ssyncset.done $0x0  }
0x3f: {  	s30 =	sadd.s32 $0x1400, s29;
	[sflag:s21] =	ssyncadd.s32 $0xFFFFC000  }
0x40: {  	[tilespmem:s20], [sflag:$0x1] =	stream.indirect.gather [hbm4b:s12+s19], $0x80, s30, s19, $0xb8;
	[tilespmem:$0x1E800] =	vst v63  }
0x41: {  	_ =	swait.ge [sflag:s22], $0x4000  }
0x42: {  	[sflag:s22] =	ssyncset.done $0x0  }
0x43: {  	s30 =	sadd.s32 $0x2780, s29;
	[sflag:s22] =	ssyncadd.s32 $0xFFFFC000  }
0x44: {  	[spmem:s1] =	stream.indirect.scatter.add.f32 [tilespmem:s23], [sflag:$0x4], $0x80, s30, s19, $0xb8;
	[tilespmem:$0x1E800] =	vst v63  }
0x45: {  	_ =	swait.ge [sflag:s24], $0x4000  }
0x46: {  	[sflag:s24] =	ssyncset.done $0x0  }
.Ltmp0:
0x47: {  	s30 =	sadd.s32 $0x1480, s29;
	[sflag:s24] =	ssyncadd.s32 $0xFFFFC000;
	(pc) =	sbr.rel @p1 .LBB2_2-.Ltmp0, $4  }
0x48: {  	[tilespmem:s23], [sflag:$0x2] =	stream.indirect.gather [hbm4b:s12+s19], $0x80, s30, s19, $0xb8;
	[tilespmem:$0x1E800] =	vst v63  }
0x49: {  	_ =	swait.ge [sflag:s18], $0x4000  }
0x4a: {  	[sflag:s18] =	ssyncset.done $0x0  }
0x4b: {  	s29 =	sadd.s32 $0x2800, s29;
	[sflag:s18] =	ssyncadd.s32 $0xFFFFC000  }
0x4c: {  	[spmem:s1] =	stream.indirect.scatter.add.f32 [tilespmem:s20], [sflag:$0x3], $0x80, s29, s19, $0xb8;
	[tilespmem:$0x1E800] =	vst v63  }
0x4d: {  	_ =	swait.ge [sflag:s22], $0x4000  }
0x4e: {  	[sflag:s22] =	ssyncset.done $0x0  }
0x4f: {  	[sflag:s22] =	ssyncadd.s32 $0xFFFFC000  }
0x50: {  	[spmem:s1] =	stream.indirect.scatter.add.f32 [tilespmem:s23], [sflag:$0x4], $0x80, s25, s19, $0xb8;
	[tilespmem:$0x1E800] =	vst v63  }
0x51: {  	_ =	swait.ge [sflag:s21], $0x4000  }
0x52: {  	[sflag:s21] =	ssyncset.done $0x0  }
0x53: {  	[sflag:s21] =	ssyncadd.s32 $0xFFFFC000  }
0x54: {  	_ =	swait.ge [sflag:s24], $0x4000  }
0x55: {  	[sflag:s24] =	ssyncset.done $0x0  }
0x56: {  	[sflag:s24] =	ssyncadd.s32 $0xFFFFC000  }
0x57: {  	[tilespmem:s2], [sflag:$0x5] =	stream.linear.gather [hbm4b:s10+s2], $0x1400, $0x38;
	[tilespmem:$0x1E800] =	vst v63  }
0x58: {  	_ =	swait.ge [sflag:s16], $0x1400  }
0x59: {  	[sflag:s16] =	ssyncset.done $0x0  }
0x5a: {  	[sflag:s16] =	ssyncadd.s32 $0xFFFFEC00  }
0x5b: {  	[tilespmem:s17], [sflag:$0x5] =	stream.linear.gather [hbm4b:s11+s2], $0x1400, $0x38;
	[tilespmem:$0x1E800] =	vst v63  }
0x5c: {  	_ =	swait.ge [sflag:s16], $0x1400  }
0x5d: {  	s28 =	simm.s32 @p0 $0x80;
	[sflag:s16] =	ssyncset.done $0x0  }
0x5e: {  	s29 =	simm.s32 @p0 $0x0;
	s30 =	simm.s32 @p0 $0x2800;
	[sflag:s16] =	ssyncadd.s32 $0xFFFFEC00  }
0x5f: {  	[tilespmem:s30], [sflag:$0x1] =	stream.indirect.gather @p0 [hbm4b:s4+s28], $0x80, s29, s28, $0xb8;
	[tilespmem:$0x1E800] =	vst v63  }
0x60: {  	s29 =	simm.s32 @p0 $0x6800  }
0x61: {  	[tilespmem:s29], [sflag:$0x2] =	stream.indirect.gather @p0 [hbm4b:s4+s28], $0x80, s28, s28, $0xb8;
	[tilespmem:$0x1E800] =	vst v63  }
0x62: {  	s30 =	simm.s32 @!p0 $0x2800;
	s28 =	simm.s32 @!p0 $0x80;
	s29 =	simm.s32 @!p0 $0x0  }
0x63: {  	[tilespmem:s30], [sflag:$0x1] =	stream.indirect.gather @!p0 [hbm4b:s5+s28], $0x80, s29, s28, $0xb8;
	[tilespmem:$0x1E800] =	vst v63  }
0x64: {  	s29 =	simm.s32 @!p0 $0x6800  }
0x65: {  	[tilespmem:s29], [sflag:$0x2] =	stream.indirect.gather @!p0 [hbm4b:s5+s28], $0x80, s28, s28, $0xb8;
	[tilespmem:$0x1E800] =	vst v63  }
0x66: {  	_ =	swait.ge [sflag:s18], $0x4000  }
0x67: {  	[sflag:s18] =	ssyncset.done $0x0  }
0x68: {  	[sflag:s18] =	ssyncadd.s32 $0xFFFFC000  }
0x69: {  	[spmem:s1] =	stream.indirect.scatter.add.f32 [tilespmem:s20], [sflag:$0x3], $0x80, s17, s19, $0xb8;
	[tilespmem:$0x1E800] =	vst v63  }
0x6a: {  	_ =	swait.ge [sflag:s21], $0x4000  }
0x6b: {  	[sflag:s21] =	ssyncset.done $0x0  }
0x6c: {  	s28 =	simm.s32 $0x100;
	[sflag:s21] =	ssyncadd.s32 $0xFFFFC000  }
0x6d: {  	[tilespmem:s20], [sflag:$0x1] =	stream.indirect.gather [hbm4b:s12+s19], $0x80, s28, s19, $0xb8;
	[tilespmem:$0x1E800] =	vst v63  }
0x6e: {  	_ =	swait.ge [sflag:s22], $0x4000  }
0x6f: {  	[sflag:s22] =	ssyncset.done $0x0  }
0x70: {  	s28 =	simm.s32 $0x1480;
	[sflag:s22] =	ssyncadd.s32 $0xFFFFC000  }
0x71: {  	[spmem:s1] =	stream.indirect.scatter.add.f32 [tilespmem:s23], [sflag:$0x4], $0x80, s28, s19, $0xb8;
	[tilespmem:$0x1E800] =	vst v63  }
0x72: {  	_ =	swait.ge [sflag:s24], $0x4000  }
0x73: {  	[sflag:s24] =	ssyncset.done $0x0  }
0x74: {  	s28 =	simm.s32 $0x180;
	[sflag:s24] =	ssyncadd.s32 $0xFFFFC000  }
0x75: {  	[tilespmem:s23], [sflag:$0x2] =	stream.indirect.gather [hbm4b:s12+s19], $0x80, s28, s19, $0xb8;
	[tilespmem:$0x1E800] =	vst v63  }
0x76: {  	_ =	swait.ge [sflag:s18], $0x4000  }
0x77: {  	[sflag:s18] =	ssyncset.done $0x0  }
0x78: {  	s29 =	simm.s32 $0x1500;
	s28 =	simm.s32 $0xFFFFB800;
	[sflag:s18] =	ssyncadd.s32 $0xFFFFC000  }
.LBB2_4:
0x79: {  	[spmem:s1] =	stream.indirect.scatter.add.f32 [tilespmem:s20], [sflag:$0x3], $0x80, s29, s19, $0xb8;
	[tilespmem:$0x1E800] =	vst v63  }
0x7a: {  	s29 =	smov.u32 s28  }
0x7b: {  	p1 =	sne.s32 s28, $0xFFFFFC00;
	s28 =	sadd.s32 $0x400, s28;
	_ =	swait.ge [sflag:s21], $0x4000  }
0x7c: {  	s29 =	sshra.s32 s29, $0x2;
	[sflag:s21] =	ssyncset.done $0x0  }
0x7d: {  	s30 =	sadd.s32 $0x1400, s29;
	[sflag:s21] =	ssyncadd.s32 $0xFFFFC000  }
0x7e: {  	[tilespmem:s20], [sflag:$0x1] =	stream.indirect.gather [hbm4b:s12+s19], $0x80, s30, s19, $0xb8;
	[tilespmem:$0x1E800] =	vst v63  }
0x7f: {  	_ =	swait.ge [sflag:s22], $0x4000  }
0x80: {  	[sflag:s22] =	ssyncset.done $0x0  }
0x81: {  	s30 =	sadd.s32 $0x2780, s29;
	[sflag:s22] =	ssyncadd.s32 $0xFFFFC000  }
0x82: {  	[spmem:s1] =	stream.indirect.scatter.add.f32 [tilespmem:s23], [sflag:$0x4], $0x80, s30, s19, $0xb8;
	[tilespmem:$0x1E800] =	vst v63  }
0x83: {  	_ =	swait.ge [sflag:s24], $0x4000  }
0x84: {  	[sflag:s24] =	ssyncset.done $0x0  }
.Ltmp1:
0x85: {  	s30 =	sadd.s32 $0x1480, s29;
	[sflag:s24] =	ssyncadd.s32 $0xFFFFC000;
	(pc) =	sbr.rel @p1 .LBB2_4-.Ltmp1, $4  }
0x86: {  	[tilespmem:s23], [sflag:$0x2] =	stream.indirect.gather [hbm4b:s12+s19], $0x80, s30, s19, $0xb8;
	[tilespmem:$0x1E800] =	vst v63  }
0x87: {  	_ =	swait.ge [sflag:s18], $0x4000  }
0x88: {  	[sflag:s18] =	ssyncset.done $0x0  }
0x89: {  	s29 =	sadd.s32 $0x2800, s29;
	[sflag:s18] =	ssyncadd.s32 $0xFFFFC000  }
0x8a: {  	[spmem:s1] =	stream.indirect.scatter.add.f32 [tilespmem:s20], [sflag:$0x3], $0x80, s29, s19, $0xb8;
	[tilespmem:$0x1E800] =	vst v63  }
0x8b: {  	_ =	swait.ge [sflag:s22], $0x4000  }
0x8c: {  	[sflag:s22] =	ssyncset.done $0x0  }
0x8d: {  	[sflag:s22] =	ssyncadd.s32 $0xFFFFC000  }
0x8e: {  	[spmem:s1] =	stream.indirect.scatter.add.f32 [tilespmem:s23], [sflag:$0x4], $0x80, s25, s19, $0xb8;
	[tilespmem:$0x1E800] =	vst v63  }
0x8f: {  	_ =	swait.ge [sflag:s21], $0x4000  }
0x90: {  	[sflag:s21] =	ssyncset.done $0x0  }
0x91: {  	[sflag:s21] =	ssyncadd.s32 $0xFFFFC000  }
0x92: {  	_ =	swait.ge [sflag:s24], $0x4000  }
0x93: {  	s26 =	sadd.s32 $0x1, s26;
	[sflag:s24] =	ssyncset.done $0x0  }
0x94: {  	p1 =	sne.s32 s26, s13;
	[sflag:s24] =	ssyncadd.s32 $0xFFFFC000  }
.Ltmp2:
0x95: {  	[bflag:$0x0] =	sbarrier.arrive $0xFFFF;
	(pc) =	sbr.rel @p1 .LBB2_1-.Ltmp2, $4  }
0x96: {  	[hbm:s14], [sflag:s7] =	dma.local [spmem:s15], $0x2800  }
0x97: {  	_ =	swait.ge [sflag:s16], $0x2800  }
0x98: {  	[sflag:s16] =	ssyncset.done $0x0  }
0x99: {  	[sflag:s16] =	ssyncadd.s32 $0xFFFFD800  }
0x9a: {  	_ =	sfence.sel $0x180000  }
0x9b: {  	[bflag:$0x0] =	sbarrier.arrive $0xFFFF  }
0x9c: {  	p0 =	sne.s32 s3, $0x0;
	_ =	strace $0x9000004A  }
0x9d: {  	s0 =	sadd.s32 @!p0 $0x100000, s0;
	[bflag:$0x2] =	sbarrier.arrive $0xFFFF  }
0x9e: {  	[sflag:s0] =	ssyncadd.tile.s32 @!p0 $0x1;
	_ =	shalt  }
.Lfunc_end2:
_tile_overlayer_lowered:
.L_overlay_start_2:
0x9f: {  	(tag) =	ssettag $0x2  }
0xa0: {  	s0 =	rddreg [dreg:$0x0];
	s2 =	stileid.u32  }
0xa1: {  	s1 =	rddreg [dreg:$0x1];
	p0 =	sne.s32 s2, $0x0  }
0xa2: {  	s3 =	rddreg [dreg:$0x2];
	[bflag:$0x3] =	sbarrier.arrive $0xFFFF;
	s2 =	simm.s32 @!p0 $0x1C05  }
0xa3: {  	[timem:s3], [sflag:s2] =	dma.local @!p0 [hbm:s0], s1  }
0xa4: {  	s0 =	simm.s32 @!p0 $0x5  }
0xa5: {  	_ =	swait.ge @!p0 [sflag:s0], s1  }
0xa6: {  	s1 =	ssub.s32 @!p0 $0x0, s1;
	[sflag:s0] =	ssyncset.done @!p0 $0x0  }
0xa7: {  	[sflag:s0] =	ssyncadd.s32 @!p0 s1  }
0xa8: {  	[bflag:$0x3] =	sbarrier.arrive $0xFFFF  }
0xa9: {  	_ =	shalt  }

// kernel: kernel.13.cloned.1.call-start
scs
__scs_entry_jumppad:
0x0: {  	(pc) =	sbr.rel $0x88, $3  }
0x1: {  	(tag) =	ssettag $0x0;
	lr =	simm.s32 $0x1  }
0x2: {  	[smem:$0x3F84] =	sst lr;
	_ =	strace $0xD0000000  }
0x3: {  	_ = 	snop  }
0x4: {  	_ = 	snop  }
0x5: {  	_ = 	snop  }
0x6: {  	_ = 	snop  }
0x7: {  	_ = 	snop  }
__scs_overlays_trampoline_lowered:
0x8: {  	[smem:$0x3F93] =	sst s0  }
0x9: {  	[smem:$0x3F94] =	sst s1  }
0xa: {  	[smem:$0x3F95] =	sst s2  }
0xb: {  	[smem:$0x3F96] =	sst s3  }
0xc: {  	[smem:$0x3F97] =	sst s4  }
0xd: {  	[smem:$0x3F98] =	sst s5  }
0xe: {  	[smem:$0x3F99] =	sst s6  }
0xf: {  	[smem:$0x3F9A] =	sst s7  }
0x10: {  	[smem:$0x3F9B] =	sst s8  }
0x11: {  	[smem:$0x3F9C] =	sst s9;
	s0 =	simm.s32 @!p0 $0x0  }
0x12: {  	s1 =	sld [smem:$0x3F82];
	s0 =	simm.s32 @p0 $0x1  }
0x13: {  	[smem:$0x3F9D] =	sst s0;
	s0 =	simm.s32 @!p1 $0x0  }
0x14: {  	s2 =	sld [smem:$0x3F81];
	s0 =	simm.s32 @p1 $0x1  }
0x15: {  	[smem:$0x3F9E] =	sst s0;
	s0 =	simm.s32 @!p2 $0x0  }
0x16: {  	s3 =	sld [smem:$0x3FDB];
	s0 =	simm.s32 @p2 $0x1  }
0x17: {  	s4 =	simm.s32 $0x1BF5;
	[smem:$0x3FA0] =	sst s0  }
0x18: {  	s0 =	sld [smem:$0x3F83];
	_ =	swait.ge [sflag:s4], $0x0  }
0x19: {  	s7 =	sld [smem:$0x3F84]  }
0x1a: {  	s8 =	sadd.s32 $0xFFFFE003, lr  }
0x1b: {  	s9 =	sadd.s32 $0xFFFFFEF7, lr;
	s5 =	simm.s32 $0xFFFFFFFF;
	p2 =	slt.u32 s8, $0xFFFFF086  }
0x1c: {  	p1 =	slt.u32 s9, $0xF7A;
	s5 =	simm.s32 @!p2 $0x0  }
0x1d: {  	s5 =	simm.s32 @p1 $0x1;
	p0 =	seq.s32 s7, s2  }
0x1e: {  	s7 =	smul.u32 @!p0 $0xF7A, s2;
	p2 =	seq.s32 @!p0 s5, $0x0  }
0x1f: {  	s9 =	smul.u32 $0xF7A, s1;
	s8 =	simm.s32 @!p0 $0x1BF5;
	p2 =	por !p2, p0  }
0x20: {  	[sflag:s8] =	ssyncset.s32 @!p0 $0xFFFFF086;
	s6 =	sadd.s32 @!p0 s3, s7;
	s7 =	simm.s32 @!p0 $0x108  }
0x21: {  	s3 =	sadd.s32 s3, s9;
	s6 =	sadd.s32 @!p0 $0x88, s6;
	s7 =	simm.s32 @p2 $0x1082  }
0x22: {  	[simem:s7], [sflag:s8] =	dma.local @!p0 [hbm:s6], $0xF7A  }
0x23: {  	s9 =	sor.u32 $0xD0000000, s2;
	s6 =	simm.s32 $0x108;
	_ =	swait.ge @!p0 [sflag:s8], $0x0  }
0x24: {  	s3 =	sadd.s32 $0x88, s3;
	s6 =	simm.s32 @!p1 $0x1082;
	[sflag:s4] =	ssyncset.s32 $0xFFFFF086  }
0x25: {  	[simem:s6], [sflag:s4] =	dma.local [hbm:s3], $0xF7A  }
0x26: {  	[smem:$0x3F84] =	sst s1;
	(tag) =	ssettag s2;
	_ =	strace s9  }
0x27: {  	s1 =	sld [smem:$0x3F94]  }
0x28: {  	s2 =	sld [smem:$0x3F95]  }
0x29: {  	s4 =	sld [smem:$0x3F97]  }
0x2a: {  	p0 =	seq.s32 s5, $0x0;
	s5 =	sld [smem:$0x3F98]  }
0x2b: {  	s6 =	sld [smem:$0x3F99]  }
0x2c: {  	s7 =	sld [smem:$0x3F9A]  }
0x2d: {  	s3 =	simm.s32 $0x108;
	s8 =	sld [smem:$0x3F9B]  }
0x2e: {  	s3 =	simm.s32 @!p0 $0x1082;
	s9 =	sld [smem:$0x3F9C]  }
0x2f: {  	lr =	sadd.s32 s0, s3;
	s0 =	sld [smem:$0x3F93]  }
0x30: {  	s3 =	sld [smem:$0x3F96]  }
0x31: {  	[smem:$0x3F9F] =	sst s10  }
0x32: {  	s10 =	sld [smem:$0x3F9D];
	_ =	sdelay $0x3  }
0x33: {  	p0 =	seq.s32 s10, $0x1;
	s10 =	sld [smem:$0x3F9F];
	_ =	sdelay $0x3  }
0x34: {  	[smem:$0x3F9F] =	sst s10  }
0x35: {  	s10 =	sld [smem:$0x3F9E];
	_ =	sdelay $0x3  }
0x36: {  	p1 =	seq.s32 s10, $0x1;
	s10 =	sld [smem:$0x3F9F];
	_ =	sdelay $0x3  }
0x37: {  	[smem:$0x3F9F] =	sst s10  }
0x38: {  	s10 =	sld [smem:$0x3FA0]  }
0x39: {  	_ = 	snop;
	(pc) =	sbr.ind lr, $3  }
0x3a: {  	_ = 	snop  }
0x3b: {  	_ = 	snop  }
0x3c: {  	p2 =	seq.s32 s10, $0x1;
	s10 =	sld [smem:$0x3F9F]  }
0x3d: {  	_ =	shalt  }
0x3e: {  	_ =	shalt  }
0x3f: {  	_ =	shalt  }
0x40: {  	_ =	shalt  }
0x41: {  	_ =	shalt  }
0x42: {  	_ =	shalt  }
0x43: {  	_ =	shalt  }
0x44: {  	_ =	shalt  }
0x45: {  	_ =	shalt  }
0x46: {  	_ =	shalt  }
0x47: {  	_ =	shalt  }
0x48: {  	_ =	shalt  }
0x49: {  	_ =	shalt  }
0x4a: {  	_ =	shalt  }
0x4b: {  	_ =	shalt  }
0x4c: {  	_ =	shalt  }
0x4d: {  	_ =	shalt  }
0x4e: {  	_ =	shalt  }
0x4f: {  	_ =	shalt  }
0x50: {  	_ =	shalt  }
0x51: {  	_ =	shalt  }
0x52: {  	_ =	shalt  }
0x53: {  	_ =	shalt  }
0x54: {  	_ =	shalt  }
0x55: {  	_ =	shalt  }
0x56: {  	_ =	shalt  }
0x57: {  	_ =	shalt  }
0x58: {  	_ =	shalt  }
0x59: {  	_ =	shalt  }
0x5a: {  	_ =	shalt  }
0x5b: {  	_ =	shalt  }
0x5c: {  	_ =	shalt  }
0x5d: {  	_ =	shalt  }
0x5e: {  	_ =	shalt  }
0x5f: {  	_ =	shalt  }
0x60: {  	_ =	shalt  }
0x61: {  	_ =	shalt  }
0x62: {  	_ =	shalt  }
0x63: {  	_ =	shalt  }
0x64: {  	_ =	shalt  }
0x65: {  	_ =	shalt  }
0x66: {  	_ =	shalt  }
0x67: {  	_ =	shalt  }
0x68: {  	_ =	shalt  }
0x69: {  	_ =	shalt  }
0x6a: {  	_ =	shalt  }
0x6b: {  	_ =	shalt  }
0x6c: {  	_ =	shalt  }
0x6d: {  	_ =	shalt  }
0x6e: {  	_ =	shalt  }
0x6f: {  	_ =	shalt  }
0x70: {  	_ =	shalt  }
0x71: {  	_ =	shalt  }
0x72: {  	_ =	shalt  }
0x73: {  	_ =	shalt  }
0x74: {  	_ =	shalt  }
0x75: {  	_ =	shalt  }
0x76: {  	_ =	shalt  }
0x77: {  	_ =	shalt  }
0x78: {  	_ =	shalt  }
0x79: {  	_ =	shalt  }
0x7a: {  	_ =	shalt  }
0x7b: {  	_ =	shalt  }
0x7c: {  	_ =	shalt  }
0x7d: {  	_ =	shalt  }
0x7e: {  	_ =	shalt  }
0x7f: {  	_ =	shalt  }
0x80: {  	_ =	shalt  }
0x81: {  	_ =	shalt  }
0x82: {  	_ =	shalt  }
0x83: {  	_ =	shalt  }
0x84: {  	_ =	shalt  }
0x85: {  	_ =	shalt  }
0x86: {  	_ =	shalt  }
0x87: {  	_ =	shalt  }
.Lfunc_end0:
.L_simem_size_0:
called_computation.1_lowered:
.L_overlay_start_0:
0x88: {  	s2 =	sld [smem:$0x3FD9]  }
0x89: {  	s3 =	sld [smem:$0x3FFE];
	_ =	sdelay $0x1  }
0x8a: {  	s1 =	srdreg.scid  }
0x8b: {  	s0 =	sand.u32 $0x1, s1  }
0x8c: {  	s16 =	sshll.u32 s0, $0xA;
	s2 =	sadd.s32 s3, s2  }
0x8d: {  	s2 =	sadd.s32 s2, s16  }
0x8e: {  	[smem:$0x3FAB] =	sst s2  }
0x8f: {  	_ = 	snop  }
0x90: {  	(tm) =	ssettm $0x1  }
0x91: {  	s17 =	sld [smem:$0x3FFB];
	_ =	sdelay $0x3  }
0x92: {  	_ =	strace s17  }
0x93: {  	s2 =	sld [smem:$0x3FFC];
	_ =	sdelay $0x3  }
0x94: {  	_ =	strace s2  }
0x95: {  	s2 =	sld [smem:$0x3FFD];
	_ =	sdelay $0x3  }
0x96: {  	_ =	strace s2  }
0x97: {  	_ =	strace $0x8FFFFFFF  }
0x98: {  	s18 =	sld [smem:$0x3FDB];
	_ =	sdelay $0x1  }
0x99: {  	s19 =	simm.s32 $_scs_section_size  }
0x9a: {  	s4 =	simm.s32 $_size__tile_overlayer_lowered;
	s5 =	simm.s32 $_tile_overlayer_lowered  }
0x9b: {  	s22 =	simm.s32 $0x1BFF;
	s21 =	sshll.u32 s5, $0x1;
	s2 =	sadd.s32 s19, s18  }
0x9c: {  	s6 =	simm.s32 $0x0;
	s20 =	sshll.u32 s4, $0x1;
	s4 =	sadd.s32 s21, s2  }
0x9d: {  	[timem:s6], [sflag:s22] =	dma.local [hbm:s4], s20  }
0x9e: {  	_ =	swait.ge [sflag:s22], s20  }
0x9f: {  	s3 =	ssub.s32 $0x0, s20;
	[sflag:s22] =	ssyncset.done $0x0  }
0xa0: {  	[sflag:s22] =	ssyncadd.s32 s3;
	_ =	sdelay $0x1  }
0xa1: {  	s23 =	simm.s32 $0x1B8B  }
0xa2: {  	_ =	swait.ge [sflag:s23], $0x1  }
0xa3: {  	[sflag:s23] =	ssyncset.done $0x0  }
0xa4: {  	s25 =	simm.s32 $0x1B8E;
	s24 =	sld [smem:$0x3FFE];
	[sflag:s23] =	ssyncadd.s32 $0xFFFFFFFF  }
0xa5: {  	s26 =	simm.s32 $execute0_lowered;
	[smem:$0x3FD2] =	sst s25  }
0xa6: {  	s4 =	sshll.u32 s26, $0x1;
	_ =	strace $0x80000046;
	[dreg:$0x1] =	wrdreg $0xFFFFFFFF  }
0xa7: {  	s28 =	simm.s32 $_size_execute0_lowered;
	s2 =	sadd.s32 s2, s4;
	[dreg:$0x0] =	wrdreg $0x0  }
0xa8: {  	s4 =	sshll.u32 s28, $0x1;
	[dreg:$0x2] =	wrdreg s2  }
0xa9: {  	[dreg:$0x3] =	wrdreg s4  }
0xaa: {  	[dreg:$0x4] =	wrdreg $0xC0  }
0xab: {  	_ =	task [dreg:s6], $0x5FFFF  }
0xac: {  	[dreg:$0x1] =	wrdreg $0xFFFFFFFF  }
0xad: {  	[dreg:$0x0] =	wrdreg $0x60  }
0xae: {  	[dreg:$0x2] =	wrdreg s24  }
0xaf: {  	[dreg:$0x3] =	wrdreg $0xA8000  }
0xb0: {  	[dreg:$0x4] =	wrdreg $0xA  }
0xb1: {  	_ =	task.clear_ibuf [dreg:s6], $0x5FFFF;
	_ =	strace $0x90000046  }
0xb2: {  	s29 =	simm.s32 $0xA;
	_ =	strace $0x80000048  }
0xb3: {  	_ =	swait.ge [sflag:s29], $0x1  }
0xb4: {  	[sflag:s29] =	ssyncadd.s32 $0xFFFFFFFF  }
0xb5: {  	_ =	strace $0x90000048  }
0xb6: {  	_ =	sfence  }
0xb7: {  	s30 =	sld [smem:$0x0];
	_ =	sdelay $0x2  }
0xb8: {  	s31 =	sshll.u32 s1, $0xD;
	s1 =	sshrl.u32 s1, $0x2  }
0xb9: {  	s3 =	sand.u32 $0x4000, s31;
	s1 =	sadd.s32 s1, s30  }
0xba: {  	s0 =	sor.u32 s3, s0;
	s1 =	sshll.u32 s1, $0x11  }
0xbb: {  	s0 =	sor.u32 s1, s0  }
0xbc: {  	s0 =	sadd.s32 $0x8F2B, s0  }
0xbd: {  	[sflag:s0] =	ssyncadd.remote.s32 $0x1  }
0xbe: {  	_ =	sfence.sel $0xFFFF  }
0xbf: {  	[dreg:$0x0] =	wrdreg $0xFFFFFFFF;
	(pc) =	sbr.abs _section_cstart, $3  }
0xc0: {  	[dreg:$0x1] =	wrdreg $0xFFFFFFFF  }
0xc1: {  	_ =	task.clear_ibuf [dreg:s6], $0x2FFFF;
	_ =	strace $0x9FFFFFFF  }
0xc2: {  	(tm) =	ssettm $0x7FFFFFFF  }
0xc3: {  	_ =	shalt  }
tec
execute0_lowered:
.L_overlay_start_1:
0x0: {  	(tag) =	ssettag $0x1  }
0x1: {  	s13 =	rddreg [dreg:$0x0]  }
0x2: {  	s1 =	rddreg [dreg:$0x1]  }
0x3: {  	s0 =	rddreg [dreg:$0x2]  }
0x4: {  	s2 =	simm.s32 $0x0;
	s4 =	srdreg.scid;
	s3 =	stileid.u32  }
0x5: {  	s18 =	simm.s32 $0x8AE00;
	s19 =	simm.s32 $0x80;
	s20 =	simm.s32 $0x2800  }
0x6: {  	s21 =	simm.s32 $0x3;
	s22 =	simm.s32 $0x2;
	s23 =	simm.s32 $0x6800  }
0x7: {  	s24 =	simm.s32 $0x4;
	s25 =	simm.s32 $0x2780;
	[smem:$0x7FF] =	sst s2  }
0x8: {  	s10 =	sadd.s32 $0x34400, s13;
	s11 =	sadd.s32 $0x2F400, s13;
	s12 =	sand.u32 $0x1, s4  }
0x9: {  	s4 =	sadd.s32 $0x8200, s13;
	s8 =	smul.u32 $0x50000, s3;
	s5 =	sadd.s32 $0x39400, s13  }
0xa: {  	s6 =	sadd.s32 $0x60600, s13;
	s28 =	smul.u32 $0x500, s3;
	s29 =	sshll.u32 s3, $0x6  }
0xb: {  	s16 =	smul.u32 $0x2800, s3;
	_ =	strace $0x80000047;
	s7 =	ssub.s32 $0x2, s12  }
0xc: {  	p1 =	seq.s32 s12, $0x1;
	p0 =	seq.s32 s12, $0x0;
	s12 =	smov.u32 s5  }
0xd: {  	s9 =	sshrl.u32 s7, $0x1;
	s26 =	sshrl.u32 s8, $0x2;
	s8 =	sadd.s32 s10, s28  }
0xe: {  	s17 =	sshrl.u32 s16, $0x3;
	s18 =	simm.s32 @!p1 $0x62E00;
	s12 =	smov.u32 @p0 s4  }
0xf: {  	s14 =	ssub.s32 s7, s9;
	s15 =	sadd.s32 s26, s1;
	s7 =	sor.u32 $0x1C05, s29  }
0x10: {  	s9 =	sadd.s32 s11, s28;
	s30 =	sadd.s32 $0x280, s17;
	s31 =	sadd.s32 s18, s13  }
0x11: {  	s17 =	simm.s32 $0x1400;
	s18 =	simm.s32 $0x1;
	s26 =	simm.s32 $0x0  }
0x12: {  	s10 =	sadd.s32 s10, s30;
	s11 =	sadd.s32 s11, s30;
	s13 =	smax.u32 s14, $0x1  }
0x13: {  	s14 =	sadd.s32 s31, s16;
	s15 =	sshrl.u32 s15, $0x3;
	s16 =	simm.s32 $0x5  }
.LBB2_1:
0x14: {  	[spmem:s15], [sflag:s7] =	dma.local [hbm:s6], $0x2800  }
0x15: {  	_ =	swait.ge [sflag:s16], $0x2800  }
0x16: {  	[sflag:s16] =	ssyncset.done $0x0  }
0x17: {  	[sflag:s16] =	ssyncadd.s32 $0xFFFFD800  }
0x18: {  	[bflag:$0x0] =	sbarrier.arrive $0xFFFF  }
0x19: {  	[tilespmem:s2], [sflag:$0x5] =	stream.linear.gather [hbm4b:s8+s2], $0x1400, $0x38;
	[tilespmem:$0x1E800] =	vst v63  }
0x1a: {  	_ =	swait.ge [sflag:s16], $0x1400  }
0x1b: {  	[sflag:s16] =	ssyncset.done $0x0  }
0x1c: {  	[sflag:s16] =	ssyncadd.s32 $0xFFFFEC00  }
0x1d: {  	[tilespmem:s17], [sflag:$0x5] =	stream.linear.gather [hbm4b:s9+s2], $0x1400, $0x38;
	[tilespmem:$0x1E800] =	vst v63  }
0x1e: {  	_ =	swait.ge [sflag:s16], $0x1400  }
0x1f: {  	s28 =	simm.s32 @p0 $0x80;
	[sflag:s16] =	ssyncset.done $0x0  }
0x20: {  	s29 =	simm.s32 @p0 $0x0;
	s30 =	simm.s32 @p0 $0x2800;
	[sflag:s16] =	ssyncadd.s32 $0xFFFFEC00  }
0x21: {  	[tilespmem:s30], [sflag:$0x1] =	stream.indirect.gather @p0 [hbm4b:s4+s28], $0x80, s29, s28, $0xb8;
	[tilespmem:$0x1E800] =	vst v63  }
0x22: {  	s29 =	simm.s32 @p0 $0x6800  }
0x23: {  	[tilespmem:s29], [sflag:$0x2] =	stream.indirect.gather @p0 [hbm4b:s4+s28], $0x80, s28, s28, $0xb8;
	[tilespmem:$0x1E800] =	vst v63  }
0x24: {  	s30 =	simm.s32 @!p0 $0x2800;
	s28 =	simm.s32 @!p0 $0x80;
	s29 =	simm.s32 @!p0 $0x0  }
0x25: {  	[tilespmem:s30], [sflag:$0x1] =	stream.indirect.gather @!p0 [hbm4b:s5+s28], $0x80, s29, s28, $0xb8;
	[tilespmem:$0x1E800] =	vst v63  }
0x26: {  	s29 =	simm.s32 @!p0 $0x6800  }
0x27: {  	[tilespmem:s29], [sflag:$0x2] =	stream.indirect.gather @!p0 [hbm4b:s5+s28], $0x80, s28, s28, $0xb8;
	[tilespmem:$0x1E800] =	vst v63  }
0x28: {  	_ =	swait.ge [sflag:s18], $0x4000  }
0x29: {  	[sflag:s18] =	ssyncset.done $0x0  }
0x2a: {  	[sflag:s18] =	ssyncadd.s32 $0xFFFFC000  }
0x2b: {  	[spmem:s1] =	stream.indirect.scatter.add.f32 [tilespmem:s20], [sflag:$0x3], $0x80, s17, s19, $0xb8;
	[tilespmem:$0x1E800] =	vst v63  }
0x2c: {  	_ =	swait.ge [sflag:s21], $0x4000  }
0x2d: {  	[sflag:s21] =	ssyncset.done $0x0  }
0x2e: {  	s28 =	simm.s32 $0x100;
	[sflag:s21] =	ssyncadd.s32 $0xFFFFC000  }
0x2f: {  	[tilespmem:s20], [sflag:$0x1] =	stream.indirect.gather [hbm4b:s12+s19], $0x80, s28, s19, $0xb8;
	[tilespmem:$0x1E800] =	vst v63  }
0x30: {  	_ =	swait.ge [sflag:s22], $0x4000  }
0x31: {  	[sflag:s22] =	ssyncset.done $0x0  }
0x32: {  	s28 =	simm.s32 $0x1480;
	[sflag:s22] =	ssyncadd.s32 $0xFFFFC000  }
0x33: {  	[spmem:s1] =	stream.indirect.scatter.add.f32 [tilespmem:s23], [sflag:$0x4], $0x80, s28, s19, $0xb8;
	[tilespmem:$0x1E800] =	vst v63  }
0x34: {  	_ =	swait.ge [sflag:s24], $0x4000  }
0x35: {  	[sflag:s24] =	ssyncset.done $0x0  }
0x36: {  	s28 =	simm.s32 $0x180;
	[sflag:s24] =	ssyncadd.s32 $0xFFFFC000  }
0x37: {  	[tilespmem:s23], [sflag:$0x2] =	stream.indirect.gather [hbm4b:s12+s19], $0x80, s28, s19, $0xb8;
	[tilespmem:$0x1E800] =	vst v63  }
0x38: {  	_ =	swait.ge [sflag:s18], $0x4000  }
0x39: {  	[sflag:s18] =	ssyncset.done $0x0  }
0x3a: {  	s29 =	simm.s32 $0x1500;
	s28 =	simm.s32 $0xFFFFB800;
	[sflag:s18] =	ssyncadd.s32 $0xFFFFC000  }
.LBB2_2:
0x3b: {  	[spmem:s1] =	stream.indirect.scatter.add.f32 [tilespmem:s20], [sflag:$0x3], $0x80, s29, s19, $0xb8;
	[tilespmem:$0x1E800] =	vst v63  }
0x3c: {  	s29 =	smov.u32 s28  }
0x3d: {  	p1 =	sne.s32 s28, $0xFFFFFC00;
	s28 =	sadd.s32 $0x400, s28;
	_ =	swait.ge [sflag:s21], $0x4000  }
0x3e: {  	s29 =	sshra.s32 s29, $0x2;
	[sflag:s21] =	ssyncset.done $0x0  }
0x3f: {  	s30 =	sadd.s32 $0x1400, s29;
	[sflag:s21] =	ssyncadd.s32 $0xFFFFC000  }
0x40: {  	[tilespmem:s20], [sflag:$0x1] =	stream.indirect.gather [hbm4b:s12+s19], $0x80, s30, s19, $0xb8;
	[tilespmem:$0x1E800] =	vst v63  }
0x41: {  	_ =	swait.ge [sflag:s22], $0x4000  }
0x42: {  	[sflag:s22] =	ssyncset.done $0x0  }
0x43: {  	s30 =	sadd.s32 $0x2780, s29;
	[sflag:s22] =	ssyncadd.s32 $0xFFFFC000  }
0x44: {  	[spmem:s1] =	stream.indirect.scatter.add.f32 [tilespmem:s23], [sflag:$0x4], $0x80, s30, s19, $0xb8;
	[tilespmem:$0x1E800] =	vst v63  }
0x45: {  	_ =	swait.ge [sflag:s24], $0x4000  }
0x46: {  	[sflag:s24] =	ssyncset.done $0x0  }
.Ltmp0:
0x47: {  	s30 =	sadd.s32 $0x1480, s29;
	[sflag:s24] =	ssyncadd.s32 $0xFFFFC000;
	(pc) =	sbr.rel @p1 .LBB2_2-.Ltmp0, $4  }
0x48: {  	[tilespmem:s23], [sflag:$0x2] =	stream.indirect.gather [hbm4b:s12+s19], $0x80, s30, s19, $0xb8;
	[tilespmem:$0x1E800] =	vst v63  }
0x49: {  	_ =	swait.ge [sflag:s18], $0x4000  }
0x4a: {  	[sflag:s18] =	ssyncset.done $0x0  }
0x4b: {  	s29 =	sadd.s32 $0x2800, s29;
	[sflag:s18] =	ssyncadd.s32 $0xFFFFC000  }
0x4c: {  	[spmem:s1] =	stream.indirect.scatter.add.f32 [tilespmem:s20], [sflag:$0x3], $0x80, s29, s19, $0xb8;
	[tilespmem:$0x1E800] =	vst v63  }
0x4d: {  	_ =	swait.ge [sflag:s22], $0x4000  }
0x4e: {  	[sflag:s22] =	ssyncset.done $0x0  }
0x4f: {  	[sflag:s22] =	ssyncadd.s32 $0xFFFFC000  }
0x50: {  	[spmem:s1] =	stream.indirect.scatter.add.f32 [tilespmem:s23], [sflag:$0x4], $0x80, s25, s19, $0xb8;
	[tilespmem:$0x1E800] =	vst v63  }
0x51: {  	_ =	swait.ge [sflag:s21], $0x4000  }
0x52: {  	[sflag:s21] =	ssyncset.done $0x0  }
0x53: {  	[sflag:s21] =	ssyncadd.s32 $0xFFFFC000  }
0x54: {  	_ =	swait.ge [sflag:s24], $0x4000  }
0x55: {  	[sflag:s24] =	ssyncset.done $0x0  }
0x56: {  	[sflag:s24] =	ssyncadd.s32 $0xFFFFC000  }
0x57: {  	[tilespmem:s2], [sflag:$0x5] =	stream.linear.gather [hbm4b:s10+s2], $0x1400, $0x38;
	[tilespmem:$0x1E800] =	vst v63  }
0x58: {  	_ =	swait.ge [sflag:s16], $0x1400  }
0x59: {  	[sflag:s16] =	ssyncset.done $0x0  }
0x5a: {  	[sflag:s16] =	ssyncadd.s32 $0xFFFFEC00  }
0x5b: {  	[tilespmem:s17], [sflag:$0x5] =	stream.linear.gather [hbm4b:s11+s2], $0x1400, $0x38;
	[tilespmem:$0x1E800] =	vst v63  }
0x5c: {  	_ =	swait.ge [sflag:s16], $0x1400  }
0x5d: {  	s28 =	simm.s32 @p0 $0x80;
	[sflag:s16] =	ssyncset.done $0x0  }
0x5e: {  	s29 =	simm.s32 @p0 $0x0;
	s30 =	simm.s32 @p0 $0x2800;
	[sflag:s16] =	ssyncadd.s32 $0xFFFFEC00  }
0x5f: {  	[tilespmem:s30], [sflag:$0x1] =	stream.indirect.gather @p0 [hbm4b:s4+s28], $0x80, s29, s28, $0xb8;
	[tilespmem:$0x1E800] =	vst v63  }
0x60: {  	s29 =	simm.s32 @p0 $0x6800  }
0x61: {  	[tilespmem:s29], [sflag:$0x2] =	stream.indirect.gather @p0 [hbm4b:s4+s28], $0x80, s28, s28, $0xb8;
	[tilespmem:$0x1E800] =	vst v63  }
0x62: {  	s30 =	simm.s32 @!p0 $0x2800;
	s28 =	simm.s32 @!p0 $0x80;
	s29 =	simm.s32 @!p0 $0x0  }
0x63: {  	[tilespmem:s30], [sflag:$0x1] =	stream.indirect.gather @!p0 [hbm4b:s5+s28], $0x80, s29, s28, $0xb8;
	[tilespmem:$0x1E800] =	vst v63  }
0x64: {  	s29 =	simm.s32 @!p0 $0x6800  }
0x65: {  	[tilespmem:s29], [sflag:$0x2] =	stream.indirect.gather @!p0 [hbm4b:s5+s28], $0x80, s28, s28, $0xb8;
	[tilespmem:$0x1E800] =	vst v63  }
0x66: {  	_ =	swait.ge [sflag:s18], $0x4000  }
0x67: {  	[sflag:s18] =	ssyncset.done $0x0  }
0x68: {  	[sflag:s18] =	ssyncadd.s32 $0xFFFFC000  }
0x69: {  	[spmem:s1] =	stream.indirect.scatter.add.f32 [tilespmem:s20], [sflag:$0x3], $0x80, s17, s19, $0xb8;
	[tilespmem:$0x1E800] =	vst v63  }
0x6a: {  	_ =	swait.ge [sflag:s21], $0x4000  }
0x6b: {  	[sflag:s21] =	ssyncset.done $0x0  }
0x6c: {  	s28 =	simm.s32 $0x100;
	[sflag:s21] =	ssyncadd.s32 $0xFFFFC000  }
0x6d: {  	[tilespmem:s20], [sflag:$0x1] =	stream.indirect.gather [hbm4b:s12+s19], $0x80, s28, s19, $0xb8;
	[tilespmem:$0x1E800] =	vst v63  }
0x6e: {  	_ =	swait.ge [sflag:s22], $0x4000  }
0x6f: {  	[sflag:s22] =	ssyncset.done $0x0  }
0x70: {  	s28 =	simm.s32 $0x1480;
	[sflag:s22] =	ssyncadd.s32 $0xFFFFC000  }
0x71: {  	[spmem:s1] =	stream.indirect.scatter.add.f32 [tilespmem:s23], [sflag:$0x4], $0x80, s28, s19, $0xb8;
	[tilespmem:$0x1E800] =	vst v63  }
0x72: {  	_ =	swait.ge [sflag:s24], $0x4000  }
0x73: {  	[sflag:s24] =	ssyncset.done $0x0  }
0x74: {  	s28 =	simm.s32 $0x180;
	[sflag:s24] =	ssyncadd.s32 $0xFFFFC000  }
0x75: {  	[tilespmem:s23], [sflag:$0x2] =	stream.indirect.gather [hbm4b:s12+s19], $0x80, s28, s19, $0xb8;
	[tilespmem:$0x1E800] =	vst v63  }
0x76: {  	_ =	swait.ge [sflag:s18], $0x4000  }
0x77: {  	[sflag:s18] =	ssyncset.done $0x0  }
0x78: {  	s29 =	simm.s32 $0x1500;
	s28 =	simm.s32 $0xFFFFB800;
	[sflag:s18] =	ssyncadd.s32 $0xFFFFC000  }
.LBB2_4:
0x79: {  	[spmem:s1] =	stream.indirect.scatter.add.f32 [tilespmem:s20], [sflag:$0x3], $0x80, s29, s19, $0xb8;
	[tilespmem:$0x1E800] =	vst v63  }
0x7a: {  	s29 =	smov.u32 s28  }
0x7b: {  	p1 =	sne.s32 s28, $0xFFFFFC00;
	s28 =	sadd.s32 $0x400, s28;
	_ =	swait.ge [sflag:s21], $0x4000  }
0x7c: {  	s29 =	sshra.s32 s29, $0x2;
	[sflag:s21] =	ssyncset.done $0x0  }
0x7d: {  	s30 =	sadd.s32 $0x1400, s29;
	[sflag:s21] =	ssyncadd.s32 $0xFFFFC000  }
0x7e: {  	[tilespmem:s20], [sflag:$0x1] =	stream.indirect.gather [hbm4b:s12+s19], $0x80, s30, s19, $0xb8;
	[tilespmem:$0x1E800] =	vst v63  }
0x7f: {  	_ =	swait.ge [sflag:s22], $0x4000  }
0x80: {  	[sflag:s22] =	ssyncset.done $0x0  }
0x81: {  	s30 =	sadd.s32 $0x2780, s29;
	[sflag:s22] =	ssyncadd.s32 $0xFFFFC000  }
0x82: {  	[spmem:s1] =	stream.indirect.scatter.add.f32 [tilespmem:s23], [sflag:$0x4], $0x80, s30, s19, $0xb8;
	[tilespmem:$0x1E800] =	vst v63  }
0x83: {  	_ =	swait.ge [sflag:s24], $0x4000  }
0x84: {  	[sflag:s24] =	ssyncset.done $0x0  }
.Ltmp1:
0x85: {  	s30 =	sadd.s32 $0x1480, s29;
	[sflag:s24] =	ssyncadd.s32 $0xFFFFC000;
	(pc) =	sbr.rel @p1 .LBB2_4-.Ltmp1, $4  }
0x86: {  	[tilespmem:s23], [sflag:$0x2] =	stream.indirect.gather [hbm4b:s12+s19], $0x80, s30, s19, $0xb8;
	[tilespmem:$0x1E800] =	vst v63  }
0x87: {  	_ =	swait.ge [sflag:s18], $0x4000  }
0x88: {  	[sflag:s18] =	ssyncset.done $0x0  }
0x89: {  	s29 =	sadd.s32 $0x2800, s29;
	[sflag:s18] =	ssyncadd.s32 $0xFFFFC000  }
0x8a: {  	[spmem:s1] =	stream.indirect.scatter.add.f32 [tilespmem:s20], [sflag:$0x3], $0x80, s29, s19, $0xb8;
	[tilespmem:$0x1E800] =	vst v63  }
0x8b: {  	_ =	swait.ge [sflag:s22], $0x4000  }
0x8c: {  	[sflag:s22] =	ssyncset.done $0x0  }
0x8d: {  	[sflag:s22] =	ssyncadd.s32 $0xFFFFC000  }
0x8e: {  	[spmem:s1] =	stream.indirect.scatter.add.f32 [tilespmem:s23], [sflag:$0x4], $0x80, s25, s19, $0xb8;
	[tilespmem:$0x1E800] =	vst v63  }
0x8f: {  	_ =	swait.ge [sflag:s21], $0x4000  }
0x90: {  	[sflag:s21] =	ssyncset.done $0x0  }
0x91: {  	[sflag:s21] =	ssyncadd.s32 $0xFFFFC000  }
0x92: {  	_ =	swait.ge [sflag:s24], $0x4000  }
0x93: {  	s26 =	sadd.s32 $0x1, s26;
	[sflag:s24] =	ssyncset.done $0x0  }
0x94: {  	p1 =	sne.s32 s26, s13;
	[sflag:s24] =	ssyncadd.s32 $0xFFFFC000  }
.Ltmp2:
0x95: {  	[bflag:$0x0] =	sbarrier.arrive $0xFFFF;
	(pc) =	sbr.rel @p1 .LBB2_1-.Ltmp2, $4  }
0x96: {  	[hbm:s14], [sflag:s7] =	dma.local [spmem:s15], $0x2800  }
0x97: {  	_ =	swait.ge [sflag:s16], $0x2800  }
0x98: {  	[sflag:s16] =	ssyncset.done $0x0  }
0x99: {  	[sflag:s16] =	ssyncadd.s32 $0xFFFFD800  }
0x9a: {  	_ =	sfence.sel $0x180000  }
0x9b: {  	[bflag:$0x0] =	sbarrier.arrive $0xFFFF  }
0x9c: {  	p0 =	sne.s32 s3, $0x0;
	_ =	strace $0x90000047  }
0x9d: {  	s0 =	sadd.s32 @!p0 $0x100000, s0;
	[bflag:$0x2] =	sbarrier.arrive $0xFFFF  }
0x9e: {  	[sflag:s0] =	ssyncadd.tile.s32 @!p0 $0x1;
	_ =	shalt  }
.Lfunc_end2:
_tile_overlayer_lowered:
.L_overlay_start_2:
0x9f: {  	(tag) =	ssettag $0x2  }
0xa0: {  	s0 =	rddreg [dreg:$0x0];
	s2 =	stileid.u32  }
0xa1: {  	s1 =	rddreg [dreg:$0x1];
	p0 =	sne.s32 s2, $0x0  }
0xa2: {  	s3 =	rddreg [dreg:$0x2];
	[bflag:$0x3] =	sbarrier.arrive $0xFFFF;
	s2 =	simm.s32 @!p0 $0x1C05  }
0xa3: {  	[timem:s3], [sflag:s2] =	dma.local @!p0 [hbm:s0], s1  }
0xa4: {  	s0 =	simm.s32 @!p0 $0x5  }
0xa5: {  	_ =	swait.ge @!p0 [sflag:s0], s1  }
0xa6: {  	s1 =	ssub.s32 @!p0 $0x0, s1;
	[sflag:s0] =	ssyncset.done @!p0 $0x0  }
0xa7: {  	[sflag:s0] =	ssyncadd.s32 @!p0 s1  }
0xa8: {  	[bflag:$0x3] =	sbarrier.arrive $0xFFFF  }
0xa9: {  	_ =	shalt  }

// kernel: kernel.16.cloned.1.call-start
scs
__scs_entry_jumppad:
0x0: {  	(pc) =	sbr.rel $0x88, $3  }
0x1: {  	(tag) =	ssettag $0x0;
	lr =	simm.s32 $0x1  }
0x2: {  	[smem:$0x3F84] =	sst lr;
	_ =	strace $0xD0000000  }
0x3: {  	_ = 	snop  }
0x4: {  	_ = 	snop  }
0x5: {  	_ = 	snop  }
0x6: {  	_ = 	snop  }
0x7: {  	_ = 	snop  }
__scs_overlays_trampoline_lowered:
0x8: {  	[smem:$0x3F93] =	sst s0  }
0x9: {  	[smem:$0x3F94] =	sst s1  }
0xa: {  	[smem:$0x3F95] =	sst s2  }
0xb: {  	[smem:$0x3F96] =	sst s3  }
0xc: {  	[smem:$0x3F97] =	sst s4  }
0xd: {  	[smem:$0x3F98] =	sst s5  }
0xe: {  	[smem:$0x3F99] =	sst s6  }
0xf: {  	[smem:$0x3F9A] =	sst s7  }
0x10: {  	[smem:$0x3F9B] =	sst s8  }
0x11: {  	[smem:$0x3F9C] =	sst s9;
	s0 =	simm.s32 @!p0 $0x0  }
0x12: {  	s1 =	sld [smem:$0x3F82];
	s0 =	simm.s32 @p0 $0x1  }
0x13: {  	[smem:$0x3F9D] =	sst s0;
	s0 =	simm.s32 @!p1 $0x0  }
0x14: {  	s2 =	sld [smem:$0x3F81];
	s0 =	simm.s32 @p1 $0x1  }
0x15: {  	[smem:$0x3F9E] =	sst s0;
	s0 =	simm.s32 @!p2 $0x0  }
0x16: {  	s3 =	sld [smem:$0x3FDB];
	s0 =	simm.s32 @p2 $0x1  }
0x17: {  	s4 =	simm.s32 $0x1BF5;
	[smem:$0x3FA0] =	sst s0  }
0x18: {  	s0 =	sld [smem:$0x3F83];
	_ =	swait.ge [sflag:s4], $0x0  }
0x19: {  	s7 =	sld [smem:$0x3F84]  }
0x1a: {  	s8 =	sadd.s32 $0xFFFFE003, lr  }
0x1b: {  	s9 =	sadd.s32 $0xFFFFFEF7, lr;
	s5 =	simm.s32 $0xFFFFFFFF;
	p2 =	slt.u32 s8, $0xFFFFF086  }
0x1c: {  	p1 =	slt.u32 s9, $0xF7A;
	s5 =	simm.s32 @!p2 $0x0  }
0x1d: {  	s5 =	simm.s32 @p1 $0x1;
	p0 =	seq.s32 s7, s2  }
0x1e: {  	s7 =	smul.u32 @!p0 $0xF7A, s2;
	p2 =	seq.s32 @!p0 s5, $0x0  }
0x1f: {  	s9 =	smul.u32 $0xF7A, s1;
	s8 =	simm.s32 @!p0 $0x1BF5;
	p2 =	por !p2, p0  }
0x20: {  	[sflag:s8] =	ssyncset.s32 @!p0 $0xFFFFF086;
	s6 =	sadd.s32 @!p0 s3, s7;
	s7 =	simm.s32 @!p0 $0x108  }
0x21: {  	s3 =	sadd.s32 s3, s9;
	s6 =	sadd.s32 @!p0 $0x88, s6;
	s7 =	simm.s32 @p2 $0x1082  }
0x22: {  	[simem:s7], [sflag:s8] =	dma.local @!p0 [hbm:s6], $0xF7A  }
0x23: {  	s9 =	sor.u32 $0xD0000000, s2;
	s6 =	simm.s32 $0x108;
	_ =	swait.ge @!p0 [sflag:s8], $0x0  }
0x24: {  	s3 =	sadd.s32 $0x88, s3;
	s6 =	simm.s32 @!p1 $0x1082;
	[sflag:s4] =	ssyncset.s32 $0xFFFFF086  }
0x25: {  	[simem:s6], [sflag:s4] =	dma.local [hbm:s3], $0xF7A  }
0x26: {  	[smem:$0x3F84] =	sst s1;
	(tag) =	ssettag s2;
	_ =	strace s9  }
0x27: {  	s1 =	sld [smem:$0x3F94]  }
0x28: {  	s2 =	sld [smem:$0x3F95]  }
0x29: {  	s4 =	sld [smem:$0x3F97]  }
0x2a: {  	p0 =	seq.s32 s5, $0x0;
	s5 =	sld [smem:$0x3F98]  }
0x2b: {  	s6 =	sld [smem:$0x3F99]  }
0x2c: {  	s7 =	sld [smem:$0x3F9A]  }
0x2d: {  	s3 =	simm.s32 $0x108;
	s8 =	sld [smem:$0x3F9B]  }
0x2e: {  	s3 =	simm.s32 @!p0 $0x1082;
	s9 =	sld [smem:$0x3F9C]  }
0x2f: {  	lr =	sadd.s32 s0, s3;
	s0 =	sld [smem:$0x3F93]  }
0x30: {  	s3 =	sld [smem:$0x3F96]  }
0x31: {  	[smem:$0x3F9F] =	sst s10  }
0x32: {  	s10 =	sld [smem:$0x3F9D];
	_ =	sdelay $0x3  }
0x33: {  	p0 =	seq.s32 s10, $0x1;
	s10 =	sld [smem:$0x3F9F];
	_ =	sdelay $0x3  }
0x34: {  	[smem:$0x3F9F] =	sst s10  }
0x35: {  	s10 =	sld [smem:$0x3F9E];
	_ =	sdelay $0x3  }
0x36: {  	p1 =	seq.s32 s10, $0x1;
	s10 =	sld [smem:$0x3F9F];
	_ =	sdelay $0x3  }
0x37: {  	[smem:$0x3F9F] =	sst s10  }
0x38: {  	s10 =	sld [smem:$0x3FA0]  }
0x39: {  	_ = 	snop;
	(pc) =	sbr.ind lr, $3  }
0x3a: {  	_ = 	snop  }
0x3b: {  	_ = 	snop  }
0x3c: {  	p2 =	seq.s32 s10, $0x1;
	s10 =	sld [smem:$0x3F9F]  }
0x3d: {  	_ =	shalt  }
0x3e: {  	_ =	shalt  }
0x3f: {  	_ =	shalt  }
0x40: {  	_ =	shalt  }
0x41: {  	_ =	shalt  }
0x42: {  	_ =	shalt  }
0x43: {  	_ =	shalt  }
0x44: {  	_ =	shalt  }
0x45: {  	_ =	shalt  }
0x46: {  	_ =	shalt  }
0x47: {  	_ =	shalt  }
0x48: {  	_ =	shalt  }
0x49: {  	_ =	shalt  }
0x4a: {  	_ =	shalt  }
0x4b: {  	_ =	shalt  }
0x4c: {  	_ =	shalt  }
0x4d: {  	_ =	shalt  }
0x4e: {  	_ =	shalt  }
0x4f: {  	_ =	shalt  }
0x50: {  	_ =	shalt  }
0x51: {  	_ =	shalt  }
0x52: {  	_ =	shalt  }
0x53: {  	_ =	shalt  }
0x54: {  	_ =	shalt  }
0x55: {  	_ =	shalt  }
0x56: {  	_ =	shalt  }
0x57: {  	_ =	shalt  }
0x58: {  	_ =	shalt  }
0x59: {  	_ =	shalt  }
0x5a: {  	_ =	shalt  }
0x5b: {  	_ =	shalt  }
0x5c: {  	_ =	shalt  }
0x5d: {  	_ =	shalt  }
0x5e: {  	_ =	shalt  }
0x5f: {  	_ =	shalt  }
0x60: {  	_ =	shalt  }
0x61: {  	_ =	shalt  }
0x62: {  	_ =	shalt  }
0x63: {  	_ =	shalt  }
0x64: {  	_ =	shalt  }
0x65: {  	_ =	shalt  }
0x66: {  	_ =	shalt  }
0x67: {  	_ =	shalt  }
0x68: {  	_ =	shalt  }
0x69: {  	_ =	shalt  }
0x6a: {  	_ =	shalt  }
0x6b: {  	_ =	shalt  }
0x6c: {  	_ =	shalt  }
0x6d: {  	_ =	shalt  }
0x6e: {  	_ =	shalt  }
0x6f: {  	_ =	shalt  }
0x70: {  	_ =	shalt  }
0x71: {  	_ =	shalt  }
0x72: {  	_ =	shalt  }
0x73: {  	_ =	shalt  }
0x74: {  	_ =	shalt  }
0x75: {  	_ =	shalt  }
0x76: {  	_ =	shalt  }
0x77: {  	_ =	shalt  }
0x78: {  	_ =	shalt  }
0x79: {  	_ =	shalt  }
0x7a: {  	_ =	shalt  }
0x7b: {  	_ =	shalt  }
0x7c: {  	_ =	shalt  }
0x7d: {  	_ =	shalt  }
0x7e: {  	_ =	shalt  }
0x7f: {  	_ =	shalt  }
0x80: {  	_ =	shalt  }
0x81: {  	_ =	shalt  }
0x82: {  	_ =	shalt  }
0x83: {  	_ =	shalt  }
0x84: {  	_ =	shalt  }
0x85: {  	_ =	shalt  }
0x86: {  	_ =	shalt  }
0x87: {  	_ =	shalt  }
.Lfunc_end0:
.L_simem_size_0:
called_computation.2_lowered:
.L_overlay_start_0:
0x88: {  	s2 =	sld [smem:$0x3FD9]  }
0x89: {  	s3 =	sld [smem:$0x3FFE];
	_ =	sdelay $0x1  }
0x8a: {  	s1 =	srdreg.scid  }
0x8b: {  	s0 =	sand.u32 $0x1, s1  }
0x8c: {  	s17 =	sshll.u32 s0, $0xA;
	s2 =	sadd.s32 s3, s2  }
0x8d: {  	s2 =	sadd.s32 s2, s17  }
0x8e: {  	[smem:$0x3FAB] =	sst s2  }
0x8f: {  	_ = 	snop  }
0x90: {  	(tm) =	ssettm $0x1  }
0x91: {  	s18 =	sld [smem:$0x3FFB];
	_ =	sdelay $0x3  }
0x92: {  	_ =	strace s18  }
0x93: {  	s2 =	sld [smem:$0x3FFC];
	_ =	sdelay $0x3  }
0x94: {  	_ =	strace s2  }
0x95: {  	s2 =	sld [smem:$0x3FFD];
	_ =	sdelay $0x3  }
0x96: {  	_ =	strace s2  }
0x97: {  	_ =	strace $0x8FFFFFFF  }
0x98: {  	s19 =	sld [smem:$0x3FDB];
	_ =	sdelay $0x1  }
0x99: {  	s20 =	simm.s32 $_scs_section_size  }
0x9a: {  	s4 =	simm.s32 $_size__tile_overlayer_lowered;
	s5 =	simm.s32 $_tile_overlayer_lowered  }
0x9b: {  	s6 =	simm.s32 $0x1BFF;
	s21 =	sshll.u32 s5, $0x1;
	s3 =	sadd.s32 s20, s19  }
0x9c: {  	s22 =	simm.s32 $0x0;
	s4 =	sshll.u32 s4, $0x1;
	s5 =	sadd.s32 s21, s3  }
0x9d: {  	[timem:s22], [sflag:s6] =	dma.local [hbm:s5], s4  }
0x9e: {  	_ =	swait.ge [sflag:s6], s4  }
0x9f: {  	s4 =	ssub.s32 $0x0, s4;
	[sflag:s6] =	ssyncset.done $0x0  }
0xa0: {  	[sflag:s6] =	ssyncadd.s32 s4;
	_ =	sdelay $0x1  }
0xa1: {  	s23 =	simm.s32 $0x1B8B  }
0xa2: {  	_ =	swait.ge [sflag:s23], $0x1  }
0xa3: {  	[sflag:s23] =	ssyncset.done $0x0  }
0xa4: {  	[sflag:s23] =	ssyncadd.s32 $0xFFFFFFFF  }
0xa5: {  	s4 =	sld [smem:$0x0]  }
0xa6: {  	s5 =	sand.u32 $0xFFFFFFFE, s1  }
0xa7: {  	p0 =	sne.s32 s1, s5  }
0xa8: {  	s5 =	sshll.u32 @p0 s5, $0xE  }
0xa9: {  	s5 =	sadd.s32 @p0 $0x11B8D, s5;
	s6 =	sshll.u32 @p0 s4, $0x11  }
0xaa: {  	s5 =	sor.u32 @p0 s6, s5  }
0xab: {  	[sflag:s5] =	ssyncadd.remote.s32 @p0 $0x1;
	_ =	sdelay $0x1  }
0xac: {  	s5 =	simm.s32 @p0 $0x1B8D  }
0xad: {  	_ =	swait.eq @p0 [sflag:s5], $0x1  }
0xae: {  	[sflag:s5] =	ssyncadd.s32 @p0 $0xFFFFFFFF  }
0xaf: {  	s6 =	sshll.u32 @!p0 s1, $0xE  }
0xb0: {  	s6 =	sor.u32 @!p0 $0x4000, s6;
	s5 =	simm.s32 @!p0 $0x1B8D  }
0xb1: {  	s4 =	sshll.u32 @!p0 s4, $0x11;
	s6 =	sadd.s32 @!p0 $0x11B8D, s6;
	_ =	swait.eq @!p0 [sflag:s5], $0x1  }
0xb2: {  	s4 =	sor.u32 @!p0 s4, s6;
	[sflag:s5] =	ssyncadd.s32 @!p0 $0xFFFFFFFF  }
0xb3: {  	s25 =	simm.s32 $0x1B8E;
	s24 =	sld [smem:$0x3FFE];
	[sflag:s4] =	ssyncadd.remote.s32 @!p0 $0x1  }
0xb4: {  	s26 =	simm.s32 $execute0_lowered;
	[smem:$0x3FD2] =	sst s25  }
0xb5: {  	s5 =	sshll.u32 s26, $0x1;
	_ =	strace $0x8000004C;
	[dreg:$0x1] =	wrdreg $0xFFFFFFFF  }
0xb6: {  	s28 =	simm.s32 $_size_execute0_lowered;
	s3 =	sadd.s32 s3, s5;
	[dreg:$0x0] =	wrdreg $0x0  }
0xb7: {  	s5 =	sshll.u32 s28, $0x1;
	[dreg:$0x2] =	wrdreg s3  }
0xb8: {  	[dreg:$0x3] =	wrdreg s5  }
0xb9: {  	[dreg:$0x4] =	wrdreg $0xC0  }
0xba: {  	_ =	task [dreg:s22], $0x5FFFF  }
0xbb: {  	[dreg:$0x1] =	wrdreg $0xFFFFFFFF  }
0xbc: {  	[dreg:$0x0] =	wrdreg $0x60  }
0xbd: {  	[dreg:$0x2] =	wrdreg s24  }
0xbe: {  	[dreg:$0x3] =	wrdreg $0xA8000  }
0xbf: {  	[dreg:$0x4] =	wrdreg $0xA  }
0xc0: {  	_ =	task.clear_ibuf [dreg:s22], $0x5FFFF;
	_ =	strace $0x9000004C  }
0xc1: {  	s29 =	simm.s32 $0xA;
	_ =	strace $0x8000004E  }
0xc2: {  	_ =	swait.ge [sflag:s29], $0x1  }
0xc3: {  	[sflag:s29] =	ssyncadd.s32 $0xFFFFFFFF  }
0xc4: {  	_ =	strace $0x9000004E  }
0xc5: {  	_ =	sfence  }
0xc6: {  	s30 =	sld [smem:$0x0];
	_ =	sdelay $0x2  }
0xc7: {  	s31 =	sshll.u32 s1, $0xD;
	s1 =	sshrl.u32 s1, $0x2  }
0xc8: {  	s4 =	sand.u32 $0x4000, s31;
	s1 =	sadd.s32 s1, s30  }
0xc9: {  	s0 =	sor.u32 s4, s0;
	s1 =	sshll.u32 s1, $0x11  }
0xca: {  	s0 =	sor.u32 s1, s0  }
0xcb: {  	s0 =	sadd.s32 $0x8F2B, s0  }
0xcc: {  	[sflag:s0] =	ssyncadd.remote.s32 $0x1  }
0xcd: {  	_ =	sfence.sel $0xFFFF  }
0xce: {  	[dreg:$0x0] =	wrdreg $0xFFFFFFFF;
	(pc) =	sbr.abs _section_cstart, $3  }
0xcf: {  	[dreg:$0x1] =	wrdreg $0xFFFFFFFF  }
0xd0: {  	_ =	task.clear_ibuf [dreg:s22], $0x2FFFF;
	_ =	strace $0x9FFFFFFF  }
0xd1: {  	(tm) =	ssettm $0x7FFFFFFF  }
tec
execute0_lowered:
.L_overlay_start_1:
0x0: {  	(tag) =	ssettag $0x1  }
0x1: {  	s13 =	rddreg [dreg:$0x0]  }
0x2: {  	s1 =	rddreg [dreg:$0x1]  }
0x3: {  	s0 =	rddreg [dreg:$0x2]  }
0x4: {  	s2 =	simm.s32 $0x0;
	s4 =	srdreg.scid;
	s3 =	stileid.u32  }
0x5: {  	s18 =	simm.s32 $0x183200;
	s19 =	simm.s32 $0x80;
	s20 =	simm.s32 $0x2800  }
0x6: {  	s21 =	simm.s32 $0x3;
	s22 =	simm.s32 $0x2;
	s23 =	simm.s32 $0x6800  }
0x7: {  	s24 =	simm.s32 $0x4;
	s25 =	simm.s32 $0x2780;
	[smem:$0x7FF] =	sst s2  }
0x8: {  	s10 =	sadd.s32 $0x106200, s13;
	s11 =	sadd.s32 $0x101200, s13;
	s12 =	sand.u32 $0x1, s4  }
0x9: {  	s4 =	sadd.s32 $0x62E00, s13;
	s8 =	smul.u32 $0x50000, s3;
	s5 =	sadd.s32 $0x8A000, s13  }
0xa: {  	s6 =	sadd.s32 $0x60600, s13;
	s28 =	smul.u32 $0x500, s3;
	s29 =	sshll.u32 s3, $0x6  }
0xb: {  	s16 =	smul.u32 $0x2800, s3;
	_ =	strace $0x8000004D;
	s7 =	ssub.s32 $0x2, s12  }
0xc: {  	p1 =	seq.s32 s12, $0x1;
	p0 =	seq.s32 s12, $0x0;
	s12 =	smov.u32 s5  }
0xd: {  	s9 =	sshrl.u32 s7, $0x1;
	s26 =	sshrl.u32 s8, $0x2;
	s8 =	sadd.s32 s10, s28  }
0xe: {  	s17 =	sshrl.u32 s16, $0x3;
	s18 =	simm.s32 @!p1 $0x15B200;
	s12 =	smov.u32 @p0 s4  }
0xf: {  	s14 =	ssub.s32 s7, s9;
	s15 =	sadd.s32 s26, s1;
	s7 =	sor.u32 $0x1C05, s29  }
0x10: {  	s9 =	sadd.s32 s11, s28;
	s30 =	sadd.s32 $0x280, s17;
	s31 =	sadd.s32 s18, s13  }
0x11: {  	s17 =	simm.s32 $0x1400;
	s18 =	simm.s32 $0x1;
	s26 =	simm.s32 $0x0  }
0x12: {  	s10 =	sadd.s32 s10, s30;
	s11 =	sadd.s32 s11, s30;
	s13 =	smax.u32 s14, $0x1  }
0x13: {  	s14 =	sadd.s32 s31, s16;
	s15 =	sshrl.u32 s15, $0x3;
	s16 =	simm.s32 $0x5  }
.LBB2_1:
0x14: {  	[spmem:s15], [sflag:s7] =	dma.local [hbm:s6], $0x2800  }
0x15: {  	_ =	swait.ge [sflag:s16], $0x2800  }
0x16: {  	[sflag:s16] =	ssyncset.done $0x0  }
0x17: {  	[sflag:s16] =	ssyncadd.s32 $0xFFFFD800  }
0x18: {  	[bflag:$0x0] =	sbarrier.arrive $0xFFFF  }
0x19: {  	[tilespmem:s2], [sflag:$0x5] =	stream.linear.gather [hbm4b:s8+s2], $0x1400, $0x38;
	[tilespmem:$0x1E800] =	vst v63  }
0x1a: {  	_ =	swait.ge [sflag:s16], $0x1400  }
0x1b: {  	[sflag:s16] =	ssyncset.done $0x0  }
0x1c: {  	[sflag:s16] =	ssyncadd.s32 $0xFFFFEC00  }
0x1d: {  	[tilespmem:s17], [sflag:$0x5] =	stream.linear.gather [hbm4b:s9+s2], $0x1400, $0x38;
	[tilespmem:$0x1E800] =	vst v63  }
0x1e: {  	_ =	swait.ge [sflag:s16], $0x1400  }
0x1f: {  	s28 =	simm.s32 @p0 $0x80;
	[sflag:s16] =	ssyncset.done $0x0  }
0x20: {  	s29 =	simm.s32 @p0 $0x0;
	s30 =	simm.s32 @p0 $0x2800;
	[sflag:s16] =	ssyncadd.s32 $0xFFFFEC00  }
0x21: {  	[tilespmem:s30], [sflag:$0x1] =	stream.indirect.gather @p0 [hbm4b:s4+s28], $0x80, s29, s28, $0xb8;
	[tilespmem:$0x1E800] =	vst v63  }
0x22: {  	s29 =	simm.s32 @p0 $0x6800  }
0x23: {  	[tilespmem:s29], [sflag:$0x2] =	stream.indirect.gather @p0 [hbm4b:s4+s28], $0x80, s28, s28, $0xb8;
	[tilespmem:$0x1E800] =	vst v63  }
0x24: {  	s30 =	simm.s32 @!p0 $0x2800;
	s28 =	simm.s32 @!p0 $0x80;
	s29 =	simm.s32 @!p0 $0x0  }
0x25: {  	[tilespmem:s30], [sflag:$0x1] =	stream.indirect.gather @!p0 [hbm4b:s5+s28], $0x80, s29, s28, $0xb8;
	[tilespmem:$0x1E800] =	vst v63  }
0x26: {  	s29 =	simm.s32 @!p0 $0x6800  }
0x27: {  	[tilespmem:s29], [sflag:$0x2] =	stream.indirect.gather @!p0 [hbm4b:s5+s28], $0x80, s28, s28, $0xb8;
	[tilespmem:$0x1E800] =	vst v63  }
0x28: {  	_ =	swait.ge [sflag:s18], $0x4000  }
0x29: {  	[sflag:s18] =	ssyncset.done $0x0  }
0x2a: {  	[sflag:s18] =	ssyncadd.s32 $0xFFFFC000  }
0x2b: {  	[spmem:s1] =	stream.indirect.scatter.add.f32 [tilespmem:s20], [sflag:$0x3], $0x80, s17, s19, $0xb8;
	[tilespmem:$0x1E800] =	vst v63  }
0x2c: {  	_ =	swait.ge [sflag:s21], $0x4000  }
0x2d: {  	[sflag:s21] =	ssyncset.done $0x0  }
0x2e: {  	s28 =	simm.s32 $0x100;
	[sflag:s21] =	ssyncadd.s32 $0xFFFFC000  }
0x2f: {  	[tilespmem:s20], [sflag:$0x1] =	stream.indirect.gather [hbm4b:s12+s19], $0x80, s28, s19, $0xb8;
	[tilespmem:$0x1E800] =	vst v63  }
0x30: {  	_ =	swait.ge [sflag:s22], $0x4000  }
0x31: {  	[sflag:s22] =	ssyncset.done $0x0  }
0x32: {  	s28 =	simm.s32 $0x1480;
	[sflag:s22] =	ssyncadd.s32 $0xFFFFC000  }
0x33: {  	[spmem:s1] =	stream.indirect.scatter.add.f32 [tilespmem:s23], [sflag:$0x4], $0x80, s28, s19, $0xb8;
	[tilespmem:$0x1E800] =	vst v63  }
0x34: {  	_ =	swait.ge [sflag:s24], $0x4000  }
0x35: {  	[sflag:s24] =	ssyncset.done $0x0  }
0x36: {  	s28 =	simm.s32 $0x180;
	[sflag:s24] =	ssyncadd.s32 $0xFFFFC000  }
0x37: {  	[tilespmem:s23], [sflag:$0x2] =	stream.indirect.gather [hbm4b:s12+s19], $0x80, s28, s19, $0xb8;
	[tilespmem:$0x1E800] =	vst v63  }
0x38: {  	_ =	swait.ge [sflag:s18], $0x4000  }
0x39: {  	[sflag:s18] =	ssyncset.done $0x0  }
0x3a: {  	s29 =	simm.s32 $0x1500;
	s28 =	simm.s32 $0xFFFFB800;
	[sflag:s18] =	ssyncadd.s32 $0xFFFFC000  }
.LBB2_2:
0x3b: {  	[spmem:s1] =	stream.indirect.scatter.add.f32 [tilespmem:s20], [sflag:$0x3], $0x80, s29, s19, $0xb8;
	[tilespmem:$0x1E800] =	vst v63  }
0x3c: {  	s29 =	smov.u32 s28  }
0x3d: {  	p1 =	sne.s32 s28, $0xFFFFFC00;
	s28 =	sadd.s32 $0x400, s28;
	_ =	swait.ge [sflag:s21], $0x4000  }
0x3e: {  	s29 =	sshra.s32 s29, $0x2;
	[sflag:s21] =	ssyncset.done $0x0  }
0x3f: {  	s30 =	sadd.s32 $0x1400, s29;
	[sflag:s21] =	ssyncadd.s32 $0xFFFFC000  }
0x40: {  	[tilespmem:s20], [sflag:$0x1] =	stream.indirect.gather [hbm4b:s12+s19], $0x80, s30, s19, $0xb8;
	[tilespmem:$0x1E800] =	vst v63  }
0x41: {  	_ =	swait.ge [sflag:s22], $0x4000  }
0x42: {  	[sflag:s22] =	ssyncset.done $0x0  }
0x43: {  	s30 =	sadd.s32 $0x2780, s29;
	[sflag:s22] =	ssyncadd.s32 $0xFFFFC000  }
0x44: {  	[spmem:s1] =	stream.indirect.scatter.add.f32 [tilespmem:s23], [sflag:$0x4], $0x80, s30, s19, $0xb8;
	[tilespmem:$0x1E800] =	vst v63  }
0x45: {  	_ =	swait.ge [sflag:s24], $0x4000  }
0x46: {  	[sflag:s24] =	ssyncset.done $0x0  }
.Ltmp0:
0x47: {  	s30 =	sadd.s32 $0x1480, s29;
	[sflag:s24] =	ssyncadd.s32 $0xFFFFC000;
	(pc) =	sbr.rel @p1 .LBB2_2-.Ltmp0, $4  }
0x48: {  	[tilespmem:s23], [sflag:$0x2] =	stream.indirect.gather [hbm4b:s12+s19], $0x80, s30, s19, $0xb8;
	[tilespmem:$0x1E800] =	vst v63  }
0x49: {  	_ =	swait.ge [sflag:s18], $0x4000  }
0x4a: {  	[sflag:s18] =	ssyncset.done $0x0  }
0x4b: {  	s29 =	sadd.s32 $0x2800, s29;
	[sflag:s18] =	ssyncadd.s32 $0xFFFFC000  }
0x4c: {  	[spmem:s1] =	stream.indirect.scatter.add.f32 [tilespmem:s20], [sflag:$0x3], $0x80, s29, s19, $0xb8;
	[tilespmem:$0x1E800] =	vst v63  }
0x4d: {  	_ =	swait.ge [sflag:s22], $0x4000  }
0x4e: {  	[sflag:s22] =	ssyncset.done $0x0  }
0x4f: {  	[sflag:s22] =	ssyncadd.s32 $0xFFFFC000  }
0x50: {  	[spmem:s1] =	stream.indirect.scatter.add.f32 [tilespmem:s23], [sflag:$0x4], $0x80, s25, s19, $0xb8;
	[tilespmem:$0x1E800] =	vst v63  }
0x51: {  	_ =	swait.ge [sflag:s21], $0x4000  }
0x52: {  	[sflag:s21] =	ssyncset.done $0x0  }
0x53: {  	[sflag:s21] =	ssyncadd.s32 $0xFFFFC000  }
0x54: {  	_ =	swait.ge [sflag:s24], $0x4000  }
0x55: {  	[sflag:s24] =	ssyncset.done $0x0  }
0x56: {  	[sflag:s24] =	ssyncadd.s32 $0xFFFFC000  }
0x57: {  	[tilespmem:s2], [sflag:$0x5] =	stream.linear.gather [hbm4b:s10+s2], $0x1400, $0x38;
	[tilespmem:$0x1E800] =	vst v63  }
0x58: {  	_ =	swait.ge [sflag:s16], $0x1400  }
0x59: {  	[sflag:s16] =	ssyncset.done $0x0  }
0x5a: {  	[sflag:s16] =	ssyncadd.s32 $0xFFFFEC00  }
0x5b: {  	[tilespmem:s17], [sflag:$0x5] =	stream.linear.gather [hbm4b:s11+s2], $0x1400, $0x38;
	[tilespmem:$0x1E800] =	vst v63  }
0x5c: {  	_ =	swait.ge [sflag:s16], $0x1400  }
0x5d: {  	s28 =	simm.s32 @p0 $0x80;
	[sflag:s16] =	ssyncset.done $0x0  }
0x5e: {  	s29 =	simm.s32 @p0 $0x0;
	s30 =	simm.s32 @p0 $0x2800;
	[sflag:s16] =	ssyncadd.s32 $0xFFFFEC00  }
0x5f: {  	[tilespmem:s30], [sflag:$0x1] =	stream.indirect.gather @p0 [hbm4b:s4+s28], $0x80, s29, s28, $0xb8;
	[tilespmem:$0x1E800] =	vst v63  }
0x60: {  	s29 =	simm.s32 @p0 $0x6800  }
0x61: {  	[tilespmem:s29], [sflag:$0x2] =	stream.indirect.gather @p0 [hbm4b:s4+s28], $0x80, s28, s28, $0xb8;
	[tilespmem:$0x1E800] =	vst v63  }
0x62: {  	s30 =	simm.s32 @!p0 $0x2800;
	s28 =	simm.s32 @!p0 $0x80;
	s29 =	simm.s32 @!p0 $0x0  }
0x63: {  	[tilespmem:s30], [sflag:$0x1] =	stream.indirect.gather @!p0 [hbm4b:s5+s28], $0x80, s29, s28, $0xb8;
	[tilespmem:$0x1E800] =	vst v63  }
0x64: {  	s29 =	simm.s32 @!p0 $0x6800  }
0x65: {  	[tilespmem:s29], [sflag:$0x2] =	stream.indirect.gather @!p0 [hbm4b:s5+s28], $0x80, s28, s28, $0xb8;
	[tilespmem:$0x1E800] =	vst v63  }
0x66: {  	_ =	swait.ge [sflag:s18], $0x4000  }
0x67: {  	[sflag:s18] =	ssyncset.done $0x0  }
0x68: {  	[sflag:s18] =	ssyncadd.s32 $0xFFFFC000  }
0x69: {  	[spmem:s1] =	stream.indirect.scatter.add.f32 [tilespmem:s20], [sflag:$0x3], $0x80, s17, s19, $0xb8;
	[tilespmem:$0x1E800] =	vst v63  }
0x6a: {  	_ =	swait.ge [sflag:s21], $0x4000  }
0x6b: {  	[sflag:s21] =	ssyncset.done $0x0  }
0x6c: {  	s28 =	simm.s32 $0x100;
	[sflag:s21] =	ssyncadd.s32 $0xFFFFC000  }
0x6d: {  	[tilespmem:s20], [sflag:$0x1] =	stream.indirect.gather [hbm4b:s12+s19], $0x80, s28, s19, $0xb8;
	[tilespmem:$0x1E800] =	vst v63  }
0x6e: {  	_ =	swait.ge [sflag:s22], $0x4000  }
0x6f: {  	[sflag:s22] =	ssyncset.done $0x0  }
0x70: {  	s28 =	simm.s32 $0x1480;
	[sflag:s22] =	ssyncadd.s32 $0xFFFFC000  }
0x71: {  	[spmem:s1] =	stream.indirect.scatter.add.f32 [tilespmem:s23], [sflag:$0x4], $0x80, s28, s19, $0xb8;
	[tilespmem:$0x1E800] =	vst v63  }
0x72: {  	_ =	swait.ge [sflag:s24], $0x4000  }
0x73: {  	[sflag:s24] =	ssyncset.done $0x0  }
0x74: {  	s28 =	simm.s32 $0x180;
	[sflag:s24] =	ssyncadd.s32 $0xFFFFC000  }
0x75: {  	[tilespmem:s23], [sflag:$0x2] =	stream.indirect.gather [hbm4b:s12+s19], $0x80, s28, s19, $0xb8;
	[tilespmem:$0x1E800] =	vst v63  }
0x76: {  	_ =	swait.ge [sflag:s18], $0x4000  }
0x77: {  	[sflag:s18] =	ssyncset.done $0x0  }
0x78: {  	s29 =	simm.s32 $0x1500;
	s28 =	simm.s32 $0xFFFFB800;
	[sflag:s18] =	ssyncadd.s32 $0xFFFFC000  }
.LBB2_4:
0x79: {  	[spmem:s1] =	stream.indirect.scatter.add.f32 [tilespmem:s20], [sflag:$0x3], $0x80, s29, s19, $0xb8;
	[tilespmem:$0x1E800] =	vst v63  }
0x7a: {  	s29 =	smov.u32 s28  }
0x7b: {  	p1 =	sne.s32 s28, $0xFFFFFC00;
	s28 =	sadd.s32 $0x400, s28;
	_ =	swait.ge [sflag:s21], $0x4000  }
0x7c: {  	s29 =	sshra.s32 s29, $0x2;
	[sflag:s21] =	ssyncset.done $0x0  }
0x7d: {  	s30 =	sadd.s32 $0x1400, s29;
	[sflag:s21] =	ssyncadd.s32 $0xFFFFC000  }
0x7e: {  	[tilespmem:s20], [sflag:$0x1] =	stream.indirect.gather [hbm4b:s12+s19], $0x80, s30, s19, $0xb8;
	[tilespmem:$0x1E800] =	vst v63  }
0x7f: {  	_ =	swait.ge [sflag:s22], $0x4000  }
0x80: {  	[sflag:s22] =	ssyncset.done $0x0  }
0x81: {  	s30 =	sadd.s32 $0x2780, s29;
	[sflag:s22] =	ssyncadd.s32 $0xFFFFC000  }
0x82: {  	[spmem:s1] =	stream.indirect.scatter.add.f32 [tilespmem:s23], [sflag:$0x4], $0x80, s30, s19, $0xb8;
	[tilespmem:$0x1E800] =	vst v63  }
0x83: {  	_ =	swait.ge [sflag:s24], $0x4000  }
0x84: {  	[sflag:s24] =	ssyncset.done $0x0  }
.Ltmp1:
0x85: {  	s30 =	sadd.s32 $0x1480, s29;
	[sflag:s24] =	ssyncadd.s32 $0xFFFFC000;
	(pc) =	sbr.rel @p1 .LBB2_4-.Ltmp1, $4  }
0x86: {  	[tilespmem:s23], [sflag:$0x2] =	stream.indirect.gather [hbm4b:s12+s19], $0x80, s30, s19, $0xb8;
	[tilespmem:$0x1E800] =	vst v63  }
0x87: {  	_ =	swait.ge [sflag:s18], $0x4000  }
0x88: {  	[sflag:s18] =	ssyncset.done $0x0  }
0x89: {  	s29 =	sadd.s32 $0x2800, s29;
	[sflag:s18] =	ssyncadd.s32 $0xFFFFC000  }
0x8a: {  	[spmem:s1] =	stream.indirect.scatter.add.f32 [tilespmem:s20], [sflag:$0x3], $0x80, s29, s19, $0xb8;
	[tilespmem:$0x1E800] =	vst v63  }
0x8b: {  	_ =	swait.ge [sflag:s22], $0x4000  }
0x8c: {  	[sflag:s22] =	ssyncset.done $0x0  }
0x8d: {  	[sflag:s22] =	ssyncadd.s32 $0xFFFFC000  }
0x8e: {  	[spmem:s1] =	stream.indirect.scatter.add.f32 [tilespmem:s23], [sflag:$0x4], $0x80, s25, s19, $0xb8;
	[tilespmem:$0x1E800] =	vst v63  }
0x8f: {  	_ =	swait.ge [sflag:s21], $0x4000  }
0x90: {  	[sflag:s21] =	ssyncset.done $0x0  }
0x91: {  	[sflag:s21] =	ssyncadd.s32 $0xFFFFC000  }
0x92: {  	_ =	swait.ge [sflag:s24], $0x4000  }
0x93: {  	s26 =	sadd.s32 $0x1, s26;
	[sflag:s24] =	ssyncset.done $0x0  }
0x94: {  	p1 =	sne.s32 s26, s13;
	[sflag:s24] =	ssyncadd.s32 $0xFFFFC000  }
.Ltmp2:
0x95: {  	[bflag:$0x0] =	sbarrier.arrive $0xFFFF;
	(pc) =	sbr.rel @p1 .LBB2_1-.Ltmp2, $4  }
0x96: {  	[hbm:s14], [sflag:s7] =	dma.local [spmem:s15], $0x2800  }
0x97: {  	_ =	swait.ge [sflag:s16], $0x2800  }
0x98: {  	[sflag:s16] =	ssyncset.done $0x0  }
0x99: {  	[sflag:s16] =	ssyncadd.s32 $0xFFFFD800  }
0x9a: {  	_ =	sfence.sel $0x180000  }
0x9b: {  	[bflag:$0x0] =	sbarrier.arrive $0xFFFF  }
0x9c: {  	p0 =	sne.s32 s3, $0x0;
	_ =	strace $0x9000004D  }
0x9d: {  	s0 =	sadd.s32 @!p0 $0x100000, s0;
	[bflag:$0x2] =	sbarrier.arrive $0xFFFF  }
0x9e: {  	[sflag:s0] =	ssyncadd.tile.s32 @!p0 $0x1;
	_ =	shalt  }
.Lfunc_end2:
_tile_overlayer_lowered:
.L_overlay_start_2:
0x9f: {  	(tag) =	ssettag $0x2  }
0xa0: {  	s0 =	rddreg [dreg:$0x0];
	s2 =	stileid.u32  }
0xa1: {  	s1 =	rddreg [dreg:$0x1];
	p0 =	sne.s32 s2, $0x0  }
0xa2: {  	s3 =	rddreg [dreg:$0x2];
	[bflag:$0x3] =	sbarrier.arrive $0xFFFF;
	s2 =	simm.s32 @!p0 $0x1C05  }
0xa3: {  	[timem:s3], [sflag:s2] =	dma.local @!p0 [hbm:s0], s1  }
0xa4: {  	s0 =	simm.s32 @!p0 $0x5  }
0xa5: {  	_ =	swait.ge @!p0 [sflag:s0], s1  }
0xa6: {  	s1 =	ssub.s32 @!p0 $0x0, s1;
	[sflag:s0] =	ssyncset.done @!p0 $0x0  }
0xa7: {  	[sflag:s0] =	ssyncadd.s32 @!p0 s1  }
0xa8: {  	[bflag:$0x3] =	sbarrier.arrive $0xFFFF  }
0xa9: {  	_ =	shalt  }

</sc_bundles>
